<compile_context>
chip_gen: v7x
topology: tpu7x:2x2x1
jax: 0.10.2.dev20260603
libtpu: 0.0.44.dev20260713+nightly
codegen_flags: <defaults>
</compile_context>

<pallas_src>
import functools

import jax
import jax.numpy as jnp
from jax import lax
from jax.experimental import pallas as pl
from jax.experimental.pallas import tpu as pltpu
from jax.experimental.pallas import tpu_sc as plsc

N_SRC = 4
N_TGT = 256
NV = 100
NL = 47
NLP = 48
TVP = 112
NKP = 64
I32MAX = 2**31 - 1


def _vperm(x, idx16):
    return lax.gather(
        x, idx16[:, None],
        lax.GatherDimensionNumbers(offset_dims=(), collapsed_slice_dims=(0,),
                                   start_index_map=(0,)),
        (1,), mode=lax.GatherScatterMode.PROMISE_IN_BOUNDS)


def _pack_views(A, F, C, E):
    n = A.shape[0]
    return jnp.concatenate(
        [A.reshape(n, NV, 35), F.reshape(n, NV, 10),
         C.reshape(n, NV, 1), E.reshape(n, NV, 1),
         jnp.zeros((n, NV, 1), jnp.int32)], axis=-1)


def _lfd_sc(q8, src, tgt, align):
    info = plsc.get_sparse_core_info()
    nw = info.num_cores * info.num_subcores
    jpw = tgt.shape[0] // nw
    mesh = plsc.VectorSubcoreMesh(core_axis_name="c", subcore_axis_name="s")

    nj = tgt.shape[0]

    @functools.partial(
        pl.kernel,
        out_type=jax.ShapeDtypeStruct((nw, N_SRC, jpw, 16), jnp.int32),
        mesh=mesh,
        compiler_params=pltpu.CompilerParams(use_tc_tiling_on_sc=False,
                                             needs_layout_passes=False),
        scratch_types=[
            pltpu.VMEM((65536,), jnp.float32),
            pltpu.VMEM((N_SRC, NV, NLP), jnp.int32),
            pltpu.VMEM((NLP, TVP), jnp.int32),
            pltpu.VMEM((10, NKP), jnp.int32),
            pltpu.VMEM((NV * TVP,), jnp.int32),
            pltpu.VMEM((NV * TVP,), jnp.float32),
            pltpu.VMEM((N_SRC, jpw, 16), jnp.int32),
        ],
    )
    def k(q8_hbm, src_hbm, tgt_hbm, align_hbm, out_hbm,
          q_v, src_v, tgt_v, align_v, cost_v, part_v, res_v):
        wid = lax.axis_index("s") * info.num_cores + lax.axis_index("c")
        pltpu.sync_copy(q8_hbm, q_v)
        pltpu.sync_copy(src_hbm, src_v)
        pltpu.sync_copy(align_hbm, align_v)

        lane_sel = [jnp.full((16,), m, jnp.int32) for m in range(16)]

        def per_j(jloc, _):
            pltpu.sync_copy(tgt_hbm.at[wid * jpw + jloc], tgt_v)

            def per_i(i, _):
                def per_tb(tb, _):
                    col = pl.ds(tb * 16, 16)
                    for c in range(3):
                        ls = range(16 * c, min(16 * c + 16, NL))
                        t_vec = {l: tgt_v[l, col] for l in ls}

                        @plsc.parallel_loop(0, NV, 1, unroll=2)
                        def per_sv(sv, c=c, ls=ls, t_vec=t_vec):
                            sa = src_v[i, sv, pl.ds(c * 16, 16)]
                            a1 = [jnp.zeros((16,), jnp.float32)
                                  for _ in range(2)]
                            a2 = [jnp.zeros((16,), jnp.float32)
                                  for _ in range(2)]
                            n1 = n2 = 0
                            for l in ls:
                                row = _vperm(sa, lane_sel[l % 16])
                                g = plsc.load_gather(q_v, [row + t_vec[l]])
                                if 35 <= l <= 45:
                                    a2[n2 % 2] = a2[n2 % 2] + g
                                    n2 += 1
                                else:
                                    a1[n1 % 2] = a1[n1 % 2] + g
                                    n1 += 1
                            w = (a1[0] + a1[1]) + 2.0 * (a2[0] + a2[1])
                            sl = pl.ds(sv * TVP + tb * 16, 16)
                            if c == 0:
                                part_v[sl] = w
                            elif c == 1:
                                part_v[sl] = part_v[sl] + w
                            else:
                                cost_v[sl] = (
                                    part_v[sl] + w).astype(jnp.int32)
                    return 0

                lax.fori_loop(0, TVP // 16, per_tb, 0)

                minv = jnp.full((16,), I32MAX, jnp.int32)
                for kb in range(NKP // 16):
                    a_vec = [align_v[dd, pl.ds(kb * 16, 16)]
                             for dd in range(10)]

                    @plsc.parallel_loop(0, NV, 1, unroll=2, carry=minv)
                    def per_st(st, mv):
                        s1 = st // 10
                        t1 = st % 10
                        pa = [jnp.zeros((16,), jnp.int32) for _ in range(2)]
                        for dd in range(10):
                            base = jnp.full(
                                (16,), (s1 * 10 + dd) * TVP + t1 * 10,
                                jnp.int32)
                            pa[dd % 2] = pa[dd % 2] + plsc.load_gather(
                                cost_v, [base + a_vec[dd]])
                        return jnp.minimum(mv, pa[0] + pa[1])

                    minv = per_st

                m = lax.reduce_min(minv, (0,))
                res_v[i, jloc, :] = jnp.full((16,), m, jnp.int32)
                return 0

            lax.fori_loop(0, N_SRC, per_i, 0)
            return 0

        lax.fori_loop(0, jpw, per_j, 0)
        pltpu.sync_copy(res_v, out_hbm.at[wid])

    out = k(q8, src, tgt, align)
    return jnp.transpose(out[:, :, :, 0], (1, 0, 2)).reshape(N_SRC, nj)


def kernel(q8_table, align_10, src_ArtCoeff, src_FdCoeff_q8, src_CirCoeff_q8,
           src_EccCoeff_q8, tgt_ArtCoeff, tgt_FdCoeff_q8, tgt_CirCoeff_q8,
           tgt_EccCoeff_q8):
    src = _pack_views(src_ArtCoeff, src_FdCoeff_q8,
                      src_CirCoeff_q8, src_EccCoeff_q8) * 256
    tgtp = _pack_views(tgt_ArtCoeff, tgt_FdCoeff_q8,
                       tgt_CirCoeff_q8, tgt_EccCoeff_q8)
    tgt = jnp.zeros((N_TGT, NLP, TVP), jnp.int32)
    tgt = tgt.at[:, :, :NV].set(jnp.transpose(tgtp, (0, 2, 1)))
    align = jnp.concatenate(
        [align_10[:, :10].T,
         jnp.broadcast_to(align_10[0, :10][:, None], (10, NKP - 60))],
        axis=1).astype(jnp.int32)

    q8f = q8_table.reshape(-1)

    ndev = jax.device_count()
    nshard = 1
    for d in (8, 4, 2):
        if ndev >= d and N_TGT % (32 * d) == 0:
            nshard = d
            break
    if nshard > 1:
        import numpy as _np
        from jax.sharding import Mesh, PartitionSpec as P
        from jax.experimental.shard_map import shard_map
        mesh = Mesh(_np.array(jax.devices()[:nshard]), ("x",))
        fn = shard_map(_lfd_sc, mesh=mesh,
                       in_specs=(P(), P(), P("x"), P()),
                       out_specs=P(None, "x"), check_rep=False)
        return fn(q8f, src, tgt, align)
    return _lfd_sc(q8f, src, tgt, align)

# --- scband reference (transcript-rebuilt; emitter-appended) ---
"""Pipeline reference for scband-lfd-90486370993072 (READ-ONLY COPY).

The authoritative reference and input builder live on the scoring server;
editing this copy changes nothing except your own understanding.
"""

import jax, jax.numpy as jnp
import numpy as np

N_SRC = 4
N_TGT = 256

def setup_inputs(seed: int = 0) -> dict:
    key = jax.random.key(seed)
    ks = jax.random.split(key, 10)
    q8_table = jax.random.uniform(ks[0], (256, 256), dtype=jnp.float32)
    align_10 = jax.random.randint(ks[1], (60, 10), 0, 10, dtype=jnp.int32)
    src_ArtCoeff = jax.random.randint(ks[2], (N_SRC, 10, 10, 35), 0, 256, dtype=jnp.int32)
    src_FdCoeff_q8 = jax.random.randint(ks[3], (N_SRC, 10, 10, 10), 0, 256, dtype=jnp.int32)
    src_CirCoeff_q8 = jax.random.randint(ks[4], (N_SRC, 10, 10), 0, 256, dtype=jnp.int32)
    src_EccCoeff_q8 = jax.random.randint(ks[5], (N_SRC, 10, 10), 0, 256, dtype=jnp.int32)
    tgt_ArtCoeff = jax.random.randint(ks[6], (N_TGT, 10, 10, 35), 0, 256, dtype=jnp.int32)
    tgt_FdCoeff_q8 = jax.random.randint(ks[7], (N_TGT, 10, 10, 10), 0, 256, dtype=jnp.int32)
    tgt_CirCoeff_q8 = jax.random.randint(ks[8], (N_TGT, 10, 10), 0, 256, dtype=jnp.int32)
    tgt_EccCoeff_q8 = jax.random.randint(ks[9], (N_TGT, 10, 10), 0, 256, dtype=jnp.int32)
    return {"q8_table": q8_table, "align_10": align_10,
            "src_ArtCoeff": src_ArtCoeff, "src_FdCoeff_q8": src_FdCoeff_q8,
            "src_CirCoeff_q8": src_CirCoeff_q8, "src_EccCoeff_q8": src_EccCoeff_q8,
            "tgt_ArtCoeff": tgt_ArtCoeff, "tgt_FdCoeff_q8": tgt_FdCoeff_q8,
            "tgt_CirCoeff_q8": tgt_CirCoeff_q8, "tgt_EccCoeff_q8": tgt_EccCoeff_q8}

def _calculate_lfd_distance(q8_table, align_10, sA, sF, sC, sE, tA, tF, tC, tE):
    # src expanded on (new) dims 1,2 ; tgt expanded on (new) dims 3,4 -> cost [B,10,10,10,10]
    art = q8_table[sA[:, None, None, :, :, :], tA[:, :, :, None, None, :]]
    art_distance = jnp.sum(art, axis=-1)
    fd = q8_table[sF[:, None, None, :, :, :], tF[:, :, :, None, None, :]]
    fd_distance = jnp.sum(fd, axis=-1) * 2.0
    cir_distance = q8_table[sC[:, None, None, :, :], tC[:, :, :, None, None]] * 2.0
    ecc_distance = q8_table[sE[:, None, None, :, :], tE[:, :, :, None, None]]
    cost = art_distance + fd_distance + cir_distance + ecc_distance
    cost = jnp.transpose(cost, (0, 1, 3, 2, 4)).astype(jnp.int32)  # matches .long() truncation
    align_n = align_10[:, :10].reshape(-1)  # [600]
    # torch.gather with index constant over dims 0,1,2,4 == index_select along dim 3
    align_err = jnp.take(cost, align_n, axis=3)  # [B,10,10,600,10]
    align_err = align_err.reshape(cost.shape[0], cost.shape[1], cost.shape[2], 60, 10, 10)
    sum_diag = jnp.trace(align_err, axis1=-2, axis2=-1)  # [B,10,10,60]
    sum_diag = sum_diag.reshape(cost.shape[0], -1)
    return jnp.min(sum_diag, axis=-1)

def reference(q8_table, align_10, src_ArtCoeff, src_FdCoeff_q8, src_CirCoeff_q8, src_EccCoeff_q8, tgt_ArtCoeff, tgt_FdCoeff_q8, tgt_CirCoeff_q8, tgt_EccCoeff_q8):
    n = src_ArtCoeff.shape[0]
    m = tgt_ArtCoeff.shape[0]
    # original code chunks tgt in runs of 1000; with m <= 1000 this is a single run
    all_dist = []
    for i in range(n):
        sA = jnp.broadcast_to(src_ArtCoeff[i:i + 1], (m,) + src_ArtCoeff.shape[1:])
        sF = jnp.broadcast_to(src_FdCoeff_q8[i:i + 1], (m,) + src_FdCoeff_q8.shape[1:])
        sC = jnp.broadcast_to(src_CirCoeff_q8[i:i + 1], (m,) + src_CirCoeff_q8.shape[1:])
        sE = jnp.broadcast_to(src_EccCoeff_q8[i:i + 1], (m,) + src_EccCoeff_q8.shape[1:])
        d = _calculate_lfd_distance(q8_table, align_10, sA, sF, sC, sE,
                                    tgt_ArtCoeff, tgt_FdCoeff_q8, tgt_CirCoeff_q8, tgt_EccCoeff_q8)
        all_dist.append(d)
    return jnp.stack(all_dist, axis=0)  # [n, m] int32 distances

if __name__ == "__main__":
    import jax
    _d = setup_inputs()
    print(jax.jit(kernel)(*tuple(_d.values())))

</pallas_src>

<mosaic_0001>
#map = affine_map<(d0, d1) -> (0)>
#map1 = affine_map<(d0, d1) -> (0, 0, 0)>
#map2 = affine_map<(d0, d1) -> (0, 0)>
#map3 = affine_map<(d0, d1) -> (0, 0, 0, 0)>
module attributes {stable_mosaic.version = 14 : i64} {
  func.func @k(%arg0: i32, %arg1: i32, %arg2: memref<65536xf32, #tpu.memory_space<hbm>>, %arg3: memref<4x100x48xi32, #tpu.memory_space<hbm>>, %arg4: memref<256x48x112xi32, #tpu.memory_space<hbm>>, %arg5: memref<10x64xi32, #tpu.memory_space<hbm>>, %arg6: memref<32x4x8x16xi32, #tpu.memory_space<hbm>>, %arg7: memref<65536xf32, #tpu.memory_space<vmem>>, %arg8: memref<4x100x48xi32, #tpu.memory_space<vmem>>, %arg9: memref<48x112xi32, #tpu.memory_space<vmem>>, %arg10: memref<10x64xi32, #tpu.memory_space<vmem>>, %arg11: memref<11200xi32, #tpu.memory_space<vmem>>, %arg12: memref<11200xf32, #tpu.memory_space<vmem>>, %arg13: memref<4x8x16xi32, #tpu.memory_space<vmem>>) attributes {dimension_semantics = [#tpu.dimension_semantics<core_parallel>, #tpu.dimension_semantics<subcore_parallel>], iteration_bounds = array<i64: 2, 16>, scalar_prefetch = 0 : i64, scratch_operands = 7 : i64, tpu.core_type = #tpu.core_type<sc_vector_subcore>, window_params = [{transform_indices = #map}, {transform_indices = #map1}, {transform_indices = #map1}, {transform_indices = #map2}, {transform_indices = #map3}]} {
    %mul3A = arith.constant 2 : i32
    %mul3A_0 = arith.muli %arg1, %mul3A : i32
    %add3A = arith.addi %mul3A_0, %arg0 : i32
    "tpu.region"() ({
      %run_scoped3A = tpu.sem_alloc : memref<!tpu.dma_semaphore, #tpu.memory_space<semaphore_mem>>
      tpu.enqueue_dma source(%arg2 : memref<65536xf32, #tpu.memory_space<hbm>>) target(%arg7 : memref<65536xf32, #tpu.memory_space<vmem>>) target_semaphore(%run_scoped3A : memref<!tpu.dma_semaphore, #tpu.memory_space<semaphore_mem>>)
      tpu.wait_dma2 semaphore(%run_scoped3A : memref<!tpu.dma_semaphore, #tpu.memory_space<semaphore_mem>>) src(%arg2 : memref<65536xf32, #tpu.memory_space<hbm>>) dst(%arg7 : memref<65536xf32, #tpu.memory_space<vmem>>)
      tpu.yield
    }) : () -> ()
    "tpu.region"() ({
      %run_scoped3A = tpu.sem_alloc : memref<!tpu.dma_semaphore, #tpu.memory_space<semaphore_mem>>
      tpu.enqueue_dma source(%arg3 : memref<4x100x48xi32, #tpu.memory_space<hbm>>) target(%arg8 : memref<4x100x48xi32, #tpu.memory_space<vmem>>) target_semaphore(%run_scoped3A : memref<!tpu.dma_semaphore, #tpu.memory_space<semaphore_mem>>)
      tpu.wait_dma2 semaphore(%run_scoped3A : memref<!tpu.dma_semaphore, #tpu.memory_space<semaphore_mem>>) src(%arg3 : memref<4x100x48xi32, #tpu.memory_space<hbm>>) dst(%arg8 : memref<4x100x48xi32, #tpu.memory_space<vmem>>)
      tpu.yield
    }) : () -> ()
    "tpu.region"() ({
      %run_scoped3A = tpu.sem_alloc : memref<!tpu.dma_semaphore, #tpu.memory_space<semaphore_mem>>
      tpu.enqueue_dma source(%arg5 : memref<10x64xi32, #tpu.memory_space<hbm>>) target(%arg10 : memref<10x64xi32, #tpu.memory_space<vmem>>) target_semaphore(%run_scoped3A : memref<!tpu.dma_semaphore, #tpu.memory_space<semaphore_mem>>)
      tpu.wait_dma2 semaphore(%run_scoped3A : memref<!tpu.dma_semaphore, #tpu.memory_space<semaphore_mem>>) src(%arg5 : memref<10x64xi32, #tpu.memory_space<hbm>>) dst(%arg10 : memref<10x64xi32, #tpu.memory_space<vmem>>)
      tpu.yield
    }) : () -> ()
    %broadcast_in_dim3A = arith.constant 0 : i32
    %broadcast_in_dim3A_1 = vector.broadcast %broadcast_in_dim3A : i32 to vector<16xi32>
    %broadcast_in_dim3A_2 = arith.constant 1 : i32
    %broadcast_in_dim3A_3 = vector.broadcast %broadcast_in_dim3A_2 : i32 to vector<16xi32>
    %broadcast_in_dim3A_4 = arith.constant 2 : i32
    %broadcast_in_dim3A_5 = vector.broadcast %broadcast_in_dim3A_4 : i32 to vector<16xi32>
    %broadcast_in_dim3A_6 = arith.constant 3 : i32
    %broadcast_in_dim3A_7 = vector.broadcast %broadcast_in_dim3A_6 : i32 to vector<16xi32>
    %broadcast_in_dim3A_8 = arith.constant 4 : i32
    %broadcast_in_dim3A_9 = vector.broadcast %broadcast_in_dim3A_8 : i32 to vector<16xi32>
    %broadcast_in_dim3A_10 = arith.constant 5 : i32
    %broadcast_in_dim3A_11 = vector.broadcast %broadcast_in_dim3A_10 : i32 to vector<16xi32>
    %broadcast_in_dim3A_12 = arith.constant 6 : i32
    %broadcast_in_dim3A_13 = vector.broadcast %broadcast_in_dim3A_12 : i32 to vector<16xi32>
    %broadcast_in_dim3A_14 = arith.constant 7 : i32
    %broadcast_in_dim3A_15 = vector.broadcast %broadcast_in_dim3A_14 : i32 to vector<16xi32>
    %broadcast_in_dim3A_16 = arith.constant 8 : i32
    %broadcast_in_dim3A_17 = vector.broadcast %broadcast_in_dim3A_16 : i32 to vector<16xi32>
    %broadcast_in_dim3A_18 = arith.constant 9 : i32
    %broadcast_in_dim3A_19 = vector.broadcast %broadcast_in_dim3A_18 : i32 to vector<16xi32>
    %broadcast_in_dim3A_20 = arith.constant 10 : i32
    %broadcast_in_dim3A_21 = vector.broadcast %broadcast_in_dim3A_20 : i32 to vector<16xi32>
    %broadcast_in_dim3A_22 = arith.constant 11 : i32
    %broadcast_in_dim3A_23 = vector.broadcast %broadcast_in_dim3A_22 : i32 to vector<16xi32>
    %broadcast_in_dim3A_24 = arith.constant 12 : i32
    %broadcast_in_dim3A_25 = vector.broadcast %broadcast_in_dim3A_24 : i32 to vector<16xi32>
    %broadcast_in_dim3A_26 = arith.constant 13 : i32
    %broadcast_in_dim3A_27 = vector.broadcast %broadcast_in_dim3A_26 : i32 to vector<16xi32>
    %broadcast_in_dim3A_28 = arith.constant 14 : i32
    %broadcast_in_dim3A_29 = vector.broadcast %broadcast_in_dim3A_28 : i32 to vector<16xi32>
    %broadcast_in_dim3A_30 = arith.constant 15 : i32
    %broadcast_in_dim3A_31 = vector.broadcast %broadcast_in_dim3A_30 : i32 to vector<16xi32>
    %scan3A = arith.constant 0 : i32
    %scan3A_32 = arith.constant 0 : i32
    %scan3A_33 = arith.constant 8 : i32
    %scan3A_34 = arith.addi %scan3A_32, %scan3A_33 : i32
    %scan3A_35 = arith.constant 1 : i32
    %scan3A_36 = scf.for %scan3A_38 = %scan3A_32 to %scan3A_34 step %scan3A_35 iter_args(%scan3A_39 = %scan3A) -> (i32)  : i32 {
      %mul3A_40 = arith.constant 8 : i32
      %mul3A_41 = arith.muli %add3A, %mul3A_40 : i32
      %add3A_42 = arith.addi %mul3A_41, %scan3A_38 : i32
      "tpu.region"() ({
        %run_scoped3A = tpu.sem_alloc : memref<!tpu.dma_semaphore, #tpu.memory_space<semaphore_mem>>
        %dma_start3A = arith.constant 0 : i32
        %dma_start3A_51 = arith.constant 0 : i32
        %dma_start3A_52 = tpu.memref_slice %arg4[%add3A_42, %dma_start3A, %dma_start3A_51] : memref<256x48x112xi32, #tpu.memory_space<hbm>> -> memref<1x48x112xi32, #tpu.memory_space<hbm>>
        %dma_start3A_53 = tpu.memref_squeeze %dma_start3A_52 : memref<1x48x112xi32, #tpu.memory_space<hbm>> -> memref<48x112xi32, #tpu.memory_space<hbm>>
        %dma_start3A_54 = arith.constant 0 : i32
        %dma_start3A_55 = arith.constant 0 : i32
        %dma_start3A_56 = tpu.memref_slice %arg4[%add3A_42, %dma_start3A_54, %dma_start3A_55] : memref<256x48x112xi32, #tpu.memory_space<hbm>> -> memref<1x48x112xi32, #tpu.memory_space<hbm>>
        %dma_start3A_57 = tpu.memref_squeeze %dma_start3A_56 : memref<1x48x112xi32, #tpu.memory_space<hbm>> -> memref<48x112xi32, #tpu.memory_space<hbm>>
        tpu.enqueue_dma source(%dma_start3A_57 : memref<48x112xi32, #tpu.memory_space<hbm>>) target(%arg9 : memref<48x112xi32, #tpu.memory_space<vmem>>) target_semaphore(%run_scoped3A : memref<!tpu.dma_semaphore, #tpu.memory_space<semaphore_mem>>)
        %dma_wait3A = arith.constant 0 : i32
        %dma_wait3A_58 = arith.constant 0 : i32
        %dma_wait3A_59 = tpu.memref_slice %arg4[%add3A_42, %dma_wait3A, %dma_wait3A_58] : memref<256x48x112xi32, #tpu.memory_space<hbm>> -> memref<1x48x112xi32, #tpu.memory_space<hbm>>
        %dma_wait3A_60 = tpu.memref_squeeze %dma_wait3A_59 : memref<1x48x112xi32, #tpu.memory_space<hbm>> -> memref<48x112xi32, #tpu.memory_space<hbm>>
        %dma_wait3A_61 = arith.constant 0 : i32
        %dma_wait3A_62 = arith.constant 0 : i32
        %dma_wait3A_63 = tpu.memref_slice %arg4[%add3A_42, %dma_wait3A_61, %dma_wait3A_62] : memref<256x48x112xi32, #tpu.memory_space<hbm>> -> memref<1x48x112xi32, #tpu.memory_space<hbm>>
        %dma_wait3A_64 = tpu.memref_squeeze %dma_wait3A_63 : memref<1x48x112xi32, #tpu.memory_space<hbm>> -> memref<48x112xi32, #tpu.memory_space<hbm>>
        tpu.wait_dma2 semaphore(%run_scoped3A : memref<!tpu.dma_semaphore, #tpu.memory_space<semaphore_mem>>) src(%dma_wait3A_64 : memref<48x112xi32, #tpu.memory_space<hbm>>) dst(%arg9 : memref<48x112xi32, #tpu.memory_space<vmem>>)
        tpu.yield
      }) : () -> ()
      %scan3A_43 = arith.constant 0 : i32
      %scan3A_44 = arith.constant 0 : i32
      %scan3A_45 = arith.constant 4 : i32
      %scan3A_46 = arith.addi %scan3A_44, %scan3A_45 : i32
      %scan3A_47 = arith.constant 1 : i32
      %scan3A_48 = scf.for %scan3A_51 = %scan3A_44 to %scan3A_46 step %scan3A_47 iter_args(%scan3A_52 = %scan3A_43) -> (i32)  : i32 {
        %scan3A_53 = arith.constant 0 : i32
        %scan3A_54 = arith.constant 0 : i32
        %scan3A_55 = arith.constant 7 : i32
        %scan3A_56 = arith.addi %scan3A_54, %scan3A_55 : i32
        %scan3A_57 = arith.constant 1 : i32
        %scan3A_58 = scf.for %scan3A_248 = %scan3A_54 to %scan3A_56 step %scan3A_57 iter_args(%scan3A_249 = %scan3A_53) -> (i32)  : i32 {
          %mul3A_250 = arith.constant 16 : i32
          %mul3A_251 = arith.muli %scan3A_248, %mul3A_250 : i32
          %get3A_252 = arith.constant 0 : i32
          %get3A_253 = arith.index_cast %get3A_252 : i32 to index
          %get3A_254 = arith.index_cast %mul3A_251 : i32 to index
          %get3A_255 = tpu.vector_load %arg9[%get3A_253, %get3A_254] {strides = array<i32>} : memref<48x112xi32, #tpu.memory_space<vmem>>, vector<16xi32>,
          %get3A_256 = arith.constant 1 : i32
          %get3A_257 = arith.index_cast %get3A_256 : i32 to index
          %get3A_258 = arith.index_cast %mul3A_251 : i32 to index
          %get3A_259 = tpu.vector_load %arg9[%get3A_257, %get3A_258] {strides = array<i32>} : memref<48x112xi32, #tpu.memory_space<vmem>>, vector<16xi32>,
          %get3A_260 = arith.constant 2 : i32
          %get3A_261 = arith.index_cast %get3A_260 : i32 to index
          %get3A_262 = arith.index_cast %mul3A_251 : i32 to index
          %get3A_263 = tpu.vector_load %arg9[%get3A_261, %get3A_262] {strides = array<i32>} : memref<48x112xi32, #tpu.memory_space<vmem>>, vector<16xi32>,
          %get3A_264 = arith.constant 3 : i32
          %get3A_265 = arith.index_cast %get3A_264 : i32 to index
          %get3A_266 = arith.index_cast %mul3A_251 : i32 to index
          %get3A_267 = tpu.vector_load %arg9[%get3A_265, %get3A_266] {strides = array<i32>} : memref<48x112xi32, #tpu.memory_space<vmem>>, vector<16xi32>,
          %get3A_268 = arith.constant 4 : i32
          %get3A_269 = arith.index_cast %get3A_268 : i32 to index
          %get3A_270 = arith.index_cast %mul3A_251 : i32 to index
          %get3A_271 = tpu.vector_load %arg9[%get3A_269, %get3A_270] {strides = array<i32>} : memref<48x112xi32, #tpu.memory_space<vmem>>, vector<16xi32>,
          %get3A_272 = arith.constant 5 : i32
          %get3A_273 = arith.index_cast %get3A_272 : i32 to index
          %get3A_274 = arith.index_cast %mul3A_251 : i32 to index
          %get3A_275 = tpu.vector_load %arg9[%get3A_273, %get3A_274] {strides = array<i32>} : memref<48x112xi32, #tpu.memory_space<vmem>>, vector<16xi32>,
          %get3A_276 = arith.constant 6 : i32
          %get3A_277 = arith.index_cast %get3A_276 : i32 to index
          %get3A_278 = arith.index_cast %mul3A_251 : i32 to index
          %get3A_279 = tpu.vector_load %arg9[%get3A_277, %get3A_278] {strides = array<i32>} : memref<48x112xi32, #tpu.memory_space<vmem>>, vector<16xi32>,
          %get3A_280 = arith.constant 7 : i32
          %get3A_281 = arith.index_cast %get3A_280 : i32 to index
          %get3A_282 = arith.index_cast %mul3A_251 : i32 to index
          %get3A_283 = tpu.vector_load %arg9[%get3A_281, %get3A_282] {strides = array<i32>} : memref<48x112xi32, #tpu.memory_space<vmem>>, vector<16xi32>,
          %get3A_284 = arith.constant 8 : i32
          %get3A_285 = arith.index_cast %get3A_284 : i32 to index
          %get3A_286 = arith.index_cast %mul3A_251 : i32 to index
          %get3A_287 = tpu.vector_load %arg9[%get3A_285, %get3A_286] {strides = array<i32>} : memref<48x112xi32, #tpu.memory_space<vmem>>, vector<16xi32>,
          %get3A_288 = arith.constant 9 : i32
          %get3A_289 = arith.index_cast %get3A_288 : i32 to index
          %get3A_290 = arith.index_cast %mul3A_251 : i32 to index
          %get3A_291 = tpu.vector_load %arg9[%get3A_289, %get3A_290] {strides = array<i32>} : memref<48x112xi32, #tpu.memory_space<vmem>>, vector<16xi32>,
          %get3A_292 = arith.constant 10 : i32
          %get3A_293 = arith.index_cast %get3A_292 : i32 to index
          %get3A_294 = arith.index_cast %mul3A_251 : i32 to index
          %get3A_295 = tpu.vector_load %arg9[%get3A_293, %get3A_294] {strides = array<i32>} : memref<48x112xi32, #tpu.memory_space<vmem>>, vector<16xi32>,
          %get3A_296 = arith.constant 11 : i32
          %get3A_297 = arith.index_cast %get3A_296 : i32 to index
          %get3A_298 = arith.index_cast %mul3A_251 : i32 to index
          %get3A_299 = tpu.vector_load %arg9[%get3A_297, %get3A_298] {strides = array<i32>} : memref<48x112xi32, #tpu.memory_space<vmem>>, vector<16xi32>,
          %get3A_300 = arith.constant 12 : i32
          %get3A_301 = arith.index_cast %get3A_300 : i32 to index
          %get3A_302 = arith.index_cast %mul3A_251 : i32 to index
          %get3A_303 = tpu.vector_load %arg9[%get3A_301, %get3A_302] {strides = array<i32>} : memref<48x112xi32, #tpu.memory_space<vmem>>, vector<16xi32>,
          %get3A_304 = arith.constant 13 : i32
          %get3A_305 = arith.index_cast %get3A_304 : i32 to index
          %get3A_306 = arith.index_cast %mul3A_251 : i32 to index
          %get3A_307 = tpu.vector_load %arg9[%get3A_305, %get3A_306] {strides = array<i32>} : memref<48x112xi32, #tpu.memory_space<vmem>>, vector<16xi32>,
          %get3A_308 = arith.constant 14 : i32
          %get3A_309 = arith.index_cast %get3A_308 : i32 to index
          %get3A_310 = arith.index_cast %mul3A_251 : i32 to index
          %get3A_311 = tpu.vector_load %arg9[%get3A_309, %get3A_310] {strides = array<i32>} : memref<48x112xi32, #tpu.memory_space<vmem>>, vector<16xi32>,
          %get3A_312 = arith.constant 15 : i32
          %get3A_313 = arith.index_cast %get3A_312 : i32 to index
          %get3A_314 = arith.index_cast %mul3A_251 : i32 to index
          %get3A_315 = tpu.vector_load %arg9[%get3A_313, %get3A_314] {strides = array<i32>} : memref<48x112xi32, #tpu.memory_space<vmem>>, vector<16xi32>,
          %parallel_loop3A_316 = arith.constant 0 : i32
          %parallel_loop3A_317 = arith.constant 100 : i32
          %parallel_loop3A_318 = arith.constant 1 : i32
          scf.for %parallel_loop3A_450 = %parallel_loop3A_316 to %parallel_loop3A_317 step %parallel_loop3A_318  : i32 {
            %parallel_loop3A_451 = arith.index_cast %scan3A_51 : i32 to index
            %parallel_loop3A_452 = arith.index_cast %parallel_loop3A_450 : i32 to index
            %parallel_loop3A_453 = arith.constant 0 : index
            %parallel_loop3A_454 = tpu.vector_load %arg8[%parallel_loop3A_451, %parallel_loop3A_452, %parallel_loop3A_453] {strides = array<i32>} : memref<4x100x48xi32, #tpu.memory_space<vmem>>, vector<16xi32>,
            %parallel_loop3A_455 = arith.constant 0.000000e+00 : f32
            %parallel_loop3A_456 = vector.broadcast %parallel_loop3A_455 : f32 to vector<16xf32>
            %parallel_loop3A_457 = arith.constant 0.000000e+00 : f32
            %parallel_loop3A_458 = vector.broadcast %parallel_loop3A_457 : f32 to vector<16xf32>
            %parallel_loop3A_459 = arith.constant 0.000000e+00 : f32
            %parallel_loop3A_460 = vector.broadcast %parallel_loop3A_459 : f32 to vector<16xf32>
            %parallel_loop3A_461 = arith.constant 0.000000e+00 : f32
            %parallel_loop3A_462 = vector.broadcast %parallel_loop3A_461 : f32 to vector<16xf32>
            %parallel_loop3A_463 = vector.shape_cast %broadcast_in_dim3A_1 : vector<16xi32> to vector<16x1xi32>
            %parallel_loop3A_464 = vector.shape_cast %parallel_loop3A_463 : vector<16x1xi32> to vector<16xi32>
            %parallel_loop3A_465 = tpu.dynamic_gather %parallel_loop3A_454[%parallel_loop3A_464] in [0] : vector<16xi32>, vector<16xi32> -> vector<16xi32>
            %parallel_loop3A_466 = arith.addi %parallel_loop3A_465, %get3A_255 : vector<16xi32>
            %parallel_loop3A_467 = tpu.vector_load_idx %arg7[%parallel_loop3A_466] : memref<65536xf32, #tpu.memory_space<vmem>>[vector<16xi32>], vector<16xf32>,
            %parallel_loop3A_468 = arith.addf %parallel_loop3A_456, %parallel_loop3A_467 : vector<16xf32>
            %parallel_loop3A_469 = vector.shape_cast %broadcast_in_dim3A_3 : vector<16xi32> to vector<16x1xi32>
            %parallel_loop3A_470 = vector.shape_cast %parallel_loop3A_469 : vector<16x1xi32> to vector<16xi32>
            %parallel_loop3A_471 = tpu.dynamic_gather %parallel_loop3A_454[%parallel_loop3A_470] in [0] : vector<16xi32>, vector<16xi32> -> vector<16xi32>
            %parallel_loop3A_472 = arith.addi %parallel_loop3A_471, %get3A_259 : vector<16xi32>
            %parallel_loop3A_473 = tpu.vector_load_idx %arg7[%parallel_loop3A_472] : memref<65536xf32, #tpu.memory_space<vmem>>[vector<16xi32>], vector<16xf32>,
            %parallel_loop3A_474 = arith.addf %parallel_loop3A_458, %parallel_loop3A_473 : vector<16xf32>
            %parallel_loop3A_475 = vector.shape_cast %broadcast_in_dim3A_5 : vector<16xi32> to vector<16x1xi32>
            %parallel_loop3A_476 = vector.shape_cast %parallel_loop3A_475 : vector<16x1xi32> to vector<16xi32>
            %parallel_loop3A_477 = tpu.dynamic_gather %parallel_loop3A_454[%parallel_loop3A_476] in [0] : vector<16xi32>, vector<16xi32> -> vector<16xi32>
            %parallel_loop3A_478 = arith.addi %parallel_loop3A_477, %get3A_263 : vector<16xi32>
            %parallel_loop3A_479 = tpu.vector_load_idx %arg7[%parallel_loop3A_478] : memref<65536xf32, #tpu.memory_space<vmem>>[vector<16xi32>], vector<16xf32>,
            %parallel_loop3A_480 = arith.addf %parallel_loop3A_468, %parallel_loop3A_479 : vector<16xf32>
            %parallel_loop3A_481 = vector.shape_cast %broadcast_in_dim3A_7 : vector<16xi32> to vector<16x1xi32>
            %parallel_loop3A_482 = vector.shape_cast %parallel_loop3A_481 : vector<16x1xi32> to vector<16xi32>
            %parallel_loop3A_483 = tpu.dynamic_gather %parallel_loop3A_454[%parallel_loop3A_482] in [0] : vector<16xi32>, vector<16xi32> -> vector<16xi32>
            %parallel_loop3A_484 = arith.addi %parallel_loop3A_483, %get3A_267 : vector<16xi32>
            %parallel_loop3A_485 = tpu.vector_load_idx %arg7[%parallel_loop3A_484] : memref<65536xf32, #tpu.memory_space<vmem>>[vector<16xi32>], vector<16xf32>,
            %parallel_loop3A_486 = arith.addf %parallel_loop3A_474, %parallel_loop3A_485 : vector<16xf32>
            %parallel_loop3A_487 = vector.shape_cast %broadcast_in_dim3A_9 : vector<16xi32> to vector<16x1xi32>
            %parallel_loop3A_488 = vector.shape_cast %parallel_loop3A_487 : vector<16x1xi32> to vector<16xi32>
            %parallel_loop3A_489 = tpu.dynamic_gather %parallel_loop3A_454[%parallel_loop3A_488] in [0] : vector<16xi32>, vector<16xi32> -> vector<16xi32>
            %parallel_loop3A_490 = arith.addi %parallel_loop3A_489, %get3A_271 : vector<16xi32>
            %parallel_loop3A_491 = tpu.vector_load_idx %arg7[%parallel_loop3A_490] : memref<65536xf32, #tpu.memory_space<vmem>>[vector<16xi32>], vector<16xf32>,
            %parallel_loop3A_492 = arith.addf %parallel_loop3A_480, %parallel_loop3A_491 : vector<16xf32>
            %parallel_loop3A_493 = vector.shape_cast %broadcast_in_dim3A_11 : vector<16xi32> to vector<16x1xi32>
            %parallel_loop3A_494 = vector.shape_cast %parallel_loop3A_493 : vector<16x1xi32> to vector<16xi32>
            %parallel_loop3A_495 = tpu.dynamic_gather %parallel_loop3A_454[%parallel_loop3A_494] in [0] : vector<16xi32>, vector<16xi32> -> vector<16xi32>
            %parallel_loop3A_496 = arith.addi %parallel_loop3A_495, %get3A_275 : vector<16xi32>
            %parallel_loop3A_497 = tpu.vector_load_idx %arg7[%parallel_loop3A_496] : memref<65536xf32, #tpu.memory_space<vmem>>[vector<16xi32>], vector<16xf32>,
            %parallel_loop3A_498 = arith.addf %parallel_loop3A_486, %parallel_loop3A_497 : vector<16xf32>
            %parallel_loop3A_499 = vector.shape_cast %broadcast_in_dim3A_13 : vector<16xi32> to vector<16x1xi32>
            %parallel_loop3A_500 = vector.shape_cast %parallel_loop3A_499 : vector<16x1xi32> to vector<16xi32>
            %parallel_loop3A_501 = tpu.dynamic_gather %parallel_loop3A_454[%parallel_loop3A_500] in [0] : vector<16xi32>, vector<16xi32> -> vector<16xi32>
            %parallel_loop3A_502 = arith.addi %parallel_loop3A_501, %get3A_279 : vector<16xi32>
            %parallel_loop3A_503 = tpu.vector_load_idx %arg7[%parallel_loop3A_502] : memref<65536xf32, #tpu.memory_space<vmem>>[vector<16xi32>], vector<16xf32>,
            %parallel_loop3A_504 = arith.addf %parallel_loop3A_492, %parallel_loop3A_503 : vector<16xf32>
            %parallel_loop3A_505 = vector.shape_cast %broadcast_in_dim3A_15 : vector<16xi32> to vector<16x1xi32>
            %parallel_loop3A_506 = vector.shape_cast %parallel_loop3A_505 : vector<16x1xi32> to vector<16xi32>
            %parallel_loop3A_507 = tpu.dynamic_gather %parallel_loop3A_454[%parallel_loop3A_506] in [0] : vector<16xi32>, vector<16xi32> -> vector<16xi32>
            %parallel_loop3A_508 = arith.addi %parallel_loop3A_507, %get3A_283 : vector<16xi32>
            %parallel_loop3A_509 = tpu.vector_load_idx %arg7[%parallel_loop3A_508] : memref<65536xf32, #tpu.memory_space<vmem>>[vector<16xi32>], vector<16xf32>,
            %parallel_loop3A_510 = arith.addf %parallel_loop3A_498, %parallel_loop3A_509 : vector<16xf32>
            %parallel_loop3A_511 = vector.shape_cast %broadcast_in_dim3A_17 : vector<16xi32> to vector<16x1xi32>
            %parallel_loop3A_512 = vector.shape_cast %parallel_loop3A_511 : vector<16x1xi32> to vector<16xi32>
            %parallel_loop3A_513 = tpu.dynamic_gather %parallel_loop3A_454[%parallel_loop3A_512] in [0] : vector<16xi32>, vector<16xi32> -> vector<16xi32>
            %parallel_loop3A_514 = arith.addi %parallel_loop3A_513, %get3A_287 : vector<16xi32>
            %parallel_loop3A_515 = tpu.vector_load_idx %arg7[%parallel_loop3A_514] : memref<65536xf32, #tpu.memory_space<vmem>>[vector<16xi32>], vector<16xf32>,
            %parallel_loop3A_516 = arith.addf %parallel_loop3A_504, %parallel_loop3A_515 : vector<16xf32>
            %parallel_loop3A_517 = vector.shape_cast %broadcast_in_dim3A_19 : vector<16xi32> to vector<16x1xi32>
            %parallel_loop3A_518 = vector.shape_cast %parallel_loop3A_517 : vector<16x1xi32> to vector<16xi32>
            %parallel_loop3A_519 = tpu.dynamic_gather %parallel_loop3A_454[%parallel_loop3A_518] in [0] : vector<16xi32>, vector<16xi32> -> vector<16xi32>
            %parallel_loop3A_520 = arith.addi %parallel_loop3A_519, %get3A_291 : vector<16xi32>
            %parallel_loop3A_521 = tpu.vector_load_idx %arg7[%parallel_loop3A_520] : memref<65536xf32, #tpu.memory_space<vmem>>[vector<16xi32>], vector<16xf32>,
            %parallel_loop3A_522 = arith.addf %parallel_loop3A_510, %parallel_loop3A_521 : vector<16xf32>
            %parallel_loop3A_523 = vector.shape_cast %broadcast_in_dim3A_21 : vector<16xi32> to vector<16x1xi32>
            %parallel_loop3A_524 = vector.shape_cast %parallel_loop3A_523 : vector<16x1xi32> to vector<16xi32>
            %parallel_loop3A_525 = tpu.dynamic_gather %parallel_loop3A_454[%parallel_loop3A_524] in [0] : vector<16xi32>, vector<16xi32> -> vector<16xi32>
            %parallel_loop3A_526 = arith.addi %parallel_loop3A_525, %get3A_295 : vector<16xi32>
            %parallel_loop3A_527 = tpu.vector_load_idx %arg7[%parallel_loop3A_526] : memref<65536xf32, #tpu.memory_space<vmem>>[vector<16xi32>], vector<16xf32>,
            %parallel_loop3A_528 = arith.addf %parallel_loop3A_516, %parallel_loop3A_527 : vector<16xf32>
            %parallel_loop3A_529 = vector.shape_cast %broadcast_in_dim3A_23 : vector<16xi32> to vector<16x1xi32>
            %parallel_loop3A_530 = vector.shape_cast %parallel_loop3A_529 : vector<16x1xi32> to vector<16xi32>
            %parallel_loop3A_531 = tpu.dynamic_gather %parallel_loop3A_454[%parallel_loop3A_530] in [0] : vector<16xi32>, vector<16xi32> -> vector<16xi32>
            %parallel_loop3A_532 = arith.addi %parallel_loop3A_531, %get3A_299 : vector<16xi32>
            %parallel_loop3A_533 = tpu.vector_load_idx %arg7[%parallel_loop3A_532] : memref<65536xf32, #tpu.memory_space<vmem>>[vector<16xi32>], vector<16xf32>,
            %parallel_loop3A_534 = arith.addf %parallel_loop3A_522, %parallel_loop3A_533 : vector<16xf32>
            %parallel_loop3A_535 = vector.shape_cast %broadcast_in_dim3A_25 : vector<16xi32> to vector<16x1xi32>
            %parallel_loop3A_536 = vector.shape_cast %parallel_loop3A_535 : vector<16x1xi32> to vector<16xi32>
            %parallel_loop3A_537 = tpu.dynamic_gather %parallel_loop3A_454[%parallel_loop3A_536] in [0] : vector<16xi32>, vector<16xi32> -> vector<16xi32>
            %parallel_loop3A_538 = arith.addi %parallel_loop3A_537, %get3A_303 : vector<16xi32>
            %parallel_loop3A_539 = tpu.vector_load_idx %arg7[%parallel_loop3A_538] : memref<65536xf32, #tpu.memory_space<vmem>>[vector<16xi32>], vector<16xf32>,
            %parallel_loop3A_540 = arith.addf %parallel_loop3A_528, %parallel_loop3A_539 : vector<16xf32>
            %parallel_loop3A_541 = vector.shape_cast %broadcast_in_dim3A_27 : vector<16xi32> to vector<16x1xi32>
            %parallel_loop3A_542 = vector.shape_cast %parallel_loop3A_541 : vector<16x1xi32> to vector<16xi32>
            %parallel_loop3A_543 = tpu.dynamic_gather %parallel_loop3A_454[%parallel_loop3A_542] in [0] : vector<16xi32>, vector<16xi32> -> vector<16xi32>
            %parallel_loop3A_544 = arith.addi %parallel_loop3A_543, %get3A_307 : vector<16xi32>
            %parallel_loop3A_545 = tpu.vector_load_idx %arg7[%parallel_loop3A_544] : memref<65536xf32, #tpu.memory_space<vmem>>[vector<16xi32>], vector<16xf32>,
            %parallel_loop3A_546 = arith.addf %parallel_loop3A_534, %parallel_loop3A_545 : vector<16xf32>
            %parallel_loop3A_547 = vector.shape_cast %broadcast_in_dim3A_29 : vector<16xi32> to vector<16x1xi32>
            %parallel_loop3A_548 = vector.shape_cast %parallel_loop3A_547 : vector<16x1xi32> to vector<16xi32>
            %parallel_loop3A_549 = tpu.dynamic_gather %parallel_loop3A_454[%parallel_loop3A_548] in [0] : vector<16xi32>, vector<16xi32> -> vector<16xi32>
            %parallel_loop3A_550 = arith.addi %parallel_loop3A_549, %get3A_311 : vector<16xi32>
            %parallel_loop3A_551 = tpu.vector_load_idx %arg7[%parallel_loop3A_550] : memref<65536xf32, #tpu.memory_space<vmem>>[vector<16xi32>], vector<16xf32>,
            %parallel_loop3A_552 = arith.addf %parallel_loop3A_540, %parallel_loop3A_551 : vector<16xf32>
            %parallel_loop3A_553 = vector.shape_cast %broadcast_in_dim3A_31 : vector<16xi32> to vector<16x1xi32>
            %parallel_loop3A_554 = vector.shape_cast %parallel_loop3A_553 : vector<16x1xi32> to vector<16xi32>
            %parallel_loop3A_555 = tpu.dynamic_gather %parallel_loop3A_454[%parallel_loop3A_554] in [0] : vector<16xi32>, vector<16xi32> -> vector<16xi32>
            %parallel_loop3A_556 = arith.addi %parallel_loop3A_555, %get3A_315 : vector<16xi32>
            %parallel_loop3A_557 = tpu.vector_load_idx %arg7[%parallel_loop3A_556] : memref<65536xf32, #tpu.memory_space<vmem>>[vector<16xi32>], vector<16xf32>,
            %parallel_loop3A_558 = arith.addf %parallel_loop3A_546, %parallel_loop3A_557 : vector<16xf32>
            %parallel_loop3A_559 = arith.addf %parallel_loop3A_552, %parallel_loop3A_558 : vector<16xf32>
            %parallel_loop3A_560 = arith.addf %parallel_loop3A_460, %parallel_loop3A_462 : vector<16xf32>
            %parallel_loop3A_561 = arith.constant 2.000000e+00 : f32
            %parallel_loop3A_562 = vector.broadcast %parallel_loop3A_561 : f32 to vector<16xf32>
            %parallel_loop3A_563 = arith.mulf %parallel_loop3A_562, %parallel_loop3A_560 : vector<16xf32>
            %parallel_loop3A_564 = arith.addf %parallel_loop3A_559, %parallel_loop3A_563 : vector<16xf32>
            %parallel_loop3A_565 = arith.constant 112 : i32
            %parallel_loop3A_566 = arith.muli %parallel_loop3A_450, %parallel_loop3A_565 : i32
            %parallel_loop3A_567 = arith.constant 16 : i32
            %parallel_loop3A_568 = arith.muli %scan3A_248, %parallel_loop3A_567 : i32
            %parallel_loop3A_569 = arith.addi %parallel_loop3A_566, %parallel_loop3A_568 : i32
            %parallel_loop3A_570 = arith.index_cast %parallel_loop3A_569 : i32 to index
            %parallel_loop3A_571 = tpu.vector_load %arg12[%parallel_loop3A_570] {strides = array<i32>} : memref<11200xf32, #tpu.memory_space<vmem>>, vector<16xf32>,
            tpu.vector_store %arg12[%parallel_loop3A_570], %parallel_loop3A_564 {strides = array<i32>} : memref<11200xf32, #tpu.memory_space<vmem>>, vector<16xf32>,
          } {sc.loop_unroll_factor = 2 : i64, sc.parallel_access}
          %get3A_319 = arith.constant 16 : i32
          %get3A_320 = arith.index_cast %get3A_319 : i32 to index
          %get3A_321 = arith.index_cast %mul3A_251 : i32 to index
          %get3A_322 = tpu.vector_load %arg9[%get3A_320, %get3A_321] {strides = array<i32>} : memref<48x112xi32, #tpu.memory_space<vmem>>, vector<16xi32>,
          %get3A_323 = arith.constant 17 : i32
          %get3A_324 = arith.index_cast %get3A_323 : i32 to index
          %get3A_325 = arith.index_cast %mul3A_251 : i32 to index
          %get3A_326 = tpu.vector_load %arg9[%get3A_324, %get3A_325] {strides = array<i32>} : memref<48x112xi32, #tpu.memory_space<vmem>>, vector<16xi32>,
          %get3A_327 = arith.constant 18 : i32
          %get3A_328 = arith.index_cast %get3A_327 : i32 to index
          %get3A_329 = arith.index_cast %mul3A_251 : i32 to index
          %get3A_330 = tpu.vector_load %arg9[%get3A_328, %get3A_329] {strides = array<i32>} : memref<48x112xi32, #tpu.memory_space<vmem>>, vector<16xi32>,
          %get3A_331 = arith.constant 19 : i32
          %get3A_332 = arith.index_cast %get3A_331 : i32 to index
          %get3A_333 = arith.index_cast %mul3A_251 : i32 to index
          %get3A_334 = tpu.vector_load %arg9[%get3A_332, %get3A_333] {strides = array<i32>} : memref<48x112xi32, #tpu.memory_space<vmem>>, vector<16xi32>,
          %get3A_335 = arith.constant 20 : i32
          %get3A_336 = arith.index_cast %get3A_335 : i32 to index
          %get3A_337 = arith.index_cast %mul3A_251 : i32 to index
          %get3A_338 = tpu.vector_load %arg9[%get3A_336, %get3A_337] {strides = array<i32>} : memref<48x112xi32, #tpu.memory_space<vmem>>, vector<16xi32>,
          %get3A_339 = arith.constant 21 : i32
          %get3A_340 = arith.index_cast %get3A_339 : i32 to index
          %get3A_341 = arith.index_cast %mul3A_251 : i32 to index
          %get3A_342 = tpu.vector_load %arg9[%get3A_340, %get3A_341] {strides = array<i32>} : memref<48x112xi32, #tpu.memory_space<vmem>>, vector<16xi32>,
          %get3A_343 = arith.constant 22 : i32
          %get3A_344 = arith.index_cast %get3A_343 : i32 to index
          %get3A_345 = arith.index_cast %mul3A_251 : i32 to index
          %get3A_346 = tpu.vector_load %arg9[%get3A_344, %get3A_345] {strides = array<i32>} : memref<48x112xi32, #tpu.memory_space<vmem>>, vector<16xi32>,
          %get3A_347 = arith.constant 23 : i32
          %get3A_348 = arith.index_cast %get3A_347 : i32 to index
          %get3A_349 = arith.index_cast %mul3A_251 : i32 to index
          %get3A_350 = tpu.vector_load %arg9[%get3A_348, %get3A_349] {strides = array<i32>} : memref<48x112xi32, #tpu.memory_space<vmem>>, vector<16xi32>,
          %get3A_351 = arith.constant 24 : i32
          %get3A_352 = arith.index_cast %get3A_351 : i32 to index
          %get3A_353 = arith.index_cast %mul3A_251 : i32 to index
          %get3A_354 = tpu.vector_load %arg9[%get3A_352, %get3A_353] {strides = array<i32>} : memref<48x112xi32, #tpu.memory_space<vmem>>, vector<16xi32>,
          %get3A_355 = arith.constant 25 : i32
          %get3A_356 = arith.index_cast %get3A_355 : i32 to index
          %get3A_357 = arith.index_cast %mul3A_251 : i32 to index
          %get3A_358 = tpu.vector_load %arg9[%get3A_356, %get3A_357] {strides = array<i32>} : memref<48x112xi32, #tpu.memory_space<vmem>>, vector<16xi32>,
          %get3A_359 = arith.constant 26 : i32
          %get3A_360 = arith.index_cast %get3A_359 : i32 to index
          %get3A_361 = arith.index_cast %mul3A_251 : i32 to index
          %get3A_362 = tpu.vector_load %arg9[%get3A_360, %get3A_361] {strides = array<i32>} : memref<48x112xi32, #tpu.memory_space<vmem>>, vector<16xi32>,
          %get3A_363 = arith.constant 27 : i32
          %get3A_364 = arith.index_cast %get3A_363 : i32 to index
          %get3A_365 = arith.index_cast %mul3A_251 : i32 to index
          %get3A_366 = tpu.vector_load %arg9[%get3A_364, %get3A_365] {strides = array<i32>} : memref<48x112xi32, #tpu.memory_space<vmem>>, vector<16xi32>,
          %get3A_367 = arith.constant 28 : i32
          %get3A_368 = arith.index_cast %get3A_367 : i32 to index
          %get3A_369 = arith.index_cast %mul3A_251 : i32 to index
          %get3A_370 = tpu.vector_load %arg9[%get3A_368, %get3A_369] {strides = array<i32>} : memref<48x112xi32, #tpu.memory_space<vmem>>, vector<16xi32>,
          %get3A_371 = arith.constant 29 : i32
          %get3A_372 = arith.index_cast %get3A_371 : i32 to index
          %get3A_373 = arith.index_cast %mul3A_251 : i32 to index
          %get3A_374 = tpu.vector_load %arg9[%get3A_372, %get3A_373] {strides = array<i32>} : memref<48x112xi32, #tpu.memory_space<vmem>>, vector<16xi32>,
          %get3A_375 = arith.constant 30 : i32
          %get3A_376 = arith.index_cast %get3A_375 : i32 to index
          %get3A_377 = arith.index_cast %mul3A_251 : i32 to index
          %get3A_378 = tpu.vector_load %arg9[%get3A_376, %get3A_377] {strides = array<i32>} : memref<48x112xi32, #tpu.memory_space<vmem>>, vector<16xi32>,
          %get3A_379 = arith.constant 31 : i32
          %get3A_380 = arith.index_cast %get3A_379 : i32 to index
          %get3A_381 = arith.index_cast %mul3A_251 : i32 to index
          %get3A_382 = tpu.vector_load %arg9[%get3A_380, %get3A_381] {strides = array<i32>} : memref<48x112xi32, #tpu.memory_space<vmem>>, vector<16xi32>,
          %parallel_loop3A_383 = arith.constant 0 : i32
          %parallel_loop3A_384 = arith.constant 100 : i32
          %parallel_loop3A_385 = arith.constant 1 : i32
          scf.for %parallel_loop3A_450 = %parallel_loop3A_383 to %parallel_loop3A_384 step %parallel_loop3A_385  : i32 {
            %parallel_loop3A_451 = arith.index_cast %scan3A_51 : i32 to index
            %parallel_loop3A_452 = arith.index_cast %parallel_loop3A_450 : i32 to index
            %parallel_loop3A_453 = arith.constant 16 : index
            %parallel_loop3A_454 = tpu.vector_load %arg8[%parallel_loop3A_451, %parallel_loop3A_452, %parallel_loop3A_453] {strides = array<i32>} : memref<4x100x48xi32, #tpu.memory_space<vmem>>, vector<16xi32>,
            %parallel_loop3A_455 = arith.constant 0.000000e+00 : f32
            %parallel_loop3A_456 = vector.broadcast %parallel_loop3A_455 : f32 to vector<16xf32>
            %parallel_loop3A_457 = arith.constant 0.000000e+00 : f32
            %parallel_loop3A_458 = vector.broadcast %parallel_loop3A_457 : f32 to vector<16xf32>
            %parallel_loop3A_459 = arith.constant 0.000000e+00 : f32
            %parallel_loop3A_460 = vector.broadcast %parallel_loop3A_459 : f32 to vector<16xf32>
            %parallel_loop3A_461 = arith.constant 0.000000e+00 : f32
            %parallel_loop3A_462 = vector.broadcast %parallel_loop3A_461 : f32 to vector<16xf32>
            %parallel_loop3A_463 = vector.shape_cast %broadcast_in_dim3A_1 : vector<16xi32> to vector<16x1xi32>
            %parallel_loop3A_464 = vector.shape_cast %parallel_loop3A_463 : vector<16x1xi32> to vector<16xi32>
            %parallel_loop3A_465 = tpu.dynamic_gather %parallel_loop3A_454[%parallel_loop3A_464] in [0] : vector<16xi32>, vector<16xi32> -> vector<16xi32>
            %parallel_loop3A_466 = arith.addi %parallel_loop3A_465, %get3A_322 : vector<16xi32>
            %parallel_loop3A_467 = tpu.vector_load_idx %arg7[%parallel_loop3A_466] : memref<65536xf32, #tpu.memory_space<vmem>>[vector<16xi32>], vector<16xf32>,
            %parallel_loop3A_468 = arith.addf %parallel_loop3A_456, %parallel_loop3A_467 : vector<16xf32>
            %parallel_loop3A_469 = vector.shape_cast %broadcast_in_dim3A_3 : vector<16xi32> to vector<16x1xi32>
            %parallel_loop3A_470 = vector.shape_cast %parallel_loop3A_469 : vector<16x1xi32> to vector<16xi32>
            %parallel_loop3A_471 = tpu.dynamic_gather %parallel_loop3A_454[%parallel_loop3A_470] in [0] : vector<16xi32>, vector<16xi32> -> vector<16xi32>
            %parallel_loop3A_472 = arith.addi %parallel_loop3A_471, %get3A_326 : vector<16xi32>
            %parallel_loop3A_473 = tpu.vector_load_idx %arg7[%parallel_loop3A_472] : memref<65536xf32, #tpu.memory_space<vmem>>[vector<16xi32>], vector<16xf32>,
            %parallel_loop3A_474 = arith.addf %parallel_loop3A_458, %parallel_loop3A_473 : vector<16xf32>
            %parallel_loop3A_475 = vector.shape_cast %broadcast_in_dim3A_5 : vector<16xi32> to vector<16x1xi32>
            %parallel_loop3A_476 = vector.shape_cast %parallel_loop3A_475 : vector<16x1xi32> to vector<16xi32>
            %parallel_loop3A_477 = tpu.dynamic_gather %parallel_loop3A_454[%parallel_loop3A_476] in [0] : vector<16xi32>, vector<16xi32> -> vector<16xi32>
            %parallel_loop3A_478 = arith.addi %parallel_loop3A_477, %get3A_330 : vector<16xi32>
            %parallel_loop3A_479 = tpu.vector_load_idx %arg7[%parallel_loop3A_478] : memref<65536xf32, #tpu.memory_space<vmem>>[vector<16xi32>], vector<16xf32>,
            %parallel_loop3A_480 = arith.addf %parallel_loop3A_468, %parallel_loop3A_479 : vector<16xf32>
            %parallel_loop3A_481 = vector.shape_cast %broadcast_in_dim3A_7 : vector<16xi32> to vector<16x1xi32>
            %parallel_loop3A_482 = vector.shape_cast %parallel_loop3A_481 : vector<16x1xi32> to vector<16xi32>
            %parallel_loop3A_483 = tpu.dynamic_gather %parallel_loop3A_454[%parallel_loop3A_482] in [0] : vector<16xi32>, vector<16xi32> -> vector<16xi32>
            %parallel_loop3A_484 = arith.addi %parallel_loop3A_483, %get3A_334 : vector<16xi32>
            %parallel_loop3A_485 = tpu.vector_load_idx %arg7[%parallel_loop3A_484] : memref<65536xf32, #tpu.memory_space<vmem>>[vector<16xi32>], vector<16xf32>,
            %parallel_loop3A_486 = arith.addf %parallel_loop3A_474, %parallel_loop3A_485 : vector<16xf32>
            %parallel_loop3A_487 = vector.shape_cast %broadcast_in_dim3A_9 : vector<16xi32> to vector<16x1xi32>
            %parallel_loop3A_488 = vector.shape_cast %parallel_loop3A_487 : vector<16x1xi32> to vector<16xi32>
            %parallel_loop3A_489 = tpu.dynamic_gather %parallel_loop3A_454[%parallel_loop3A_488] in [0] : vector<16xi32>, vector<16xi32> -> vector<16xi32>
            %parallel_loop3A_490 = arith.addi %parallel_loop3A_489, %get3A_338 : vector<16xi32>
            %parallel_loop3A_491 = tpu.vector_load_idx %arg7[%parallel_loop3A_490] : memref<65536xf32, #tpu.memory_space<vmem>>[vector<16xi32>], vector<16xf32>,
            %parallel_loop3A_492 = arith.addf %parallel_loop3A_480, %parallel_loop3A_491 : vector<16xf32>
            %parallel_loop3A_493 = vector.shape_cast %broadcast_in_dim3A_11 : vector<16xi32> to vector<16x1xi32>
            %parallel_loop3A_494 = vector.shape_cast %parallel_loop3A_493 : vector<16x1xi32> to vector<16xi32>
            %parallel_loop3A_495 = tpu.dynamic_gather %parallel_loop3A_454[%parallel_loop3A_494] in [0] : vector<16xi32>, vector<16xi32> -> vector<16xi32>
            %parallel_loop3A_496 = arith.addi %parallel_loop3A_495, %get3A_342 : vector<16xi32>
            %parallel_loop3A_497 = tpu.vector_load_idx %arg7[%parallel_loop3A_496] : memref<65536xf32, #tpu.memory_space<vmem>>[vector<16xi32>], vector<16xf32>,
            %parallel_loop3A_498 = arith.addf %parallel_loop3A_486, %parallel_loop3A_497 : vector<16xf32>
            %parallel_loop3A_499 = vector.shape_cast %broadcast_in_dim3A_13 : vector<16xi32> to vector<16x1xi32>
            %parallel_loop3A_500 = vector.shape_cast %parallel_loop3A_499 : vector<16x1xi32> to vector<16xi32>
            %parallel_loop3A_501 = tpu.dynamic_gather %parallel_loop3A_454[%parallel_loop3A_500] in [0] : vector<16xi32>, vector<16xi32> -> vector<16xi32>
            %parallel_loop3A_502 = arith.addi %parallel_loop3A_501, %get3A_346 : vector<16xi32>
            %parallel_loop3A_503 = tpu.vector_load_idx %arg7[%parallel_loop3A_502] : memref<65536xf32, #tpu.memory_space<vmem>>[vector<16xi32>], vector<16xf32>,
            %parallel_loop3A_504 = arith.addf %parallel_loop3A_492, %parallel_loop3A_503 : vector<16xf32>
            %parallel_loop3A_505 = vector.shape_cast %broadcast_in_dim3A_15 : vector<16xi32> to vector<16x1xi32>
            %parallel_loop3A_506 = vector.shape_cast %parallel_loop3A_505 : vector<16x1xi32> to vector<16xi32>
            %parallel_loop3A_507 = tpu.dynamic_gather %parallel_loop3A_454[%parallel_loop3A_506] in [0] : vector<16xi32>, vector<16xi32> -> vector<16xi32>
            %parallel_loop3A_508 = arith.addi %parallel_loop3A_507, %get3A_350 : vector<16xi32>
            %parallel_loop3A_509 = tpu.vector_load_idx %arg7[%parallel_loop3A_508] : memref<65536xf32, #tpu.memory_space<vmem>>[vector<16xi32>], vector<16xf32>,
            %parallel_loop3A_510 = arith.addf %parallel_loop3A_498, %parallel_loop3A_509 : vector<16xf32>
            %parallel_loop3A_511 = vector.shape_cast %broadcast_in_dim3A_17 : vector<16xi32> to vector<16x1xi32>
            %parallel_loop3A_512 = vector.shape_cast %parallel_loop3A_511 : vector<16x1xi32> to vector<16xi32>
            %parallel_loop3A_513 = tpu.dynamic_gather %parallel_loop3A_454[%parallel_loop3A_512] in [0] : vector<16xi32>, vector<16xi32> -> vector<16xi32>
            %parallel_loop3A_514 = arith.addi %parallel_loop3A_513, %get3A_354 : vector<16xi32>
            %parallel_loop3A_515 = tpu.vector_load_idx %arg7[%parallel_loop3A_514] : memref<65536xf32, #tpu.memory_space<vmem>>[vector<16xi32>], vector<16xf32>,
            %parallel_loop3A_516 = arith.addf %parallel_loop3A_504, %parallel_loop3A_515 : vector<16xf32>
            %parallel_loop3A_517 = vector.shape_cast %broadcast_in_dim3A_19 : vector<16xi32> to vector<16x1xi32>
            %parallel_loop3A_518 = vector.shape_cast %parallel_loop3A_517 : vector<16x1xi32> to vector<16xi32>
            %parallel_loop3A_519 = tpu.dynamic_gather %parallel_loop3A_454[%parallel_loop3A_518] in [0] : vector<16xi32>, vector<16xi32> -> vector<16xi32>
            %parallel_loop3A_520 = arith.addi %parallel_loop3A_519, %get3A_358 : vector<16xi32>
            %parallel_loop3A_521 = tpu.vector_load_idx %arg7[%parallel_loop3A_520] : memref<65536xf32, #tpu.memory_space<vmem>>[vector<16xi32>], vector<16xf32>,
            %parallel_loop3A_522 = arith.addf %parallel_loop3A_510, %parallel_loop3A_521 : vector<16xf32>
            %parallel_loop3A_523 = vector.shape_cast %broadcast_in_dim3A_21 : vector<16xi32> to vector<16x1xi32>
            %parallel_loop3A_524 = vector.shape_cast %parallel_loop3A_523 : vector<16x1xi32> to vector<16xi32>
            %parallel_loop3A_525 = tpu.dynamic_gather %parallel_loop3A_454[%parallel_loop3A_524] in [0] : vector<16xi32>, vector<16xi32> -> vector<16xi32>
            %parallel_loop3A_526 = arith.addi %parallel_loop3A_525, %get3A_362 : vector<16xi32>
            %parallel_loop3A_527 = tpu.vector_load_idx %arg7[%parallel_loop3A_526] : memref<65536xf32, #tpu.memory_space<vmem>>[vector<16xi32>], vector<16xf32>,
            %parallel_loop3A_528 = arith.addf %parallel_loop3A_516, %parallel_loop3A_527 : vector<16xf32>
            %parallel_loop3A_529 = vector.shape_cast %broadcast_in_dim3A_23 : vector<16xi32> to vector<16x1xi32>
            %parallel_loop3A_530 = vector.shape_cast %parallel_loop3A_529 : vector<16x1xi32> to vector<16xi32>
            %parallel_loop3A_531 = tpu.dynamic_gather %parallel_loop3A_454[%parallel_loop3A_530] in [0] : vector<16xi32>, vector<16xi32> -> vector<16xi32>
            %parallel_loop3A_532 = arith.addi %parallel_loop3A_531, %get3A_366 : vector<16xi32>
            %parallel_loop3A_533 = tpu.vector_load_idx %arg7[%parallel_loop3A_532] : memref<65536xf32, #tpu.memory_space<vmem>>[vector<16xi32>], vector<16xf32>,
            %parallel_loop3A_534 = arith.addf %parallel_loop3A_522, %parallel_loop3A_533 : vector<16xf32>
            %parallel_loop3A_535 = vector.shape_cast %broadcast_in_dim3A_25 : vector<16xi32> to vector<16x1xi32>
            %parallel_loop3A_536 = vector.shape_cast %parallel_loop3A_535 : vector<16x1xi32> to vector<16xi32>
            %parallel_loop3A_537 = tpu.dynamic_gather %parallel_loop3A_454[%parallel_loop3A_536] in [0] : vector<16xi32>, vector<16xi32> -> vector<16xi32>
            %parallel_loop3A_538 = arith.addi %parallel_loop3A_537, %get3A_370 : vector<16xi32>
            %parallel_loop3A_539 = tpu.vector_load_idx %arg7[%parallel_loop3A_538] : memref<65536xf32, #tpu.memory_space<vmem>>[vector<16xi32>], vector<16xf32>,
            %parallel_loop3A_540 = arith.addf %parallel_loop3A_528, %parallel_loop3A_539 : vector<16xf32>
            %parallel_loop3A_541 = vector.shape_cast %broadcast_in_dim3A_27 : vector<16xi32> to vector<16x1xi32>
            %parallel_loop3A_542 = vector.shape_cast %parallel_loop3A_541 : vector<16x1xi32> to vector<16xi32>
            %parallel_loop3A_543 = tpu.dynamic_gather %parallel_loop3A_454[%parallel_loop3A_542] in [0] : vector<16xi32>, vector<16xi32> -> vector<16xi32>
            %parallel_loop3A_544 = arith.addi %parallel_loop3A_543, %get3A_374 : vector<16xi32>
            %parallel_loop3A_545 = tpu.vector_load_idx %arg7[%parallel_loop3A_544] : memref<65536xf32, #tpu.memory_space<vmem>>[vector<16xi32>], vector<16xf32>,
            %parallel_loop3A_546 = arith.addf %parallel_loop3A_534, %parallel_loop3A_545 : vector<16xf32>
            %parallel_loop3A_547 = vector.shape_cast %broadcast_in_dim3A_29 : vector<16xi32> to vector<16x1xi32>
            %parallel_loop3A_548 = vector.shape_cast %parallel_loop3A_547 : vector<16x1xi32> to vector<16xi32>
            %parallel_loop3A_549 = tpu.dynamic_gather %parallel_loop3A_454[%parallel_loop3A_548] in [0] : vector<16xi32>, vector<16xi32> -> vector<16xi32>
            %parallel_loop3A_550 = arith.addi %parallel_loop3A_549, %get3A_378 : vector<16xi32>
            %parallel_loop3A_551 = tpu.vector_load_idx %arg7[%parallel_loop3A_550] : memref<65536xf32, #tpu.memory_space<vmem>>[vector<16xi32>], vector<16xf32>,
            %parallel_loop3A_552 = arith.addf %parallel_loop3A_540, %parallel_loop3A_551 : vector<16xf32>
            %parallel_loop3A_553 = vector.shape_cast %broadcast_in_dim3A_31 : vector<16xi32> to vector<16x1xi32>
            %parallel_loop3A_554 = vector.shape_cast %parallel_loop3A_553 : vector<16x1xi32> to vector<16xi32>
            %parallel_loop3A_555 = tpu.dynamic_gather %parallel_loop3A_454[%parallel_loop3A_554] in [0] : vector<16xi32>, vector<16xi32> -> vector<16xi32>
            %parallel_loop3A_556 = arith.addi %parallel_loop3A_555, %get3A_382 : vector<16xi32>
            %parallel_loop3A_557 = tpu.vector_load_idx %arg7[%parallel_loop3A_556] : memref<65536xf32, #tpu.memory_space<vmem>>[vector<16xi32>], vector<16xf32>,
            %parallel_loop3A_558 = arith.addf %parallel_loop3A_546, %parallel_loop3A_557 : vector<16xf32>
            %parallel_loop3A_559 = arith.addf %parallel_loop3A_552, %parallel_loop3A_558 : vector<16xf32>
            %parallel_loop3A_560 = arith.addf %parallel_loop3A_460, %parallel_loop3A_462 : vector<16xf32>
            %parallel_loop3A_561 = arith.constant 2.000000e+00 : f32
            %parallel_loop3A_562 = vector.broadcast %parallel_loop3A_561 : f32 to vector<16xf32>
            %parallel_loop3A_563 = arith.mulf %parallel_loop3A_562, %parallel_loop3A_560 : vector<16xf32>
            %parallel_loop3A_564 = arith.addf %parallel_loop3A_559, %parallel_loop3A_563 : vector<16xf32>
            %parallel_loop3A_565 = arith.constant 112 : i32
            %parallel_loop3A_566 = arith.muli %parallel_loop3A_450, %parallel_loop3A_565 : i32
            %parallel_loop3A_567 = arith.constant 16 : i32
            %parallel_loop3A_568 = arith.muli %scan3A_248, %parallel_loop3A_567 : i32
            %parallel_loop3A_569 = arith.addi %parallel_loop3A_566, %parallel_loop3A_568 : i32
            %parallel_loop3A_570 = arith.index_cast %parallel_loop3A_569 : i32 to index
            %parallel_loop3A_571 = tpu.vector_load %arg12[%parallel_loop3A_570] {strides = array<i32>} : memref<11200xf32, #tpu.memory_space<vmem>>, vector<16xf32>,
            %parallel_loop3A_572 = arith.addf %parallel_loop3A_571, %parallel_loop3A_564 : vector<16xf32>
            %parallel_loop3A_573 = arith.index_cast %parallel_loop3A_569 : i32 to index
            %parallel_loop3A_574 = tpu.vector_load %arg12[%parallel_loop3A_573] {strides = array<i32>} : memref<11200xf32, #tpu.memory_space<vmem>>, vector<16xf32>,
            tpu.vector_store %arg12[%parallel_loop3A_573], %parallel_loop3A_572 {strides = array<i32>} : memref<11200xf32, #tpu.memory_space<vmem>>, vector<16xf32>,
          } {sc.loop_unroll_factor = 2 : i64, sc.parallel_access}
          %get3A_386 = arith.constant 32 : i32
          %get3A_387 = arith.index_cast %get3A_386 : i32 to index
          %get3A_388 = arith.index_cast %mul3A_251 : i32 to index
          %get3A_389 = tpu.vector_load %arg9[%get3A_387, %get3A_388] {strides = array<i32>} : memref<48x112xi32, #tpu.memory_space<vmem>>, vector<16xi32>,
          %get3A_390 = arith.constant 33 : i32
          %get3A_391 = arith.index_cast %get3A_390 : i32 to index
          %get3A_392 = arith.index_cast %mul3A_251 : i32 to index
          %get3A_393 = tpu.vector_load %arg9[%get3A_391, %get3A_392] {strides = array<i32>} : memref<48x112xi32, #tpu.memory_space<vmem>>, vector<16xi32>,
          %get3A_394 = arith.constant 34 : i32
          %get3A_395 = arith.index_cast %get3A_394 : i32 to index
          %get3A_396 = arith.index_cast %mul3A_251 : i32 to index
          %get3A_397 = tpu.vector_load %arg9[%get3A_395, %get3A_396] {strides = array<i32>} : memref<48x112xi32, #tpu.memory_space<vmem>>, vector<16xi32>,
          %get3A_398 = arith.constant 35 : i32
          %get3A_399 = arith.index_cast %get3A_398 : i32 to index
          %get3A_400 = arith.index_cast %mul3A_251 : i32 to index
          %get3A_401 = tpu.vector_load %arg9[%get3A_399, %get3A_400] {strides = array<i32>} : memref<48x112xi32, #tpu.memory_space<vmem>>, vector<16xi32>,
          %get3A_402 = arith.constant 36 : i32
          %get3A_403 = arith.index_cast %get3A_402 : i32 to index
          %get3A_404 = arith.index_cast %mul3A_251 : i32 to index
          %get3A_405 = tpu.vector_load %arg9[%get3A_403, %get3A_404] {strides = array<i32>} : memref<48x112xi32, #tpu.memory_space<vmem>>, vector<16xi32>,
          %get3A_406 = arith.constant 37 : i32
          %get3A_407 = arith.index_cast %get3A_406 : i32 to index
          %get3A_408 = arith.index_cast %mul3A_251 : i32 to index
          %get3A_409 = tpu.vector_load %arg9[%get3A_407, %get3A_408] {strides = array<i32>} : memref<48x112xi32, #tpu.memory_space<vmem>>, vector<16xi32>,
          %get3A_410 = arith.constant 38 : i32
          %get3A_411 = arith.index_cast %get3A_410 : i32 to index
          %get3A_412 = arith.index_cast %mul3A_251 : i32 to index
          %get3A_413 = tpu.vector_load %arg9[%get3A_411, %get3A_412] {strides = array<i32>} : memref<48x112xi32, #tpu.memory_space<vmem>>, vector<16xi32>,
          %get3A_414 = arith.constant 39 : i32
          %get3A_415 = arith.index_cast %get3A_414 : i32 to index
          %get3A_416 = arith.index_cast %mul3A_251 : i32 to index
          %get3A_417 = tpu.vector_load %arg9[%get3A_415, %get3A_416] {strides = array<i32>} : memref<48x112xi32, #tpu.memory_space<vmem>>, vector<16xi32>,
          %get3A_418 = arith.constant 40 : i32
          %get3A_419 = arith.index_cast %get3A_418 : i32 to index
          %get3A_420 = arith.index_cast %mul3A_251 : i32 to index
          %get3A_421 = tpu.vector_load %arg9[%get3A_419, %get3A_420] {strides = array<i32>} : memref<48x112xi32, #tpu.memory_space<vmem>>, vector<16xi32>,
          %get3A_422 = arith.constant 41 : i32
          %get3A_423 = arith.index_cast %get3A_422 : i32 to index
          %get3A_424 = arith.index_cast %mul3A_251 : i32 to index
          %get3A_425 = tpu.vector_load %arg9[%get3A_423, %get3A_424] {strides = array<i32>} : memref<48x112xi32, #tpu.memory_space<vmem>>, vector<16xi32>,
          %get3A_426 = arith.constant 42 : i32
          %get3A_427 = arith.index_cast %get3A_426 : i32 to index
          %get3A_428 = arith.index_cast %mul3A_251 : i32 to index
          %get3A_429 = tpu.vector_load %arg9[%get3A_427, %get3A_428] {strides = array<i32>} : memref<48x112xi32, #tpu.memory_space<vmem>>, vector<16xi32>,
          %get3A_430 = arith.constant 43 : i32
          %get3A_431 = arith.index_cast %get3A_430 : i32 to index
          %get3A_432 = arith.index_cast %mul3A_251 : i32 to index
          %get3A_433 = tpu.vector_load %arg9[%get3A_431, %get3A_432] {strides = array<i32>} : memref<48x112xi32, #tpu.memory_space<vmem>>, vector<16xi32>,
          %get3A_434 = arith.constant 44 : i32
          %get3A_435 = arith.index_cast %get3A_434 : i32 to index
          %get3A_436 = arith.index_cast %mul3A_251 : i32 to index
          %get3A_437 = tpu.vector_load %arg9[%get3A_435, %get3A_436] {strides = array<i32>} : memref<48x112xi32, #tpu.memory_space<vmem>>, vector<16xi32>,
          %get3A_438 = arith.constant 45 : i32
          %get3A_439 = arith.index_cast %get3A_438 : i32 to index
          %get3A_440 = arith.index_cast %mul3A_251 : i32 to index
          %get3A_441 = tpu.vector_load %arg9[%get3A_439, %get3A_440] {strides = array<i32>} : memref<48x112xi32, #tpu.memory_space<vmem>>, vector<16xi32>,
          %get3A_442 = arith.constant 46 : i32
          %get3A_443 = arith.index_cast %get3A_442 : i32 to index
          %get3A_444 = arith.index_cast %mul3A_251 : i32 to index
          %get3A_445 = tpu.vector_load %arg9[%get3A_443, %get3A_444] {strides = array<i32>} : memref<48x112xi32, #tpu.memory_space<vmem>>, vector<16xi32>,
          %parallel_loop3A_446 = arith.constant 0 : i32
          %parallel_loop3A_447 = arith.constant 100 : i32
          %parallel_loop3A_448 = arith.constant 1 : i32
          scf.for %parallel_loop3A_450 = %parallel_loop3A_446 to %parallel_loop3A_447 step %parallel_loop3A_448  : i32 {
            %parallel_loop3A_451 = arith.index_cast %scan3A_51 : i32 to index
            %parallel_loop3A_452 = arith.index_cast %parallel_loop3A_450 : i32 to index
            %parallel_loop3A_453 = arith.constant 32 : index
            %parallel_loop3A_454 = tpu.vector_load %arg8[%parallel_loop3A_451, %parallel_loop3A_452, %parallel_loop3A_453] {strides = array<i32>} : memref<4x100x48xi32, #tpu.memory_space<vmem>>, vector<16xi32>,
            %parallel_loop3A_455 = arith.constant 0.000000e+00 : f32
            %parallel_loop3A_456 = vector.broadcast %parallel_loop3A_455 : f32 to vector<16xf32>
            %parallel_loop3A_457 = arith.constant 0.000000e+00 : f32
            %parallel_loop3A_458 = vector.broadcast %parallel_loop3A_457 : f32 to vector<16xf32>
            %parallel_loop3A_459 = arith.constant 0.000000e+00 : f32
            %parallel_loop3A_460 = vector.broadcast %parallel_loop3A_459 : f32 to vector<16xf32>
            %parallel_loop3A_461 = arith.constant 0.000000e+00 : f32
            %parallel_loop3A_462 = vector.broadcast %parallel_loop3A_461 : f32 to vector<16xf32>
            %parallel_loop3A_463 = vector.shape_cast %broadcast_in_dim3A_1 : vector<16xi32> to vector<16x1xi32>
            %parallel_loop3A_464 = vector.shape_cast %parallel_loop3A_463 : vector<16x1xi32> to vector<16xi32>
            %parallel_loop3A_465 = tpu.dynamic_gather %parallel_loop3A_454[%parallel_loop3A_464] in [0] : vector<16xi32>, vector<16xi32> -> vector<16xi32>
            %parallel_loop3A_466 = arith.addi %parallel_loop3A_465, %get3A_389 : vector<16xi32>
            %parallel_loop3A_467 = tpu.vector_load_idx %arg7[%parallel_loop3A_466] : memref<65536xf32, #tpu.memory_space<vmem>>[vector<16xi32>], vector<16xf32>,
            %parallel_loop3A_468 = arith.addf %parallel_loop3A_456, %parallel_loop3A_467 : vector<16xf32>
            %parallel_loop3A_469 = vector.shape_cast %broadcast_in_dim3A_3 : vector<16xi32> to vector<16x1xi32>
            %parallel_loop3A_470 = vector.shape_cast %parallel_loop3A_469 : vector<16x1xi32> to vector<16xi32>
            %parallel_loop3A_471 = tpu.dynamic_gather %parallel_loop3A_454[%parallel_loop3A_470] in [0] : vector<16xi32>, vector<16xi32> -> vector<16xi32>
            %parallel_loop3A_472 = arith.addi %parallel_loop3A_471, %get3A_393 : vector<16xi32>
            %parallel_loop3A_473 = tpu.vector_load_idx %arg7[%parallel_loop3A_472] : memref<65536xf32, #tpu.memory_space<vmem>>[vector<16xi32>], vector<16xf32>,
            %parallel_loop3A_474 = arith.addf %parallel_loop3A_458, %parallel_loop3A_473 : vector<16xf32>
            %parallel_loop3A_475 = vector.shape_cast %broadcast_in_dim3A_5 : vector<16xi32> to vector<16x1xi32>
            %parallel_loop3A_476 = vector.shape_cast %parallel_loop3A_475 : vector<16x1xi32> to vector<16xi32>
            %parallel_loop3A_477 = tpu.dynamic_gather %parallel_loop3A_454[%parallel_loop3A_476] in [0] : vector<16xi32>, vector<16xi32> -> vector<16xi32>
            %parallel_loop3A_478 = arith.addi %parallel_loop3A_477, %get3A_397 : vector<16xi32>
            %parallel_loop3A_479 = tpu.vector_load_idx %arg7[%parallel_loop3A_478] : memref<65536xf32, #tpu.memory_space<vmem>>[vector<16xi32>], vector<16xf32>,
            %parallel_loop3A_480 = arith.addf %parallel_loop3A_468, %parallel_loop3A_479 : vector<16xf32>
            %parallel_loop3A_481 = vector.shape_cast %broadcast_in_dim3A_7 : vector<16xi32> to vector<16x1xi32>
            %parallel_loop3A_482 = vector.shape_cast %parallel_loop3A_481 : vector<16x1xi32> to vector<16xi32>
            %parallel_loop3A_483 = tpu.dynamic_gather %parallel_loop3A_454[%parallel_loop3A_482] in [0] : vector<16xi32>, vector<16xi32> -> vector<16xi32>
            %parallel_loop3A_484 = arith.addi %parallel_loop3A_483, %get3A_401 : vector<16xi32>
            %parallel_loop3A_485 = tpu.vector_load_idx %arg7[%parallel_loop3A_484] : memref<65536xf32, #tpu.memory_space<vmem>>[vector<16xi32>], vector<16xf32>,
            %parallel_loop3A_486 = arith.addf %parallel_loop3A_460, %parallel_loop3A_485 : vector<16xf32>
            %parallel_loop3A_487 = vector.shape_cast %broadcast_in_dim3A_9 : vector<16xi32> to vector<16x1xi32>
            %parallel_loop3A_488 = vector.shape_cast %parallel_loop3A_487 : vector<16x1xi32> to vector<16xi32>
            %parallel_loop3A_489 = tpu.dynamic_gather %parallel_loop3A_454[%parallel_loop3A_488] in [0] : vector<16xi32>, vector<16xi32> -> vector<16xi32>
            %parallel_loop3A_490 = arith.addi %parallel_loop3A_489, %get3A_405 : vector<16xi32>
            %parallel_loop3A_491 = tpu.vector_load_idx %arg7[%parallel_loop3A_490] : memref<65536xf32, #tpu.memory_space<vmem>>[vector<16xi32>], vector<16xf32>,
            %parallel_loop3A_492 = arith.addf %parallel_loop3A_462, %parallel_loop3A_491 : vector<16xf32>
            %parallel_loop3A_493 = vector.shape_cast %broadcast_in_dim3A_11 : vector<16xi32> to vector<16x1xi32>
            %parallel_loop3A_494 = vector.shape_cast %parallel_loop3A_493 : vector<16x1xi32> to vector<16xi32>
            %parallel_loop3A_495 = tpu.dynamic_gather %parallel_loop3A_454[%parallel_loop3A_494] in [0] : vector<16xi32>, vector<16xi32> -> vector<16xi32>
            %parallel_loop3A_496 = arith.addi %parallel_loop3A_495, %get3A_409 : vector<16xi32>
            %parallel_loop3A_497 = tpu.vector_load_idx %arg7[%parallel_loop3A_496] : memref<65536xf32, #tpu.memory_space<vmem>>[vector<16xi32>], vector<16xf32>,
            %parallel_loop3A_498 = arith.addf %parallel_loop3A_486, %parallel_loop3A_497 : vector<16xf32>
            %parallel_loop3A_499 = vector.shape_cast %broadcast_in_dim3A_13 : vector<16xi32> to vector<16x1xi32>
            %parallel_loop3A_500 = vector.shape_cast %parallel_loop3A_499 : vector<16x1xi32> to vector<16xi32>
            %parallel_loop3A_501 = tpu.dynamic_gather %parallel_loop3A_454[%parallel_loop3A_500] in [0] : vector<16xi32>, vector<16xi32> -> vector<16xi32>
            %parallel_loop3A_502 = arith.addi %parallel_loop3A_501, %get3A_413 : vector<16xi32>
            %parallel_loop3A_503 = tpu.vector_load_idx %arg7[%parallel_loop3A_502] : memref<65536xf32, #tpu.memory_space<vmem>>[vector<16xi32>], vector<16xf32>,
            %parallel_loop3A_504 = arith.addf %parallel_loop3A_492, %parallel_loop3A_503 : vector<16xf32>
            %parallel_loop3A_505 = vector.shape_cast %broadcast_in_dim3A_15 : vector<16xi32> to vector<16x1xi32>
            %parallel_loop3A_506 = vector.shape_cast %parallel_loop3A_505 : vector<16x1xi32> to vector<16xi32>
            %parallel_loop3A_507 = tpu.dynamic_gather %parallel_loop3A_454[%parallel_loop3A_506] in [0] : vector<16xi32>, vector<16xi32> -> vector<16xi32>
            %parallel_loop3A_508 = arith.addi %parallel_loop3A_507, %get3A_417 : vector<16xi32>
            %parallel_loop3A_509 = tpu.vector_load_idx %arg7[%parallel_loop3A_508] : memref<65536xf32, #tpu.memory_space<vmem>>[vector<16xi32>], vector<16xf32>,
            %parallel_loop3A_510 = arith.addf %parallel_loop3A_498, %parallel_loop3A_509 : vector<16xf32>
            %parallel_loop3A_511 = vector.shape_cast %broadcast_in_dim3A_17 : vector<16xi32> to vector<16x1xi32>
            %parallel_loop3A_512 = vector.shape_cast %parallel_loop3A_511 : vector<16x1xi32> to vector<16xi32>
            %parallel_loop3A_513 = tpu.dynamic_gather %parallel_loop3A_454[%parallel_loop3A_512] in [0] : vector<16xi32>, vector<16xi32> -> vector<16xi32>
            %parallel_loop3A_514 = arith.addi %parallel_loop3A_513, %get3A_421 : vector<16xi32>
            %parallel_loop3A_515 = tpu.vector_load_idx %arg7[%parallel_loop3A_514] : memref<65536xf32, #tpu.memory_space<vmem>>[vector<16xi32>], vector<16xf32>,
            %parallel_loop3A_516 = arith.addf %parallel_loop3A_504, %parallel_loop3A_515 : vector<16xf32>
            %parallel_loop3A_517 = vector.shape_cast %broadcast_in_dim3A_19 : vector<16xi32> to vector<16x1xi32>
            %parallel_loop3A_518 = vector.shape_cast %parallel_loop3A_517 : vector<16x1xi32> to vector<16xi32>
            %parallel_loop3A_519 = tpu.dynamic_gather %parallel_loop3A_454[%parallel_loop3A_518] in [0] : vector<16xi32>, vector<16xi32> -> vector<16xi32>
            %parallel_loop3A_520 = arith.addi %parallel_loop3A_519, %get3A_425 : vector<16xi32>
            %parallel_loop3A_521 = tpu.vector_load_idx %arg7[%parallel_loop3A_520] : memref<65536xf32, #tpu.memory_space<vmem>>[vector<16xi32>], vector<16xf32>,
            %parallel_loop3A_522 = arith.addf %parallel_loop3A_510, %parallel_loop3A_521 : vector<16xf32>
            %parallel_loop3A_523 = vector.shape_cast %broadcast_in_dim3A_21 : vector<16xi32> to vector<16x1xi32>
            %parallel_loop3A_524 = vector.shape_cast %parallel_loop3A_523 : vector<16x1xi32> to vector<16xi32>
            %parallel_loop3A_525 = tpu.dynamic_gather %parallel_loop3A_454[%parallel_loop3A_524] in [0] : vector<16xi32>, vector<16xi32> -> vector<16xi32>
            %parallel_loop3A_526 = arith.addi %parallel_loop3A_525, %get3A_429 : vector<16xi32>
            %parallel_loop3A_527 = tpu.vector_load_idx %arg7[%parallel_loop3A_526] : memref<65536xf32, #tpu.memory_space<vmem>>[vector<16xi32>], vector<16xf32>,
            %parallel_loop3A_528 = arith.addf %parallel_loop3A_516, %parallel_loop3A_527 : vector<16xf32>
            %parallel_loop3A_529 = vector.shape_cast %broadcast_in_dim3A_23 : vector<16xi32> to vector<16x1xi32>
            %parallel_loop3A_530 = vector.shape_cast %parallel_loop3A_529 : vector<16x1xi32> to vector<16xi32>
            %parallel_loop3A_531 = tpu.dynamic_gather %parallel_loop3A_454[%parallel_loop3A_530] in [0] : vector<16xi32>, vector<16xi32> -> vector<16xi32>
            %parallel_loop3A_532 = arith.addi %parallel_loop3A_531, %get3A_433 : vector<16xi32>
            %parallel_loop3A_533 = tpu.vector_load_idx %arg7[%parallel_loop3A_532] : memref<65536xf32, #tpu.memory_space<vmem>>[vector<16xi32>], vector<16xf32>,
            %parallel_loop3A_534 = arith.addf %parallel_loop3A_522, %parallel_loop3A_533 : vector<16xf32>
            %parallel_loop3A_535 = vector.shape_cast %broadcast_in_dim3A_25 : vector<16xi32> to vector<16x1xi32>
            %parallel_loop3A_536 = vector.shape_cast %parallel_loop3A_535 : vector<16x1xi32> to vector<16xi32>
            %parallel_loop3A_537 = tpu.dynamic_gather %parallel_loop3A_454[%parallel_loop3A_536] in [0] : vector<16xi32>, vector<16xi32> -> vector<16xi32>
            %parallel_loop3A_538 = arith.addi %parallel_loop3A_537, %get3A_437 : vector<16xi32>
            %parallel_loop3A_539 = tpu.vector_load_idx %arg7[%parallel_loop3A_538] : memref<65536xf32, #tpu.memory_space<vmem>>[vector<16xi32>], vector<16xf32>,
            %parallel_loop3A_540 = arith.addf %parallel_loop3A_528, %parallel_loop3A_539 : vector<16xf32>
            %parallel_loop3A_541 = vector.shape_cast %broadcast_in_dim3A_27 : vector<16xi32> to vector<16x1xi32>
            %parallel_loop3A_542 = vector.shape_cast %parallel_loop3A_541 : vector<16x1xi32> to vector<16xi32>
            %parallel_loop3A_543 = tpu.dynamic_gather %parallel_loop3A_454[%parallel_loop3A_542] in [0] : vector<16xi32>, vector<16xi32> -> vector<16xi32>
            %parallel_loop3A_544 = arith.addi %parallel_loop3A_543, %get3A_441 : vector<16xi32>
            %parallel_loop3A_545 = tpu.vector_load_idx %arg7[%parallel_loop3A_544] : memref<65536xf32, #tpu.memory_space<vmem>>[vector<16xi32>], vector<16xf32>,
            %parallel_loop3A_546 = arith.addf %parallel_loop3A_534, %parallel_loop3A_545 : vector<16xf32>
            %parallel_loop3A_547 = vector.shape_cast %broadcast_in_dim3A_29 : vector<16xi32> to vector<16x1xi32>
            %parallel_loop3A_548 = vector.shape_cast %parallel_loop3A_547 : vector<16x1xi32> to vector<16xi32>
            %parallel_loop3A_549 = tpu.dynamic_gather %parallel_loop3A_454[%parallel_loop3A_548] in [0] : vector<16xi32>, vector<16xi32> -> vector<16xi32>
            %parallel_loop3A_550 = arith.addi %parallel_loop3A_549, %get3A_445 : vector<16xi32>
            %parallel_loop3A_551 = tpu.vector_load_idx %arg7[%parallel_loop3A_550] : memref<65536xf32, #tpu.memory_space<vmem>>[vector<16xi32>], vector<16xf32>,
            %parallel_loop3A_552 = arith.addf %parallel_loop3A_474, %parallel_loop3A_551 : vector<16xf32>
            %parallel_loop3A_553 = arith.addf %parallel_loop3A_480, %parallel_loop3A_552 : vector<16xf32>
            %parallel_loop3A_554 = arith.addf %parallel_loop3A_546, %parallel_loop3A_540 : vector<16xf32>
            %parallel_loop3A_555 = arith.constant 2.000000e+00 : f32
            %parallel_loop3A_556 = vector.broadcast %parallel_loop3A_555 : f32 to vector<16xf32>
            %parallel_loop3A_557 = arith.mulf %parallel_loop3A_556, %parallel_loop3A_554 : vector<16xf32>
            %parallel_loop3A_558 = arith.addf %parallel_loop3A_553, %parallel_loop3A_557 : vector<16xf32>
            %parallel_loop3A_559 = arith.constant 112 : i32
            %parallel_loop3A_560 = arith.muli %parallel_loop3A_450, %parallel_loop3A_559 : i32
            %parallel_loop3A_561 = arith.constant 16 : i32
            %parallel_loop3A_562 = arith.muli %scan3A_248, %parallel_loop3A_561 : i32
            %parallel_loop3A_563 = arith.addi %parallel_loop3A_560, %parallel_loop3A_562 : i32
            %parallel_loop3A_564 = arith.index_cast %parallel_loop3A_563 : i32 to index
            %parallel_loop3A_565 = tpu.vector_load %arg12[%parallel_loop3A_564] {strides = array<i32>} : memref<11200xf32, #tpu.memory_space<vmem>>, vector<16xf32>,
            %parallel_loop3A_566 = arith.addf %parallel_loop3A_565, %parallel_loop3A_558 : vector<16xf32>
            %parallel_loop3A_567 = arith.fptosi %parallel_loop3A_566 : vector<16xf32> to vector<16xi32>
            %parallel_loop3A_568 = arith.index_cast %parallel_loop3A_563 : i32 to index
            %parallel_loop3A_569 = tpu.vector_load %arg11[%parallel_loop3A_568] {strides = array<i32>} : memref<11200xi32, #tpu.memory_space<vmem>>, vector<16xi32>,
            tpu.vector_store %arg11[%parallel_loop3A_568], %parallel_loop3A_567 {strides = array<i32>} : memref<11200xi32, #tpu.memory_space<vmem>>, vector<16xi32>,
          } {sc.loop_unroll_factor = 2 : i64, sc.parallel_access}
          %scan3A_449 = arith.constant 0 : i32
          scf.yield %scan3A_449 : i32
        }
        %scan3A_59 = arith.constant 7 : i32
        %broadcast_in_dim3A_60 = arith.constant 2147483647 : i32
        %broadcast_in_dim3A_61 = vector.broadcast %broadcast_in_dim3A_60 : i32 to vector<16xi32>
        %get3A = arith.constant 0 : i32
        %get3A_62 = arith.index_cast %get3A : i32 to index
        %get3A_63 = arith.constant 0 : index
        %get3A_64 = tpu.vector_load %arg10[%get3A_62, %get3A_63] {strides = array<i32>} : memref<10x64xi32, #tpu.memory_space<vmem>>, vector<16xi32>,
        %get3A_65 = arith.constant 1 : i32
        %get3A_66 = arith.index_cast %get3A_65 : i32 to index
        %get3A_67 = arith.constant 0 : index
        %get3A_68 = tpu.vector_load %arg10[%get3A_66, %get3A_67] {strides = array<i32>} : memref<10x64xi32, #tpu.memory_space<vmem>>, vector<16xi32>,
        %get3A_69 = arith.constant 2 : i32
        %get3A_70 = arith.index_cast %get3A_69 : i32 to index
        %get3A_71 = arith.constant 0 : index
        %get3A_72 = tpu.vector_load %arg10[%get3A_70, %get3A_71] {strides = array<i32>} : memref<10x64xi32, #tpu.memory_space<vmem>>, vector<16xi32>,
        %get3A_73 = arith.constant 3 : i32
        %get3A_74 = arith.index_cast %get3A_73 : i32 to index
        %get3A_75 = arith.constant 0 : index
        %get3A_76 = tpu.vector_load %arg10[%get3A_74, %get3A_75] {strides = array<i32>} : memref<10x64xi32, #tpu.memory_space<vmem>>, vector<16xi32>,
        %get3A_77 = arith.constant 4 : i32
        %get3A_78 = arith.index_cast %get3A_77 : i32 to index
        %get3A_79 = arith.constant 0 : index
        %get3A_80 = tpu.vector_load %arg10[%get3A_78, %get3A_79] {strides = array<i32>} : memref<10x64xi32, #tpu.memory_space<vmem>>, vector<16xi32>,
        %get3A_81 = arith.constant 5 : i32
        %get3A_82 = arith.index_cast %get3A_81 : i32 to index
        %get3A_83 = arith.constant 0 : index
        %get3A_84 = tpu.vector_load %arg10[%get3A_82, %get3A_83] {strides = array<i32>} : memref<10x64xi32, #tpu.memory_space<vmem>>, vector<16xi32>,
        %get3A_85 = arith.constant 6 : i32
        %get3A_86 = arith.index_cast %get3A_85 : i32 to index
        %get3A_87 = arith.constant 0 : index
        %get3A_88 = tpu.vector_load %arg10[%get3A_86, %get3A_87] {strides = array<i32>} : memref<10x64xi32, #tpu.memory_space<vmem>>, vector<16xi32>,
        %get3A_89 = arith.constant 7 : i32
        %get3A_90 = arith.index_cast %get3A_89 : i32 to index
        %get3A_91 = arith.constant 0 : index
        %get3A_92 = tpu.vector_load %arg10[%get3A_90, %get3A_91] {strides = array<i32>} : memref<10x64xi32, #tpu.memory_space<vmem>>, vector<16xi32>,
        %get3A_93 = arith.constant 8 : i32
        %get3A_94 = arith.index_cast %get3A_93 : i32 to index
        %get3A_95 = arith.constant 0 : index
        %get3A_96 = tpu.vector_load %arg10[%get3A_94, %get3A_95] {strides = array<i32>} : memref<10x64xi32, #tpu.memory_space<vmem>>, vector<16xi32>,
        %get3A_97 = arith.constant 9 : i32
        %get3A_98 = arith.index_cast %get3A_97 : i32 to index
        %get3A_99 = arith.constant 0 : index
        %get3A_100 = tpu.vector_load %arg10[%get3A_98, %get3A_99] {strides = array<i32>} : memref<10x64xi32, #tpu.memory_space<vmem>>, vector<16xi32>,
        %parallel_loop3A = arith.constant 0 : i32
        %parallel_loop3A_101 = arith.constant 100 : i32
        %parallel_loop3A_102 = arith.constant 1 : i32
        %parallel_loop3A_103 = scf.for %parallel_loop3A_248 = %parallel_loop3A to %parallel_loop3A_101 step %parallel_loop3A_102 iter_args(%parallel_loop3A_249 = %broadcast_in_dim3A_61) -> (vector<16xi32>)  : i32 {
          %parallel_loop3A_250 = arith.constant 10 : i32
          %parallel_loop3A_251 = arith.divsi %parallel_loop3A_248, %parallel_loop3A_250 : i32
          %parallel_loop3A_252 = arith.constant 0 : i32
          %parallel_loop3A_253 = arith.cmpi sgt, %parallel_loop3A_248, %parallel_loop3A_252 : i32
          %parallel_loop3A_254 = arith.extui %parallel_loop3A_253 : i1 to i32
          %parallel_loop3A_255 = arith.constant 0 : i32
          %parallel_loop3A_256 = arith.cmpi slt, %parallel_loop3A_248, %parallel_loop3A_255 : i32
          %parallel_loop3A_257 = arith.extui %parallel_loop3A_256 : i1 to i32
          %parallel_loop3A_258 = arith.subi %parallel_loop3A_254, %parallel_loop3A_257 : i32
          %parallel_loop3A_259 = arith.constant 0 : i32
          %parallel_loop3A_260 = arith.cmpi sgt, %parallel_loop3A_250, %parallel_loop3A_259 : i32
          %parallel_loop3A_261 = arith.extui %parallel_loop3A_260 : i1 to i32
          %parallel_loop3A_262 = arith.constant 0 : i32
          %parallel_loop3A_263 = arith.cmpi slt, %parallel_loop3A_250, %parallel_loop3A_262 : i32
          %parallel_loop3A_264 = arith.extui %parallel_loop3A_263 : i1 to i32
          %parallel_loop3A_265 = arith.subi %parallel_loop3A_261, %parallel_loop3A_264 : i32
          %parallel_loop3A_266 = arith.cmpi ne, %parallel_loop3A_258, %parallel_loop3A_265 : i32
          %parallel_loop3A_267 = arith.remsi %parallel_loop3A_248, %parallel_loop3A_250 : i32
          %parallel_loop3A_268 = arith.constant 0 : i32
          %parallel_loop3A_269 = arith.cmpi ne, %parallel_loop3A_267, %parallel_loop3A_268 : i32
          %parallel_loop3A_270 = arith.andi %parallel_loop3A_266, %parallel_loop3A_269 : i1
          %parallel_loop3A_271 = arith.constant 1 : i32
          %parallel_loop3A_272 = arith.subi %parallel_loop3A_251, %parallel_loop3A_271 : i32
          %parallel_loop3A_273 = arith.select %parallel_loop3A_270, %parallel_loop3A_272, %parallel_loop3A_251 : i32
          %parallel_loop3A_274 = arith.constant 10 : i32
          %parallel_loop3A_275 = arith.constant 0 : i32
          %parallel_loop3A_276 = arith.cmpi eq, %parallel_loop3A_274, %parallel_loop3A_275 : i32
          %parallel_loop3A_277 = arith.constant 1 : i32
          %parallel_loop3A_278 = arith.select %parallel_loop3A_276, %parallel_loop3A_277, %parallel_loop3A_274 : i32
          %parallel_loop3A_279 = arith.remsi %parallel_loop3A_248, %parallel_loop3A_278 : i32
          %parallel_loop3A_280 = arith.constant 0 : i32
          %parallel_loop3A_281 = arith.cmpi ne, %parallel_loop3A_279, %parallel_loop3A_280 : i32
          %parallel_loop3A_282 = arith.constant 0 : i32
          %parallel_loop3A_283 = arith.cmpi slt, %parallel_loop3A_279, %parallel_loop3A_282 : i32
          %parallel_loop3A_284 = arith.constant 0 : i32
          %parallel_loop3A_285 = arith.cmpi slt, %parallel_loop3A_278, %parallel_loop3A_284 : i32
          %parallel_loop3A_286 = arith.xori %parallel_loop3A_283, %parallel_loop3A_285 : i1
          %parallel_loop3A_287 = arith.andi %parallel_loop3A_286, %parallel_loop3A_281 : i1
          %parallel_loop3A_288 = arith.addi %parallel_loop3A_279, %parallel_loop3A_278 : i32
          %parallel_loop3A_289 = arith.select %parallel_loop3A_287, %parallel_loop3A_288, %parallel_loop3A_279 : i32
          %parallel_loop3A_290 = arith.constant 0 : i32
          %parallel_loop3A_291 = vector.broadcast %parallel_loop3A_290 : i32 to vector<16xi32>
          %parallel_loop3A_292 = arith.constant 0 : i32
          %parallel_loop3A_293 = vector.broadcast %parallel_loop3A_292 : i32 to vector<16xi32>
          %parallel_loop3A_294 = arith.constant 10 : i32
          %parallel_loop3A_295 = arith.muli %parallel_loop3A_273, %parallel_loop3A_294 : i32
          %parallel_loop3A_296 = arith.constant 0 : i32
          %parallel_loop3A_297 = arith.addi %parallel_loop3A_295, %parallel_loop3A_296 : i32
          %parallel_loop3A_298 = arith.constant 112 : i32
          %parallel_loop3A_299 = arith.muli %parallel_loop3A_297, %parallel_loop3A_298 : i32
          %parallel_loop3A_300 = arith.constant 10 : i32
          %parallel_loop3A_301 = arith.muli %parallel_loop3A_289, %parallel_loop3A_300 : i32
          %parallel_loop3A_302 = arith.addi %parallel_loop3A_299, %parallel_loop3A_301 : i32
          %parallel_loop3A_303 = vector.broadcast %parallel_loop3A_302 : i32 to vector<16xi32>
          %parallel_loop3A_304 = arith.addi %parallel_loop3A_303, %get3A_64 : vector<16xi32>
          %parallel_loop3A_305 = tpu.vector_load_idx %arg11[%parallel_loop3A_304] : memref<11200xi32, #tpu.memory_space<vmem>>[vector<16xi32>], vector<16xi32>,
          %parallel_loop3A_306 = arith.addi %parallel_loop3A_291, %parallel_loop3A_305 : vector<16xi32>
          %parallel_loop3A_307 = arith.constant 10 : i32
          %parallel_loop3A_308 = arith.muli %parallel_loop3A_273, %parallel_loop3A_307 : i32
          %parallel_loop3A_309 = arith.constant 1 : i32
          %parallel_loop3A_310 = arith.addi %parallel_loop3A_308, %parallel_loop3A_309 : i32
          %parallel_loop3A_311 = arith.constant 112 : i32
          %parallel_loop3A_312 = arith.muli %parallel_loop3A_310, %parallel_loop3A_311 : i32
          %parallel_loop3A_313 = arith.constant 10 : i32
          %parallel_loop3A_314 = arith.muli %parallel_loop3A_289, %parallel_loop3A_313 : i32
          %parallel_loop3A_315 = arith.addi %parallel_loop3A_312, %parallel_loop3A_314 : i32
          %parallel_loop3A_316 = vector.broadcast %parallel_loop3A_315 : i32 to vector<16xi32>
          %parallel_loop3A_317 = arith.addi %parallel_loop3A_316, %get3A_68 : vector<16xi32>
          %parallel_loop3A_318 = tpu.vector_load_idx %arg11[%parallel_loop3A_317] : memref<11200xi32, #tpu.memory_space<vmem>>[vector<16xi32>], vector<16xi32>,
          %parallel_loop3A_319 = arith.addi %parallel_loop3A_293, %parallel_loop3A_318 : vector<16xi32>
          %parallel_loop3A_320 = arith.constant 10 : i32
          %parallel_loop3A_321 = arith.muli %parallel_loop3A_273, %parallel_loop3A_320 : i32
          %parallel_loop3A_322 = arith.constant 2 : i32
          %parallel_loop3A_323 = arith.addi %parallel_loop3A_321, %parallel_loop3A_322 : i32
          %parallel_loop3A_324 = arith.constant 112 : i32
          %parallel_loop3A_325 = arith.muli %parallel_loop3A_323, %parallel_loop3A_324 : i32
          %parallel_loop3A_326 = arith.constant 10 : i32
          %parallel_loop3A_327 = arith.muli %parallel_loop3A_289, %parallel_loop3A_326 : i32
          %parallel_loop3A_328 = arith.addi %parallel_loop3A_325, %parallel_loop3A_327 : i32
          %parallel_loop3A_329 = vector.broadcast %parallel_loop3A_328 : i32 to vector<16xi32>
          %parallel_loop3A_330 = arith.addi %parallel_loop3A_329, %get3A_72 : vector<16xi32>
          %parallel_loop3A_331 = tpu.vector_load_idx %arg11[%parallel_loop3A_330] : memref<11200xi32, #tpu.memory_space<vmem>>[vector<16xi32>], vector<16xi32>,
          %parallel_loop3A_332 = arith.addi %parallel_loop3A_306, %parallel_loop3A_331 : vector<16xi32>
          %parallel_loop3A_333 = arith.constant 10 : i32
          %parallel_loop3A_334 = arith.muli %parallel_loop3A_273, %parallel_loop3A_333 : i32
          %parallel_loop3A_335 = arith.constant 3 : i32
          %parallel_loop3A_336 = arith.addi %parallel_loop3A_334, %parallel_loop3A_335 : i32
          %parallel_loop3A_337 = arith.constant 112 : i32
          %parallel_loop3A_338 = arith.muli %parallel_loop3A_336, %parallel_loop3A_337 : i32
          %parallel_loop3A_339 = arith.constant 10 : i32
          %parallel_loop3A_340 = arith.muli %parallel_loop3A_289, %parallel_loop3A_339 : i32
          %parallel_loop3A_341 = arith.addi %parallel_loop3A_338, %parallel_loop3A_340 : i32
          %parallel_loop3A_342 = vector.broadcast %parallel_loop3A_341 : i32 to vector<16xi32>
          %parallel_loop3A_343 = arith.addi %parallel_loop3A_342, %get3A_76 : vector<16xi32>
          %parallel_loop3A_344 = tpu.vector_load_idx %arg11[%parallel_loop3A_343] : memref<11200xi32, #tpu.memory_space<vmem>>[vector<16xi32>], vector<16xi32>,
          %parallel_loop3A_345 = arith.addi %parallel_loop3A_319, %parallel_loop3A_344 : vector<16xi32>
          %parallel_loop3A_346 = arith.constant 10 : i32
          %parallel_loop3A_347 = arith.muli %parallel_loop3A_273, %parallel_loop3A_346 : i32
          %parallel_loop3A_348 = arith.constant 4 : i32
          %parallel_loop3A_349 = arith.addi %parallel_loop3A_347, %parallel_loop3A_348 : i32
          %parallel_loop3A_350 = arith.constant 112 : i32
          %parallel_loop3A_351 = arith.muli %parallel_loop3A_349, %parallel_loop3A_350 : i32
          %parallel_loop3A_352 = arith.constant 10 : i32
          %parallel_loop3A_353 = arith.muli %parallel_loop3A_289, %parallel_loop3A_352 : i32
          %parallel_loop3A_354 = arith.addi %parallel_loop3A_351, %parallel_loop3A_353 : i32
          %parallel_loop3A_355 = vector.broadcast %parallel_loop3A_354 : i32 to vector<16xi32>
          %parallel_loop3A_356 = arith.addi %parallel_loop3A_355, %get3A_80 : vector<16xi32>
          %parallel_loop3A_357 = tpu.vector_load_idx %arg11[%parallel_loop3A_356] : memref<11200xi32, #tpu.memory_space<vmem>>[vector<16xi32>], vector<16xi32>,
          %parallel_loop3A_358 = arith.addi %parallel_loop3A_332, %parallel_loop3A_357 : vector<16xi32>
          %parallel_loop3A_359 = arith.constant 10 : i32
          %parallel_loop3A_360 = arith.muli %parallel_loop3A_273, %parallel_loop3A_359 : i32
          %parallel_loop3A_361 = arith.constant 5 : i32
          %parallel_loop3A_362 = arith.addi %parallel_loop3A_360, %parallel_loop3A_361 : i32
          %parallel_loop3A_363 = arith.constant 112 : i32
          %parallel_loop3A_364 = arith.muli %parallel_loop3A_362, %parallel_loop3A_363 : i32
          %parallel_loop3A_365 = arith.constant 10 : i32
          %parallel_loop3A_366 = arith.muli %parallel_loop3A_289, %parallel_loop3A_365 : i32
          %parallel_loop3A_367 = arith.addi %parallel_loop3A_364, %parallel_loop3A_366 : i32
          %parallel_loop3A_368 = vector.broadcast %parallel_loop3A_367 : i32 to vector<16xi32>
          %parallel_loop3A_369 = arith.addi %parallel_loop3A_368, %get3A_84 : vector<16xi32>
          %parallel_loop3A_370 = tpu.vector_load_idx %arg11[%parallel_loop3A_369] : memref<11200xi32, #tpu.memory_space<vmem>>[vector<16xi32>], vector<16xi32>,
          %parallel_loop3A_371 = arith.addi %parallel_loop3A_345, %parallel_loop3A_370 : vector<16xi32>
          %parallel_loop3A_372 = arith.constant 10 : i32
          %parallel_loop3A_373 = arith.muli %parallel_loop3A_273, %parallel_loop3A_372 : i32
          %parallel_loop3A_374 = arith.constant 6 : i32
          %parallel_loop3A_375 = arith.addi %parallel_loop3A_373, %parallel_loop3A_374 : i32
          %parallel_loop3A_376 = arith.constant 112 : i32
          %parallel_loop3A_377 = arith.muli %parallel_loop3A_375, %parallel_loop3A_376 : i32
          %parallel_loop3A_378 = arith.constant 10 : i32
          %parallel_loop3A_379 = arith.muli %parallel_loop3A_289, %parallel_loop3A_378 : i32
          %parallel_loop3A_380 = arith.addi %parallel_loop3A_377, %parallel_loop3A_379 : i32
          %parallel_loop3A_381 = vector.broadcast %parallel_loop3A_380 : i32 to vector<16xi32>
          %parallel_loop3A_382 = arith.addi %parallel_loop3A_381, %get3A_88 : vector<16xi32>
          %parallel_loop3A_383 = tpu.vector_load_idx %arg11[%parallel_loop3A_382] : memref<11200xi32, #tpu.memory_space<vmem>>[vector<16xi32>], vector<16xi32>,
          %parallel_loop3A_384 = arith.addi %parallel_loop3A_358, %parallel_loop3A_383 : vector<16xi32>
          %parallel_loop3A_385 = arith.constant 10 : i32
          %parallel_loop3A_386 = arith.muli %parallel_loop3A_273, %parallel_loop3A_385 : i32
          %parallel_loop3A_387 = arith.constant 7 : i32
          %parallel_loop3A_388 = arith.addi %parallel_loop3A_386, %parallel_loop3A_387 : i32
          %parallel_loop3A_389 = arith.constant 112 : i32
          %parallel_loop3A_390 = arith.muli %parallel_loop3A_388, %parallel_loop3A_389 : i32
          %parallel_loop3A_391 = arith.constant 10 : i32
          %parallel_loop3A_392 = arith.muli %parallel_loop3A_289, %parallel_loop3A_391 : i32
          %parallel_loop3A_393 = arith.addi %parallel_loop3A_390, %parallel_loop3A_392 : i32
          %parallel_loop3A_394 = vector.broadcast %parallel_loop3A_393 : i32 to vector<16xi32>
          %parallel_loop3A_395 = arith.addi %parallel_loop3A_394, %get3A_92 : vector<16xi32>
          %parallel_loop3A_396 = tpu.vector_load_idx %arg11[%parallel_loop3A_395] : memref<11200xi32, #tpu.memory_space<vmem>>[vector<16xi32>], vector<16xi32>,
          %parallel_loop3A_397 = arith.addi %parallel_loop3A_371, %parallel_loop3A_396 : vector<16xi32>
          %parallel_loop3A_398 = arith.constant 10 : i32
          %parallel_loop3A_399 = arith.muli %parallel_loop3A_273, %parallel_loop3A_398 : i32
          %parallel_loop3A_400 = arith.constant 8 : i32
          %parallel_loop3A_401 = arith.addi %parallel_loop3A_399, %parallel_loop3A_400 : i32
          %parallel_loop3A_402 = arith.constant 112 : i32
          %parallel_loop3A_403 = arith.muli %parallel_loop3A_401, %parallel_loop3A_402 : i32
          %parallel_loop3A_404 = arith.constant 10 : i32
          %parallel_loop3A_405 = arith.muli %parallel_loop3A_289, %parallel_loop3A_404 : i32
          %parallel_loop3A_406 = arith.addi %parallel_loop3A_403, %parallel_loop3A_405 : i32
          %parallel_loop3A_407 = vector.broadcast %parallel_loop3A_406 : i32 to vector<16xi32>
          %parallel_loop3A_408 = arith.addi %parallel_loop3A_407, %get3A_96 : vector<16xi32>
          %parallel_loop3A_409 = tpu.vector_load_idx %arg11[%parallel_loop3A_408] : memref<11200xi32, #tpu.memory_space<vmem>>[vector<16xi32>], vector<16xi32>,
          %parallel_loop3A_410 = arith.addi %parallel_loop3A_384, %parallel_loop3A_409 : vector<16xi32>
          %parallel_loop3A_411 = arith.constant 10 : i32
          %parallel_loop3A_412 = arith.muli %parallel_loop3A_273, %parallel_loop3A_411 : i32
          %parallel_loop3A_413 = arith.constant 9 : i32
          %parallel_loop3A_414 = arith.addi %parallel_loop3A_412, %parallel_loop3A_413 : i32
          %parallel_loop3A_415 = arith.constant 112 : i32
          %parallel_loop3A_416 = arith.muli %parallel_loop3A_414, %parallel_loop3A_415 : i32
          %parallel_loop3A_417 = arith.constant 10 : i32
          %parallel_loop3A_418 = arith.muli %parallel_loop3A_289, %parallel_loop3A_417 : i32
          %parallel_loop3A_419 = arith.addi %parallel_loop3A_416, %parallel_loop3A_418 : i32
          %parallel_loop3A_420 = vector.broadcast %parallel_loop3A_419 : i32 to vector<16xi32>
          %parallel_loop3A_421 = arith.addi %parallel_loop3A_420, %get3A_100 : vector<16xi32>
          %parallel_loop3A_422 = tpu.vector_load_idx %arg11[%parallel_loop3A_421] : memref<11200xi32, #tpu.memory_space<vmem>>[vector<16xi32>], vector<16xi32>,
          %parallel_loop3A_423 = arith.addi %parallel_loop3A_397, %parallel_loop3A_422 : vector<16xi32>
          %parallel_loop3A_424 = arith.addi %parallel_loop3A_410, %parallel_loop3A_423 : vector<16xi32>
          %parallel_loop3A_425 = arith.minsi %parallel_loop3A_249, %parallel_loop3A_424 : vector<16xi32>
          scf.yield %parallel_loop3A_425 : vector<16xi32>
        } {sc.loop_unroll_factor = 2 : i64, sc.parallel_access}
        %get3A_104 = arith.constant 0 : i32
        %get3A_105 = arith.index_cast %get3A_104 : i32 to index
        %get3A_106 = arith.constant 16 : index
        %get3A_107 = tpu.vector_load %arg10[%get3A_105, %get3A_106] {strides = array<i32>} : memref<10x64xi32, #tpu.memory_space<vmem>>, vector<16xi32>,
        %get3A_108 = arith.constant 1 : i32
        %get3A_109 = arith.index_cast %get3A_108 : i32 to index
        %get3A_110 = arith.constant 16 : index
        %get3A_111 = tpu.vector_load %arg10[%get3A_109, %get3A_110] {strides = array<i32>} : memref<10x64xi32, #tpu.memory_space<vmem>>, vector<16xi32>,
        %get3A_112 = arith.constant 2 : i32
        %get3A_113 = arith.index_cast %get3A_112 : i32 to index
        %get3A_114 = arith.constant 16 : index
        %get3A_115 = tpu.vector_load %arg10[%get3A_113, %get3A_114] {strides = array<i32>} : memref<10x64xi32, #tpu.memory_space<vmem>>, vector<16xi32>,
        %get3A_116 = arith.constant 3 : i32
        %get3A_117 = arith.index_cast %get3A_116 : i32 to index
        %get3A_118 = arith.constant 16 : index
        %get3A_119 = tpu.vector_load %arg10[%get3A_117, %get3A_118] {strides = array<i32>} : memref<10x64xi32, #tpu.memory_space<vmem>>, vector<16xi32>,
        %get3A_120 = arith.constant 4 : i32
        %get3A_121 = arith.index_cast %get3A_120 : i32 to index
        %get3A_122 = arith.constant 16 : index
        %get3A_123 = tpu.vector_load %arg10[%get3A_121, %get3A_122] {strides = array<i32>} : memref<10x64xi32, #tpu.memory_space<vmem>>, vector<16xi32>,
        %get3A_124 = arith.constant 5 : i32
        %get3A_125 = arith.index_cast %get3A_124 : i32 to index
        %get3A_126 = arith.constant 16 : index
        %get3A_127 = tpu.vector_load %arg10[%get3A_125, %get3A_126] {strides = array<i32>} : memref<10x64xi32, #tpu.memory_space<vmem>>, vector<16xi32>,
        %get3A_128 = arith.constant 6 : i32
        %get3A_129 = arith.index_cast %get3A_128 : i32 to index
        %get3A_130 = arith.constant 16 : index
        %get3A_131 = tpu.vector_load %arg10[%get3A_129, %get3A_130] {strides = array<i32>} : memref<10x64xi32, #tpu.memory_space<vmem>>, vector<16xi32>,
        %get3A_132 = arith.constant 7 : i32
        %get3A_133 = arith.index_cast %get3A_132 : i32 to index
        %get3A_134 = arith.constant 16 : index
        %get3A_135 = tpu.vector_load %arg10[%get3A_133, %get3A_134] {strides = array<i32>} : memref<10x64xi32, #tpu.memory_space<vmem>>, vector<16xi32>,
        %get3A_136 = arith.constant 8 : i32
        %get3A_137 = arith.index_cast %get3A_136 : i32 to index
        %get3A_138 = arith.constant 16 : index
        %get3A_139 = tpu.vector_load %arg10[%get3A_137, %get3A_138] {strides = array<i32>} : memref<10x64xi32, #tpu.memory_space<vmem>>, vector<16xi32>,
        %get3A_140 = arith.constant 9 : i32
        %get3A_141 = arith.index_cast %get3A_140 : i32 to index
        %get3A_142 = arith.constant 16 : index
        %get3A_143 = tpu.vector_load %arg10[%get3A_141, %get3A_142] {strides = array<i32>} : memref<10x64xi32, #tpu.memory_space<vmem>>, vector<16xi32>,
        %parallel_loop3A_144 = arith.constant 0 : i32
        %parallel_loop3A_145 = arith.constant 100 : i32
        %parallel_loop3A_146 = arith.constant 1 : i32
        %parallel_loop3A_147 = scf.for %parallel_loop3A_248 = %parallel_loop3A_144 to %parallel_loop3A_145 step %parallel_loop3A_146 iter_args(%parallel_loop3A_249 = %parallel_loop3A_103) -> (vector<16xi32>)  : i32 {
          %parallel_loop3A_250 = arith.constant 10 : i32
          %parallel_loop3A_251 = arith.divsi %parallel_loop3A_248, %parallel_loop3A_250 : i32
          %parallel_loop3A_252 = arith.constant 0 : i32
          %parallel_loop3A_253 = arith.cmpi sgt, %parallel_loop3A_248, %parallel_loop3A_252 : i32
          %parallel_loop3A_254 = arith.extui %parallel_loop3A_253 : i1 to i32
          %parallel_loop3A_255 = arith.constant 0 : i32
          %parallel_loop3A_256 = arith.cmpi slt, %parallel_loop3A_248, %parallel_loop3A_255 : i32
          %parallel_loop3A_257 = arith.extui %parallel_loop3A_256 : i1 to i32
          %parallel_loop3A_258 = arith.subi %parallel_loop3A_254, %parallel_loop3A_257 : i32
          %parallel_loop3A_259 = arith.constant 0 : i32
          %parallel_loop3A_260 = arith.cmpi sgt, %parallel_loop3A_250, %parallel_loop3A_259 : i32
          %parallel_loop3A_261 = arith.extui %parallel_loop3A_260 : i1 to i32
          %parallel_loop3A_262 = arith.constant 0 : i32
          %parallel_loop3A_263 = arith.cmpi slt, %parallel_loop3A_250, %parallel_loop3A_262 : i32
          %parallel_loop3A_264 = arith.extui %parallel_loop3A_263 : i1 to i32
          %parallel_loop3A_265 = arith.subi %parallel_loop3A_261, %parallel_loop3A_264 : i32
          %parallel_loop3A_266 = arith.cmpi ne, %parallel_loop3A_258, %parallel_loop3A_265 : i32
          %parallel_loop3A_267 = arith.remsi %parallel_loop3A_248, %parallel_loop3A_250 : i32
          %parallel_loop3A_268 = arith.constant 0 : i32
          %parallel_loop3A_269 = arith.cmpi ne, %parallel_loop3A_267, %parallel_loop3A_268 : i32
          %parallel_loop3A_270 = arith.andi %parallel_loop3A_266, %parallel_loop3A_269 : i1
          %parallel_loop3A_271 = arith.constant 1 : i32
          %parallel_loop3A_272 = arith.subi %parallel_loop3A_251, %parallel_loop3A_271 : i32
          %parallel_loop3A_273 = arith.select %parallel_loop3A_270, %parallel_loop3A_272, %parallel_loop3A_251 : i32
          %parallel_loop3A_274 = arith.constant 10 : i32
          %parallel_loop3A_275 = arith.constant 0 : i32
          %parallel_loop3A_276 = arith.cmpi eq, %parallel_loop3A_274, %parallel_loop3A_275 : i32
          %parallel_loop3A_277 = arith.constant 1 : i32
          %parallel_loop3A_278 = arith.select %parallel_loop3A_276, %parallel_loop3A_277, %parallel_loop3A_274 : i32
          %parallel_loop3A_279 = arith.remsi %parallel_loop3A_248, %parallel_loop3A_278 : i32
          %parallel_loop3A_280 = arith.constant 0 : i32
          %parallel_loop3A_281 = arith.cmpi ne, %parallel_loop3A_279, %parallel_loop3A_280 : i32
          %parallel_loop3A_282 = arith.constant 0 : i32
          %parallel_loop3A_283 = arith.cmpi slt, %parallel_loop3A_279, %parallel_loop3A_282 : i32
          %parallel_loop3A_284 = arith.constant 0 : i32
          %parallel_loop3A_285 = arith.cmpi slt, %parallel_loop3A_278, %parallel_loop3A_284 : i32
          %parallel_loop3A_286 = arith.xori %parallel_loop3A_283, %parallel_loop3A_285 : i1
          %parallel_loop3A_287 = arith.andi %parallel_loop3A_286, %parallel_loop3A_281 : i1
          %parallel_loop3A_288 = arith.addi %parallel_loop3A_279, %parallel_loop3A_278 : i32
          %parallel_loop3A_289 = arith.select %parallel_loop3A_287, %parallel_loop3A_288, %parallel_loop3A_279 : i32
          %parallel_loop3A_290 = arith.constant 0 : i32
          %parallel_loop3A_291 = vector.broadcast %parallel_loop3A_290 : i32 to vector<16xi32>
          %parallel_loop3A_292 = arith.constant 0 : i32
          %parallel_loop3A_293 = vector.broadcast %parallel_loop3A_292 : i32 to vector<16xi32>
          %parallel_loop3A_294 = arith.constant 10 : i32
          %parallel_loop3A_295 = arith.muli %parallel_loop3A_273, %parallel_loop3A_294 : i32
          %parallel_loop3A_296 = arith.constant 0 : i32
          %parallel_loop3A_297 = arith.addi %parallel_loop3A_295, %parallel_loop3A_296 : i32
          %parallel_loop3A_298 = arith.constant 112 : i32
          %parallel_loop3A_299 = arith.muli %parallel_loop3A_297, %parallel_loop3A_298 : i32
          %parallel_loop3A_300 = arith.constant 10 : i32
          %parallel_loop3A_301 = arith.muli %parallel_loop3A_289, %parallel_loop3A_300 : i32
          %parallel_loop3A_302 = arith.addi %parallel_loop3A_299, %parallel_loop3A_301 : i32
          %parallel_loop3A_303 = vector.broadcast %parallel_loop3A_302 : i32 to vector<16xi32>
          %parallel_loop3A_304 = arith.addi %parallel_loop3A_303, %get3A_107 : vector<16xi32>
          %parallel_loop3A_305 = tpu.vector_load_idx %arg11[%parallel_loop3A_304] : memref<11200xi32, #tpu.memory_space<vmem>>[vector<16xi32>], vector<16xi32>,
          %parallel_loop3A_306 = arith.addi %parallel_loop3A_291, %parallel_loop3A_305 : vector<16xi32>
          %parallel_loop3A_307 = arith.constant 10 : i32
          %parallel_loop3A_308 = arith.muli %parallel_loop3A_273, %parallel_loop3A_307 : i32
          %parallel_loop3A_309 = arith.constant 1 : i32
          %parallel_loop3A_310 = arith.addi %parallel_loop3A_308, %parallel_loop3A_309 : i32
          %parallel_loop3A_311 = arith.constant 112 : i32
          %parallel_loop3A_312 = arith.muli %parallel_loop3A_310, %parallel_loop3A_311 : i32
          %parallel_loop3A_313 = arith.constant 10 : i32
          %parallel_loop3A_314 = arith.muli %parallel_loop3A_289, %parallel_loop3A_313 : i32
          %parallel_loop3A_315 = arith.addi %parallel_loop3A_312, %parallel_loop3A_314 : i32
          %parallel_loop3A_316 = vector.broadcast %parallel_loop3A_315 : i32 to vector<16xi32>
          %parallel_loop3A_317 = arith.addi %parallel_loop3A_316, %get3A_111 : vector<16xi32>
          %parallel_loop3A_318 = tpu.vector_load_idx %arg11[%parallel_loop3A_317] : memref<11200xi32, #tpu.memory_space<vmem>>[vector<16xi32>], vector<16xi32>,
          %parallel_loop3A_319 = arith.addi %parallel_loop3A_293, %parallel_loop3A_318 : vector<16xi32>
          %parallel_loop3A_320 = arith.constant 10 : i32
          %parallel_loop3A_321 = arith.muli %parallel_loop3A_273, %parallel_loop3A_320 : i32
          %parallel_loop3A_322 = arith.constant 2 : i32
          %parallel_loop3A_323 = arith.addi %parallel_loop3A_321, %parallel_loop3A_322 : i32
          %parallel_loop3A_324 = arith.constant 112 : i32
          %parallel_loop3A_325 = arith.muli %parallel_loop3A_323, %parallel_loop3A_324 : i32
          %parallel_loop3A_326 = arith.constant 10 : i32
          %parallel_loop3A_327 = arith.muli %parallel_loop3A_289, %parallel_loop3A_326 : i32
          %parallel_loop3A_328 = arith.addi %parallel_loop3A_325, %parallel_loop3A_327 : i32
          %parallel_loop3A_329 = vector.broadcast %parallel_loop3A_328 : i32 to vector<16xi32>
          %parallel_loop3A_330 = arith.addi %parallel_loop3A_329, %get3A_115 : vector<16xi32>
          %parallel_loop3A_331 = tpu.vector_load_idx %arg11[%parallel_loop3A_330] : memref<11200xi32, #tpu.memory_space<vmem>>[vector<16xi32>], vector<16xi32>,
          %parallel_loop3A_332 = arith.addi %parallel_loop3A_306, %parallel_loop3A_331 : vector<16xi32>
          %parallel_loop3A_333 = arith.constant 10 : i32
          %parallel_loop3A_334 = arith.muli %parallel_loop3A_273, %parallel_loop3A_333 : i32
          %parallel_loop3A_335 = arith.constant 3 : i32
          %parallel_loop3A_336 = arith.addi %parallel_loop3A_334, %parallel_loop3A_335 : i32
          %parallel_loop3A_337 = arith.constant 112 : i32
          %parallel_loop3A_338 = arith.muli %parallel_loop3A_336, %parallel_loop3A_337 : i32
          %parallel_loop3A_339 = arith.constant 10 : i32
          %parallel_loop3A_340 = arith.muli %parallel_loop3A_289, %parallel_loop3A_339 : i32
          %parallel_loop3A_341 = arith.addi %parallel_loop3A_338, %parallel_loop3A_340 : i32
          %parallel_loop3A_342 = vector.broadcast %parallel_loop3A_341 : i32 to vector<16xi32>
          %parallel_loop3A_343 = arith.addi %parallel_loop3A_342, %get3A_119 : vector<16xi32>
          %parallel_loop3A_344 = tpu.vector_load_idx %arg11[%parallel_loop3A_343] : memref<11200xi32, #tpu.memory_space<vmem>>[vector<16xi32>], vector<16xi32>,
          %parallel_loop3A_345 = arith.addi %parallel_loop3A_319, %parallel_loop3A_344 : vector<16xi32>
          %parallel_loop3A_346 = arith.constant 10 : i32
          %parallel_loop3A_347 = arith.muli %parallel_loop3A_273, %parallel_loop3A_346 : i32
          %parallel_loop3A_348 = arith.constant 4 : i32
          %parallel_loop3A_349 = arith.addi %parallel_loop3A_347, %parallel_loop3A_348 : i32
          %parallel_loop3A_350 = arith.constant 112 : i32
          %parallel_loop3A_351 = arith.muli %parallel_loop3A_349, %parallel_loop3A_350 : i32
          %parallel_loop3A_352 = arith.constant 10 : i32
          %parallel_loop3A_353 = arith.muli %parallel_loop3A_289, %parallel_loop3A_352 : i32
          %parallel_loop3A_354 = arith.addi %parallel_loop3A_351, %parallel_loop3A_353 : i32
          %parallel_loop3A_355 = vector.broadcast %parallel_loop3A_354 : i32 to vector<16xi32>
          %parallel_loop3A_356 = arith.addi %parallel_loop3A_355, %get3A_123 : vector<16xi32>
          %parallel_loop3A_357 = tpu.vector_load_idx %arg11[%parallel_loop3A_356] : memref<11200xi32, #tpu.memory_space<vmem>>[vector<16xi32>], vector<16xi32>,
          %parallel_loop3A_358 = arith.addi %parallel_loop3A_332, %parallel_loop3A_357 : vector<16xi32>
          %parallel_loop3A_359 = arith.constant 10 : i32
          %parallel_loop3A_360 = arith.muli %parallel_loop3A_273, %parallel_loop3A_359 : i32
          %parallel_loop3A_361 = arith.constant 5 : i32
          %parallel_loop3A_362 = arith.addi %parallel_loop3A_360, %parallel_loop3A_361 : i32
          %parallel_loop3A_363 = arith.constant 112 : i32
          %parallel_loop3A_364 = arith.muli %parallel_loop3A_362, %parallel_loop3A_363 : i32
          %parallel_loop3A_365 = arith.constant 10 : i32
          %parallel_loop3A_366 = arith.muli %parallel_loop3A_289, %parallel_loop3A_365 : i32
          %parallel_loop3A_367 = arith.addi %parallel_loop3A_364, %parallel_loop3A_366 : i32
          %parallel_loop3A_368 = vector.broadcast %parallel_loop3A_367 : i32 to vector<16xi32>
          %parallel_loop3A_369 = arith.addi %parallel_loop3A_368, %get3A_127 : vector<16xi32>
          %parallel_loop3A_370 = tpu.vector_load_idx %arg11[%parallel_loop3A_369] : memref<11200xi32, #tpu.memory_space<vmem>>[vector<16xi32>], vector<16xi32>,
          %parallel_loop3A_371 = arith.addi %parallel_loop3A_345, %parallel_loop3A_370 : vector<16xi32>
          %parallel_loop3A_372 = arith.constant 10 : i32
          %parallel_loop3A_373 = arith.muli %parallel_loop3A_273, %parallel_loop3A_372 : i32
          %parallel_loop3A_374 = arith.constant 6 : i32
          %parallel_loop3A_375 = arith.addi %parallel_loop3A_373, %parallel_loop3A_374 : i32
          %parallel_loop3A_376 = arith.constant 112 : i32
          %parallel_loop3A_377 = arith.muli %parallel_loop3A_375, %parallel_loop3A_376 : i32
          %parallel_loop3A_378 = arith.constant 10 : i32
          %parallel_loop3A_379 = arith.muli %parallel_loop3A_289, %parallel_loop3A_378 : i32
          %parallel_loop3A_380 = arith.addi %parallel_loop3A_377, %parallel_loop3A_379 : i32
          %parallel_loop3A_381 = vector.broadcast %parallel_loop3A_380 : i32 to vector<16xi32>
          %parallel_loop3A_382 = arith.addi %parallel_loop3A_381, %get3A_131 : vector<16xi32>
          %parallel_loop3A_383 = tpu.vector_load_idx %arg11[%parallel_loop3A_382] : memref<11200xi32, #tpu.memory_space<vmem>>[vector<16xi32>], vector<16xi32>,
          %parallel_loop3A_384 = arith.addi %parallel_loop3A_358, %parallel_loop3A_383 : vector<16xi32>
          %parallel_loop3A_385 = arith.constant 10 : i32
          %parallel_loop3A_386 = arith.muli %parallel_loop3A_273, %parallel_loop3A_385 : i32
          %parallel_loop3A_387 = arith.constant 7 : i32
          %parallel_loop3A_388 = arith.addi %parallel_loop3A_386, %parallel_loop3A_387 : i32
          %parallel_loop3A_389 = arith.constant 112 : i32
          %parallel_loop3A_390 = arith.muli %parallel_loop3A_388, %parallel_loop3A_389 : i32
          %parallel_loop3A_391 = arith.constant 10 : i32
          %parallel_loop3A_392 = arith.muli %parallel_loop3A_289, %parallel_loop3A_391 : i32
          %parallel_loop3A_393 = arith.addi %parallel_loop3A_390, %parallel_loop3A_392 : i32
          %parallel_loop3A_394 = vector.broadcast %parallel_loop3A_393 : i32 to vector<16xi32>
          %parallel_loop3A_395 = arith.addi %parallel_loop3A_394, %get3A_135 : vector<16xi32>
          %parallel_loop3A_396 = tpu.vector_load_idx %arg11[%parallel_loop3A_395] : memref<11200xi32, #tpu.memory_space<vmem>>[vector<16xi32>], vector<16xi32>,
          %parallel_loop3A_397 = arith.addi %parallel_loop3A_371, %parallel_loop3A_396 : vector<16xi32>
          %parallel_loop3A_398 = arith.constant 10 : i32
          %parallel_loop3A_399 = arith.muli %parallel_loop3A_273, %parallel_loop3A_398 : i32
          %parallel_loop3A_400 = arith.constant 8 : i32
          %parallel_loop3A_401 = arith.addi %parallel_loop3A_399, %parallel_loop3A_400 : i32
          %parallel_loop3A_402 = arith.constant 112 : i32
          %parallel_loop3A_403 = arith.muli %parallel_loop3A_401, %parallel_loop3A_402 : i32
          %parallel_loop3A_404 = arith.constant 10 : i32
          %parallel_loop3A_405 = arith.muli %parallel_loop3A_289, %parallel_loop3A_404 : i32
          %parallel_loop3A_406 = arith.addi %parallel_loop3A_403, %parallel_loop3A_405 : i32
          %parallel_loop3A_407 = vector.broadcast %parallel_loop3A_406 : i32 to vector<16xi32>
          %parallel_loop3A_408 = arith.addi %parallel_loop3A_407, %get3A_139 : vector<16xi32>
          %parallel_loop3A_409 = tpu.vector_load_idx %arg11[%parallel_loop3A_408] : memref<11200xi32, #tpu.memory_space<vmem>>[vector<16xi32>], vector<16xi32>,
          %parallel_loop3A_410 = arith.addi %parallel_loop3A_384, %parallel_loop3A_409 : vector<16xi32>
          %parallel_loop3A_411 = arith.constant 10 : i32
          %parallel_loop3A_412 = arith.muli %parallel_loop3A_273, %parallel_loop3A_411 : i32
          %parallel_loop3A_413 = arith.constant 9 : i32
          %parallel_loop3A_414 = arith.addi %parallel_loop3A_412, %parallel_loop3A_413 : i32
          %parallel_loop3A_415 = arith.constant 112 : i32
          %parallel_loop3A_416 = arith.muli %parallel_loop3A_414, %parallel_loop3A_415 : i32
          %parallel_loop3A_417 = arith.constant 10 : i32
          %parallel_loop3A_418 = arith.muli %parallel_loop3A_289, %parallel_loop3A_417 : i32
          %parallel_loop3A_419 = arith.addi %parallel_loop3A_416, %parallel_loop3A_418 : i32
          %parallel_loop3A_420 = vector.broadcast %parallel_loop3A_419 : i32 to vector<16xi32>
          %parallel_loop3A_421 = arith.addi %parallel_loop3A_420, %get3A_143 : vector<16xi32>
          %parallel_loop3A_422 = tpu.vector_load_idx %arg11[%parallel_loop3A_421] : memref<11200xi32, #tpu.memory_space<vmem>>[vector<16xi32>], vector<16xi32>,
          %parallel_loop3A_423 = arith.addi %parallel_loop3A_397, %parallel_loop3A_422 : vector<16xi32>
          %parallel_loop3A_424 = arith.addi %parallel_loop3A_410, %parallel_loop3A_423 : vector<16xi32>
          %parallel_loop3A_425 = arith.minsi %parallel_loop3A_249, %parallel_loop3A_424 : vector<16xi32>
          scf.yield %parallel_loop3A_425 : vector<16xi32>
        } {sc.loop_unroll_factor = 2 : i64, sc.parallel_access}
        %get3A_148 = arith.constant 0 : i32
        %get3A_149 = arith.index_cast %get3A_148 : i32 to index
        %get3A_150 = arith.constant 32 : index
        %get3A_151 = tpu.vector_load %arg10[%get3A_149, %get3A_150] {strides = array<i32>} : memref<10x64xi32, #tpu.memory_space<vmem>>, vector<16xi32>,
        %get3A_152 = arith.constant 1 : i32
        %get3A_153 = arith.index_cast %get3A_152 : i32 to index
        %get3A_154 = arith.constant 32 : index
        %get3A_155 = tpu.vector_load %arg10[%get3A_153, %get3A_154] {strides = array<i32>} : memref<10x64xi32, #tpu.memory_space<vmem>>, vector<16xi32>,
        %get3A_156 = arith.constant 2 : i32
        %get3A_157 = arith.index_cast %get3A_156 : i32 to index
        %get3A_158 = arith.constant 32 : index
        %get3A_159 = tpu.vector_load %arg10[%get3A_157, %get3A_158] {strides = array<i32>} : memref<10x64xi32, #tpu.memory_space<vmem>>, vector<16xi32>,
        %get3A_160 = arith.constant 3 : i32
        %get3A_161 = arith.index_cast %get3A_160 : i32 to index
        %get3A_162 = arith.constant 32 : index
        %get3A_163 = tpu.vector_load %arg10[%get3A_161, %get3A_162] {strides = array<i32>} : memref<10x64xi32, #tpu.memory_space<vmem>>, vector<16xi32>,
        %get3A_164 = arith.constant 4 : i32
        %get3A_165 = arith.index_cast %get3A_164 : i32 to index
        %get3A_166 = arith.constant 32 : index
        %get3A_167 = tpu.vector_load %arg10[%get3A_165, %get3A_166] {strides = array<i32>} : memref<10x64xi32, #tpu.memory_space<vmem>>, vector<16xi32>,
        %get3A_168 = arith.constant 5 : i32
        %get3A_169 = arith.index_cast %get3A_168 : i32 to index
        %get3A_170 = arith.constant 32 : index
        %get3A_171 = tpu.vector_load %arg10[%get3A_169, %get3A_170] {strides = array<i32>} : memref<10x64xi32, #tpu.memory_space<vmem>>, vector<16xi32>,
        %get3A_172 = arith.constant 6 : i32
        %get3A_173 = arith.index_cast %get3A_172 : i32 to index
        %get3A_174 = arith.constant 32 : index
        %get3A_175 = tpu.vector_load %arg10[%get3A_173, %get3A_174] {strides = array<i32>} : memref<10x64xi32, #tpu.memory_space<vmem>>, vector<16xi32>,
        %get3A_176 = arith.constant 7 : i32
        %get3A_177 = arith.index_cast %get3A_176 : i32 to index
        %get3A_178 = arith.constant 32 : index
        %get3A_179 = tpu.vector_load %arg10[%get3A_177, %get3A_178] {strides = array<i32>} : memref<10x64xi32, #tpu.memory_space<vmem>>, vector<16xi32>,
        %get3A_180 = arith.constant 8 : i32
        %get3A_181 = arith.index_cast %get3A_180 : i32 to index
        %get3A_182 = arith.constant 32 : index
        %get3A_183 = tpu.vector_load %arg10[%get3A_181, %get3A_182] {strides = array<i32>} : memref<10x64xi32, #tpu.memory_space<vmem>>, vector<16xi32>,
        %get3A_184 = arith.constant 9 : i32
        %get3A_185 = arith.index_cast %get3A_184 : i32 to index
        %get3A_186 = arith.constant 32 : index
        %get3A_187 = tpu.vector_load %arg10[%get3A_185, %get3A_186] {strides = array<i32>} : memref<10x64xi32, #tpu.memory_space<vmem>>, vector<16xi32>,
        %parallel_loop3A_188 = arith.constant 0 : i32
        %parallel_loop3A_189 = arith.constant 100 : i32
        %parallel_loop3A_190 = arith.constant 1 : i32
        %parallel_loop3A_191 = scf.for %parallel_loop3A_248 = %parallel_loop3A_188 to %parallel_loop3A_189 step %parallel_loop3A_190 iter_args(%parallel_loop3A_249 = %parallel_loop3A_147) -> (vector<16xi32>)  : i32 {
          %parallel_loop3A_250 = arith.constant 10 : i32
          %parallel_loop3A_251 = arith.divsi %parallel_loop3A_248, %parallel_loop3A_250 : i32
          %parallel_loop3A_252 = arith.constant 0 : i32
          %parallel_loop3A_253 = arith.cmpi sgt, %parallel_loop3A_248, %parallel_loop3A_252 : i32
          %parallel_loop3A_254 = arith.extui %parallel_loop3A_253 : i1 to i32
          %parallel_loop3A_255 = arith.constant 0 : i32
          %parallel_loop3A_256 = arith.cmpi slt, %parallel_loop3A_248, %parallel_loop3A_255 : i32
          %parallel_loop3A_257 = arith.extui %parallel_loop3A_256 : i1 to i32
          %parallel_loop3A_258 = arith.subi %parallel_loop3A_254, %parallel_loop3A_257 : i32
          %parallel_loop3A_259 = arith.constant 0 : i32
          %parallel_loop3A_260 = arith.cmpi sgt, %parallel_loop3A_250, %parallel_loop3A_259 : i32
          %parallel_loop3A_261 = arith.extui %parallel_loop3A_260 : i1 to i32
          %parallel_loop3A_262 = arith.constant 0 : i32
          %parallel_loop3A_263 = arith.cmpi slt, %parallel_loop3A_250, %parallel_loop3A_262 : i32
          %parallel_loop3A_264 = arith.extui %parallel_loop3A_263 : i1 to i32
          %parallel_loop3A_265 = arith.subi %parallel_loop3A_261, %parallel_loop3A_264 : i32
          %parallel_loop3A_266 = arith.cmpi ne, %parallel_loop3A_258, %parallel_loop3A_265 : i32
          %parallel_loop3A_267 = arith.remsi %parallel_loop3A_248, %parallel_loop3A_250 : i32
          %parallel_loop3A_268 = arith.constant 0 : i32
          %parallel_loop3A_269 = arith.cmpi ne, %parallel_loop3A_267, %parallel_loop3A_268 : i32
          %parallel_loop3A_270 = arith.andi %parallel_loop3A_266, %parallel_loop3A_269 : i1
          %parallel_loop3A_271 = arith.constant 1 : i32
          %parallel_loop3A_272 = arith.subi %parallel_loop3A_251, %parallel_loop3A_271 : i32
          %parallel_loop3A_273 = arith.select %parallel_loop3A_270, %parallel_loop3A_272, %parallel_loop3A_251 : i32
          %parallel_loop3A_274 = arith.constant 10 : i32
          %parallel_loop3A_275 = arith.constant 0 : i32
          %parallel_loop3A_276 = arith.cmpi eq, %parallel_loop3A_274, %parallel_loop3A_275 : i32
          %parallel_loop3A_277 = arith.constant 1 : i32
          %parallel_loop3A_278 = arith.select %parallel_loop3A_276, %parallel_loop3A_277, %parallel_loop3A_274 : i32
          %parallel_loop3A_279 = arith.remsi %parallel_loop3A_248, %parallel_loop3A_278 : i32
          %parallel_loop3A_280 = arith.constant 0 : i32
          %parallel_loop3A_281 = arith.cmpi ne, %parallel_loop3A_279, %parallel_loop3A_280 : i32
          %parallel_loop3A_282 = arith.constant 0 : i32
          %parallel_loop3A_283 = arith.cmpi slt, %parallel_loop3A_279, %parallel_loop3A_282 : i32
          %parallel_loop3A_284 = arith.constant 0 : i32
          %parallel_loop3A_285 = arith.cmpi slt, %parallel_loop3A_278, %parallel_loop3A_284 : i32
          %parallel_loop3A_286 = arith.xori %parallel_loop3A_283, %parallel_loop3A_285 : i1
          %parallel_loop3A_287 = arith.andi %parallel_loop3A_286, %parallel_loop3A_281 : i1
          %parallel_loop3A_288 = arith.addi %parallel_loop3A_279, %parallel_loop3A_278 : i32
          %parallel_loop3A_289 = arith.select %parallel_loop3A_287, %parallel_loop3A_288, %parallel_loop3A_279 : i32
          %parallel_loop3A_290 = arith.constant 0 : i32
          %parallel_loop3A_291 = vector.broadcast %parallel_loop3A_290 : i32 to vector<16xi32>
          %parallel_loop3A_292 = arith.constant 0 : i32
          %parallel_loop3A_293 = vector.broadcast %parallel_loop3A_292 : i32 to vector<16xi32>
          %parallel_loop3A_294 = arith.constant 10 : i32
          %parallel_loop3A_295 = arith.muli %parallel_loop3A_273, %parallel_loop3A_294 : i32
          %parallel_loop3A_296 = arith.constant 0 : i32
          %parallel_loop3A_297 = arith.addi %parallel_loop3A_295, %parallel_loop3A_296 : i32
          %parallel_loop3A_298 = arith.constant 112 : i32
          %parallel_loop3A_299 = arith.muli %parallel_loop3A_297, %parallel_loop3A_298 : i32
          %parallel_loop3A_300 = arith.constant 10 : i32
          %parallel_loop3A_301 = arith.muli %parallel_loop3A_289, %parallel_loop3A_300 : i32
          %parallel_loop3A_302 = arith.addi %parallel_loop3A_299, %parallel_loop3A_301 : i32
          %parallel_loop3A_303 = vector.broadcast %parallel_loop3A_302 : i32 to vector<16xi32>
          %parallel_loop3A_304 = arith.addi %parallel_loop3A_303, %get3A_151 : vector<16xi32>
          %parallel_loop3A_305 = tpu.vector_load_idx %arg11[%parallel_loop3A_304] : memref<11200xi32, #tpu.memory_space<vmem>>[vector<16xi32>], vector<16xi32>,
          %parallel_loop3A_306 = arith.addi %parallel_loop3A_291, %parallel_loop3A_305 : vector<16xi32>
          %parallel_loop3A_307 = arith.constant 10 : i32
          %parallel_loop3A_308 = arith.muli %parallel_loop3A_273, %parallel_loop3A_307 : i32
          %parallel_loop3A_309 = arith.constant 1 : i32
          %parallel_loop3A_310 = arith.addi %parallel_loop3A_308, %parallel_loop3A_309 : i32
          %parallel_loop3A_311 = arith.constant 112 : i32
          %parallel_loop3A_312 = arith.muli %parallel_loop3A_310, %parallel_loop3A_311 : i32
          %parallel_loop3A_313 = arith.constant 10 : i32
          %parallel_loop3A_314 = arith.muli %parallel_loop3A_289, %parallel_loop3A_313 : i32
          %parallel_loop3A_315 = arith.addi %parallel_loop3A_312, %parallel_loop3A_314 : i32
          %parallel_loop3A_316 = vector.broadcast %parallel_loop3A_315 : i32 to vector<16xi32>
          %parallel_loop3A_317 = arith.addi %parallel_loop3A_316, %get3A_155 : vector<16xi32>
          %parallel_loop3A_318 = tpu.vector_load_idx %arg11[%parallel_loop3A_317] : memref<11200xi32, #tpu.memory_space<vmem>>[vector<16xi32>], vector<16xi32>,
          %parallel_loop3A_319 = arith.addi %parallel_loop3A_293, %parallel_loop3A_318 : vector<16xi32>
          %parallel_loop3A_320 = arith.constant 10 : i32
          %parallel_loop3A_321 = arith.muli %parallel_loop3A_273, %parallel_loop3A_320 : i32
          %parallel_loop3A_322 = arith.constant 2 : i32
          %parallel_loop3A_323 = arith.addi %parallel_loop3A_321, %parallel_loop3A_322 : i32
          %parallel_loop3A_324 = arith.constant 112 : i32
          %parallel_loop3A_325 = arith.muli %parallel_loop3A_323, %parallel_loop3A_324 : i32
          %parallel_loop3A_326 = arith.constant 10 : i32
          %parallel_loop3A_327 = arith.muli %parallel_loop3A_289, %parallel_loop3A_326 : i32
          %parallel_loop3A_328 = arith.addi %parallel_loop3A_325, %parallel_loop3A_327 : i32
          %parallel_loop3A_329 = vector.broadcast %parallel_loop3A_328 : i32 to vector<16xi32>
          %parallel_loop3A_330 = arith.addi %parallel_loop3A_329, %get3A_159 : vector<16xi32>
          %parallel_loop3A_331 = tpu.vector_load_idx %arg11[%parallel_loop3A_330] : memref<11200xi32, #tpu.memory_space<vmem>>[vector<16xi32>], vector<16xi32>,
          %parallel_loop3A_332 = arith.addi %parallel_loop3A_306, %parallel_loop3A_331 : vector<16xi32>
          %parallel_loop3A_333 = arith.constant 10 : i32
          %parallel_loop3A_334 = arith.muli %parallel_loop3A_273, %parallel_loop3A_333 : i32
          %parallel_loop3A_335 = arith.constant 3 : i32
          %parallel_loop3A_336 = arith.addi %parallel_loop3A_334, %parallel_loop3A_335 : i32
          %parallel_loop3A_337 = arith.constant 112 : i32
          %parallel_loop3A_338 = arith.muli %parallel_loop3A_336, %parallel_loop3A_337 : i32
          %parallel_loop3A_339 = arith.constant 10 : i32
          %parallel_loop3A_340 = arith.muli %parallel_loop3A_289, %parallel_loop3A_339 : i32
          %parallel_loop3A_341 = arith.addi %parallel_loop3A_338, %parallel_loop3A_340 : i32
          %parallel_loop3A_342 = vector.broadcast %parallel_loop3A_341 : i32 to vector<16xi32>
          %parallel_loop3A_343 = arith.addi %parallel_loop3A_342, %get3A_163 : vector<16xi32>
          %parallel_loop3A_344 = tpu.vector_load_idx %arg11[%parallel_loop3A_343] : memref<11200xi32, #tpu.memory_space<vmem>>[vector<16xi32>], vector<16xi32>,
          %parallel_loop3A_345 = arith.addi %parallel_loop3A_319, %parallel_loop3A_344 : vector<16xi32>
          %parallel_loop3A_346 = arith.constant 10 : i32
          %parallel_loop3A_347 = arith.muli %parallel_loop3A_273, %parallel_loop3A_346 : i32
          %parallel_loop3A_348 = arith.constant 4 : i32
          %parallel_loop3A_349 = arith.addi %parallel_loop3A_347, %parallel_loop3A_348 : i32
          %parallel_loop3A_350 = arith.constant 112 : i32
          %parallel_loop3A_351 = arith.muli %parallel_loop3A_349, %parallel_loop3A_350 : i32
          %parallel_loop3A_352 = arith.constant 10 : i32
          %parallel_loop3A_353 = arith.muli %parallel_loop3A_289, %parallel_loop3A_352 : i32
          %parallel_loop3A_354 = arith.addi %parallel_loop3A_351, %parallel_loop3A_353 : i32
          %parallel_loop3A_355 = vector.broadcast %parallel_loop3A_354 : i32 to vector<16xi32>
          %parallel_loop3A_356 = arith.addi %parallel_loop3A_355, %get3A_167 : vector<16xi32>
          %parallel_loop3A_357 = tpu.vector_load_idx %arg11[%parallel_loop3A_356] : memref<11200xi32, #tpu.memory_space<vmem>>[vector<16xi32>], vector<16xi32>,
          %parallel_loop3A_358 = arith.addi %parallel_loop3A_332, %parallel_loop3A_357 : vector<16xi32>
          %parallel_loop3A_359 = arith.constant 10 : i32
          %parallel_loop3A_360 = arith.muli %parallel_loop3A_273, %parallel_loop3A_359 : i32
          %parallel_loop3A_361 = arith.constant 5 : i32
          %parallel_loop3A_362 = arith.addi %parallel_loop3A_360, %parallel_loop3A_361 : i32
          %parallel_loop3A_363 = arith.constant 112 : i32
          %parallel_loop3A_364 = arith.muli %parallel_loop3A_362, %parallel_loop3A_363 : i32
          %parallel_loop3A_365 = arith.constant 10 : i32
          %parallel_loop3A_366 = arith.muli %parallel_loop3A_289, %parallel_loop3A_365 : i32
          %parallel_loop3A_367 = arith.addi %parallel_loop3A_364, %parallel_loop3A_366 : i32
          %parallel_loop3A_368 = vector.broadcast %parallel_loop3A_367 : i32 to vector<16xi32>
          %parallel_loop3A_369 = arith.addi %parallel_loop3A_368, %get3A_171 : vector<16xi32>
          %parallel_loop3A_370 = tpu.vector_load_idx %arg11[%parallel_loop3A_369] : memref<11200xi32, #tpu.memory_space<vmem>>[vector<16xi32>], vector<16xi32>,
          %parallel_loop3A_371 = arith.addi %parallel_loop3A_345, %parallel_loop3A_370 : vector<16xi32>
          %parallel_loop3A_372 = arith.constant 10 : i32
          %parallel_loop3A_373 = arith.muli %parallel_loop3A_273, %parallel_loop3A_372 : i32
          %parallel_loop3A_374 = arith.constant 6 : i32
          %parallel_loop3A_375 = arith.addi %parallel_loop3A_373, %parallel_loop3A_374 : i32
          %parallel_loop3A_376 = arith.constant 112 : i32
          %parallel_loop3A_377 = arith.muli %parallel_loop3A_375, %parallel_loop3A_376 : i32
          %parallel_loop3A_378 = arith.constant 10 : i32
          %parallel_loop3A_379 = arith.muli %parallel_loop3A_289, %parallel_loop3A_378 : i32
          %parallel_loop3A_380 = arith.addi %parallel_loop3A_377, %parallel_loop3A_379 : i32
          %parallel_loop3A_381 = vector.broadcast %parallel_loop3A_380 : i32 to vector<16xi32>
          %parallel_loop3A_382 = arith.addi %parallel_loop3A_381, %get3A_175 : vector<16xi32>
          %parallel_loop3A_383 = tpu.vector_load_idx %arg11[%parallel_loop3A_382] : memref<11200xi32, #tpu.memory_space<vmem>>[vector<16xi32>], vector<16xi32>,
          %parallel_loop3A_384 = arith.addi %parallel_loop3A_358, %parallel_loop3A_383 : vector<16xi32>
          %parallel_loop3A_385 = arith.constant 10 : i32
          %parallel_loop3A_386 = arith.muli %parallel_loop3A_273, %parallel_loop3A_385 : i32
          %parallel_loop3A_387 = arith.constant 7 : i32
          %parallel_loop3A_388 = arith.addi %parallel_loop3A_386, %parallel_loop3A_387 : i32
          %parallel_loop3A_389 = arith.constant 112 : i32
          %parallel_loop3A_390 = arith.muli %parallel_loop3A_388, %parallel_loop3A_389 : i32
          %parallel_loop3A_391 = arith.constant 10 : i32
          %parallel_loop3A_392 = arith.muli %parallel_loop3A_289, %parallel_loop3A_391 : i32
          %parallel_loop3A_393 = arith.addi %parallel_loop3A_390, %parallel_loop3A_392 : i32
          %parallel_loop3A_394 = vector.broadcast %parallel_loop3A_393 : i32 to vector<16xi32>
          %parallel_loop3A_395 = arith.addi %parallel_loop3A_394, %get3A_179 : vector<16xi32>
          %parallel_loop3A_396 = tpu.vector_load_idx %arg11[%parallel_loop3A_395] : memref<11200xi32, #tpu.memory_space<vmem>>[vector<16xi32>], vector<16xi32>,
          %parallel_loop3A_397 = arith.addi %parallel_loop3A_371, %parallel_loop3A_396 : vector<16xi32>
          %parallel_loop3A_398 = arith.constant 10 : i32
          %parallel_loop3A_399 = arith.muli %parallel_loop3A_273, %parallel_loop3A_398 : i32
          %parallel_loop3A_400 = arith.constant 8 : i32
          %parallel_loop3A_401 = arith.addi %parallel_loop3A_399, %parallel_loop3A_400 : i32
          %parallel_loop3A_402 = arith.constant 112 : i32
          %parallel_loop3A_403 = arith.muli %parallel_loop3A_401, %parallel_loop3A_402 : i32
          %parallel_loop3A_404 = arith.constant 10 : i32
          %parallel_loop3A_405 = arith.muli %parallel_loop3A_289, %parallel_loop3A_404 : i32
          %parallel_loop3A_406 = arith.addi %parallel_loop3A_403, %parallel_loop3A_405 : i32
          %parallel_loop3A_407 = vector.broadcast %parallel_loop3A_406 : i32 to vector<16xi32>
          %parallel_loop3A_408 = arith.addi %parallel_loop3A_407, %get3A_183 : vector<16xi32>
          %parallel_loop3A_409 = tpu.vector_load_idx %arg11[%parallel_loop3A_408] : memref<11200xi32, #tpu.memory_space<vmem>>[vector<16xi32>], vector<16xi32>,
          %parallel_loop3A_410 = arith.addi %parallel_loop3A_384, %parallel_loop3A_409 : vector<16xi32>
          %parallel_loop3A_411 = arith.constant 10 : i32
          %parallel_loop3A_412 = arith.muli %parallel_loop3A_273, %parallel_loop3A_411 : i32
          %parallel_loop3A_413 = arith.constant 9 : i32
          %parallel_loop3A_414 = arith.addi %parallel_loop3A_412, %parallel_loop3A_413 : i32
          %parallel_loop3A_415 = arith.constant 112 : i32
          %parallel_loop3A_416 = arith.muli %parallel_loop3A_414, %parallel_loop3A_415 : i32
          %parallel_loop3A_417 = arith.constant 10 : i32
          %parallel_loop3A_418 = arith.muli %parallel_loop3A_289, %parallel_loop3A_417 : i32
          %parallel_loop3A_419 = arith.addi %parallel_loop3A_416, %parallel_loop3A_418 : i32
          %parallel_loop3A_420 = vector.broadcast %parallel_loop3A_419 : i32 to vector<16xi32>
          %parallel_loop3A_421 = arith.addi %parallel_loop3A_420, %get3A_187 : vector<16xi32>
          %parallel_loop3A_422 = tpu.vector_load_idx %arg11[%parallel_loop3A_421] : memref<11200xi32, #tpu.memory_space<vmem>>[vector<16xi32>], vector<16xi32>,
          %parallel_loop3A_423 = arith.addi %parallel_loop3A_397, %parallel_loop3A_422 : vector<16xi32>
          %parallel_loop3A_424 = arith.addi %parallel_loop3A_410, %parallel_loop3A_423 : vector<16xi32>
          %parallel_loop3A_425 = arith.minsi %parallel_loop3A_249, %parallel_loop3A_424 : vector<16xi32>
          scf.yield %parallel_loop3A_425 : vector<16xi32>
        } {sc.loop_unroll_factor = 2 : i64, sc.parallel_access}
        %get3A_192 = arith.constant 0 : i32
        %get3A_193 = arith.index_cast %get3A_192 : i32 to index
        %get3A_194 = arith.constant 48 : index
        %get3A_195 = tpu.vector_load %arg10[%get3A_193, %get3A_194] {strides = array<i32>} : memref<10x64xi32, #tpu.memory_space<vmem>>, vector<16xi32>,
        %get3A_196 = arith.constant 1 : i32
        %get3A_197 = arith.index_cast %get3A_196 : i32 to index
        %get3A_198 = arith.constant 48 : index
        %get3A_199 = tpu.vector_load %arg10[%get3A_197, %get3A_198] {strides = array<i32>} : memref<10x64xi32, #tpu.memory_space<vmem>>, vector<16xi32>,
        %get3A_200 = arith.constant 2 : i32
        %get3A_201 = arith.index_cast %get3A_200 : i32 to index
        %get3A_202 = arith.constant 48 : index
        %get3A_203 = tpu.vector_load %arg10[%get3A_201, %get3A_202] {strides = array<i32>} : memref<10x64xi32, #tpu.memory_space<vmem>>, vector<16xi32>,
        %get3A_204 = arith.constant 3 : i32
        %get3A_205 = arith.index_cast %get3A_204 : i32 to index
        %get3A_206 = arith.constant 48 : index
        %get3A_207 = tpu.vector_load %arg10[%get3A_205, %get3A_206] {strides = array<i32>} : memref<10x64xi32, #tpu.memory_space<vmem>>, vector<16xi32>,
        %get3A_208 = arith.constant 4 : i32
        %get3A_209 = arith.index_cast %get3A_208 : i32 to index
        %get3A_210 = arith.constant 48 : index
        %get3A_211 = tpu.vector_load %arg10[%get3A_209, %get3A_210] {strides = array<i32>} : memref<10x64xi32, #tpu.memory_space<vmem>>, vector<16xi32>,
        %get3A_212 = arith.constant 5 : i32
        %get3A_213 = arith.index_cast %get3A_212 : i32 to index
        %get3A_214 = arith.constant 48 : index
        %get3A_215 = tpu.vector_load %arg10[%get3A_213, %get3A_214] {strides = array<i32>} : memref<10x64xi32, #tpu.memory_space<vmem>>, vector<16xi32>,
        %get3A_216 = arith.constant 6 : i32
        %get3A_217 = arith.index_cast %get3A_216 : i32 to index
        %get3A_218 = arith.constant 48 : index
        %get3A_219 = tpu.vector_load %arg10[%get3A_217, %get3A_218] {strides = array<i32>} : memref<10x64xi32, #tpu.memory_space<vmem>>, vector<16xi32>,
        %get3A_220 = arith.constant 7 : i32
        %get3A_221 = arith.index_cast %get3A_220 : i32 to index
        %get3A_222 = arith.constant 48 : index
        %get3A_223 = tpu.vector_load %arg10[%get3A_221, %get3A_222] {strides = array<i32>} : memref<10x64xi32, #tpu.memory_space<vmem>>, vector<16xi32>,
        %get3A_224 = arith.constant 8 : i32
        %get3A_225 = arith.index_cast %get3A_224 : i32 to index
        %get3A_226 = arith.constant 48 : index
        %get3A_227 = tpu.vector_load %arg10[%get3A_225, %get3A_226] {strides = array<i32>} : memref<10x64xi32, #tpu.memory_space<vmem>>, vector<16xi32>,
        %get3A_228 = arith.constant 9 : i32
        %get3A_229 = arith.index_cast %get3A_228 : i32 to index
        %get3A_230 = arith.constant 48 : index
        %get3A_231 = tpu.vector_load %arg10[%get3A_229, %get3A_230] {strides = array<i32>} : memref<10x64xi32, #tpu.memory_space<vmem>>, vector<16xi32>,
        %parallel_loop3A_232 = arith.constant 0 : i32
        %parallel_loop3A_233 = arith.constant 100 : i32
        %parallel_loop3A_234 = arith.constant 1 : i32
        %parallel_loop3A_235 = scf.for %parallel_loop3A_248 = %parallel_loop3A_232 to %parallel_loop3A_233 step %parallel_loop3A_234 iter_args(%parallel_loop3A_249 = %parallel_loop3A_191) -> (vector<16xi32>)  : i32 {
          %parallel_loop3A_250 = arith.constant 10 : i32
          %parallel_loop3A_251 = arith.divsi %parallel_loop3A_248, %parallel_loop3A_250 : i32
          %parallel_loop3A_252 = arith.constant 0 : i32
          %parallel_loop3A_253 = arith.cmpi sgt, %parallel_loop3A_248, %parallel_loop3A_252 : i32
          %parallel_loop3A_254 = arith.extui %parallel_loop3A_253 : i1 to i32
          %parallel_loop3A_255 = arith.constant 0 : i32
          %parallel_loop3A_256 = arith.cmpi slt, %parallel_loop3A_248, %parallel_loop3A_255 : i32
          %parallel_loop3A_257 = arith.extui %parallel_loop3A_256 : i1 to i32
          %parallel_loop3A_258 = arith.subi %parallel_loop3A_254, %parallel_loop3A_257 : i32
          %parallel_loop3A_259 = arith.constant 0 : i32
          %parallel_loop3A_260 = arith.cmpi sgt, %parallel_loop3A_250, %parallel_loop3A_259 : i32
          %parallel_loop3A_261 = arith.extui %parallel_loop3A_260 : i1 to i32
          %parallel_loop3A_262 = arith.constant 0 : i32
          %parallel_loop3A_263 = arith.cmpi slt, %parallel_loop3A_250, %parallel_loop3A_262 : i32
          %parallel_loop3A_264 = arith.extui %parallel_loop3A_263 : i1 to i32
          %parallel_loop3A_265 = arith.subi %parallel_loop3A_261, %parallel_loop3A_264 : i32
          %parallel_loop3A_266 = arith.cmpi ne, %parallel_loop3A_258, %parallel_loop3A_265 : i32
          %parallel_loop3A_267 = arith.remsi %parallel_loop3A_248, %parallel_loop3A_250 : i32
          %parallel_loop3A_268 = arith.constant 0 : i32
          %parallel_loop3A_269 = arith.cmpi ne, %parallel_loop3A_267, %parallel_loop3A_268 : i32
          %parallel_loop3A_270 = arith.andi %parallel_loop3A_266, %parallel_loop3A_269 : i1
          %parallel_loop3A_271 = arith.constant 1 : i32
          %parallel_loop3A_272 = arith.subi %parallel_loop3A_251, %parallel_loop3A_271 : i32
          %parallel_loop3A_273 = arith.select %parallel_loop3A_270, %parallel_loop3A_272, %parallel_loop3A_251 : i32
          %parallel_loop3A_274 = arith.constant 10 : i32
          %parallel_loop3A_275 = arith.constant 0 : i32
          %parallel_loop3A_276 = arith.cmpi eq, %parallel_loop3A_274, %parallel_loop3A_275 : i32
          %parallel_loop3A_277 = arith.constant 1 : i32
          %parallel_loop3A_278 = arith.select %parallel_loop3A_276, %parallel_loop3A_277, %parallel_loop3A_274 : i32
          %parallel_loop3A_279 = arith.remsi %parallel_loop3A_248, %parallel_loop3A_278 : i32
          %parallel_loop3A_280 = arith.constant 0 : i32
          %parallel_loop3A_281 = arith.cmpi ne, %parallel_loop3A_279, %parallel_loop3A_280 : i32
          %parallel_loop3A_282 = arith.constant 0 : i32
          %parallel_loop3A_283 = arith.cmpi slt, %parallel_loop3A_279, %parallel_loop3A_282 : i32
          %parallel_loop3A_284 = arith.constant 0 : i32
          %parallel_loop3A_285 = arith.cmpi slt, %parallel_loop3A_278, %parallel_loop3A_284 : i32
          %parallel_loop3A_286 = arith.xori %parallel_loop3A_283, %parallel_loop3A_285 : i1
          %parallel_loop3A_287 = arith.andi %parallel_loop3A_286, %parallel_loop3A_281 : i1
          %parallel_loop3A_288 = arith.addi %parallel_loop3A_279, %parallel_loop3A_278 : i32
          %parallel_loop3A_289 = arith.select %parallel_loop3A_287, %parallel_loop3A_288, %parallel_loop3A_279 : i32
          %parallel_loop3A_290 = arith.constant 0 : i32
          %parallel_loop3A_291 = vector.broadcast %parallel_loop3A_290 : i32 to vector<16xi32>
          %parallel_loop3A_292 = arith.constant 0 : i32
          %parallel_loop3A_293 = vector.broadcast %parallel_loop3A_292 : i32 to vector<16xi32>
          %parallel_loop3A_294 = arith.constant 10 : i32
          %parallel_loop3A_295 = arith.muli %parallel_loop3A_273, %parallel_loop3A_294 : i32
          %parallel_loop3A_296 = arith.constant 0 : i32
          %parallel_loop3A_297 = arith.addi %parallel_loop3A_295, %parallel_loop3A_296 : i32
          %parallel_loop3A_298 = arith.constant 112 : i32
          %parallel_loop3A_299 = arith.muli %parallel_loop3A_297, %parallel_loop3A_298 : i32
          %parallel_loop3A_300 = arith.constant 10 : i32
          %parallel_loop3A_301 = arith.muli %parallel_loop3A_289, %parallel_loop3A_300 : i32
          %parallel_loop3A_302 = arith.addi %parallel_loop3A_299, %parallel_loop3A_301 : i32
          %parallel_loop3A_303 = vector.broadcast %parallel_loop3A_302 : i32 to vector<16xi32>
          %parallel_loop3A_304 = arith.addi %parallel_loop3A_303, %get3A_195 : vector<16xi32>
          %parallel_loop3A_305 = tpu.vector_load_idx %arg11[%parallel_loop3A_304] : memref<11200xi32, #tpu.memory_space<vmem>>[vector<16xi32>], vector<16xi32>,
          %parallel_loop3A_306 = arith.addi %parallel_loop3A_291, %parallel_loop3A_305 : vector<16xi32>
          %parallel_loop3A_307 = arith.constant 10 : i32
          %parallel_loop3A_308 = arith.muli %parallel_loop3A_273, %parallel_loop3A_307 : i32
          %parallel_loop3A_309 = arith.constant 1 : i32
          %parallel_loop3A_310 = arith.addi %parallel_loop3A_308, %parallel_loop3A_309 : i32
          %parallel_loop3A_311 = arith.constant 112 : i32
          %parallel_loop3A_312 = arith.muli %parallel_loop3A_310, %parallel_loop3A_311 : i32
          %parallel_loop3A_313 = arith.constant 10 : i32
          %parallel_loop3A_314 = arith.muli %parallel_loop3A_289, %parallel_loop3A_313 : i32
          %parallel_loop3A_315 = arith.addi %parallel_loop3A_312, %parallel_loop3A_314 : i32
          %parallel_loop3A_316 = vector.broadcast %parallel_loop3A_315 : i32 to vector<16xi32>
          %parallel_loop3A_317 = arith.addi %parallel_loop3A_316, %get3A_199 : vector<16xi32>
          %parallel_loop3A_318 = tpu.vector_load_idx %arg11[%parallel_loop3A_317] : memref<11200xi32, #tpu.memory_space<vmem>>[vector<16xi32>], vector<16xi32>,
          %parallel_loop3A_319 = arith.addi %parallel_loop3A_293, %parallel_loop3A_318 : vector<16xi32>
          %parallel_loop3A_320 = arith.constant 10 : i32
          %parallel_loop3A_321 = arith.muli %parallel_loop3A_273, %parallel_loop3A_320 : i32
          %parallel_loop3A_322 = arith.constant 2 : i32
          %parallel_loop3A_323 = arith.addi %parallel_loop3A_321, %parallel_loop3A_322 : i32
          %parallel_loop3A_324 = arith.constant 112 : i32
          %parallel_loop3A_325 = arith.muli %parallel_loop3A_323, %parallel_loop3A_324 : i32
          %parallel_loop3A_326 = arith.constant 10 : i32
          %parallel_loop3A_327 = arith.muli %parallel_loop3A_289, %parallel_loop3A_326 : i32
          %parallel_loop3A_328 = arith.addi %parallel_loop3A_325, %parallel_loop3A_327 : i32
          %parallel_loop3A_329 = vector.broadcast %parallel_loop3A_328 : i32 to vector<16xi32>
          %parallel_loop3A_330 = arith.addi %parallel_loop3A_329, %get3A_203 : vector<16xi32>
          %parallel_loop3A_331 = tpu.vector_load_idx %arg11[%parallel_loop3A_330] : memref<11200xi32, #tpu.memory_space<vmem>>[vector<16xi32>], vector<16xi32>,
          %parallel_loop3A_332 = arith.addi %parallel_loop3A_306, %parallel_loop3A_331 : vector<16xi32>
          %parallel_loop3A_333 = arith.constant 10 : i32
          %parallel_loop3A_334 = arith.muli %parallel_loop3A_273, %parallel_loop3A_333 : i32
          %parallel_loop3A_335 = arith.constant 3 : i32
          %parallel_loop3A_336 = arith.addi %parallel_loop3A_334, %parallel_loop3A_335 : i32
          %parallel_loop3A_337 = arith.constant 112 : i32
          %parallel_loop3A_338 = arith.muli %parallel_loop3A_336, %parallel_loop3A_337 : i32
          %parallel_loop3A_339 = arith.constant 10 : i32
          %parallel_loop3A_340 = arith.muli %parallel_loop3A_289, %parallel_loop3A_339 : i32
          %parallel_loop3A_341 = arith.addi %parallel_loop3A_338, %parallel_loop3A_340 : i32
          %parallel_loop3A_342 = vector.broadcast %parallel_loop3A_341 : i32 to vector<16xi32>
          %parallel_loop3A_343 = arith.addi %parallel_loop3A_342, %get3A_207 : vector<16xi32>
          %parallel_loop3A_344 = tpu.vector_load_idx %arg11[%parallel_loop3A_343] : memref<11200xi32, #tpu.memory_space<vmem>>[vector<16xi32>], vector<16xi32>,
          %parallel_loop3A_345 = arith.addi %parallel_loop3A_319, %parallel_loop3A_344 : vector<16xi32>
          %parallel_loop3A_346 = arith.constant 10 : i32
          %parallel_loop3A_347 = arith.muli %parallel_loop3A_273, %parallel_loop3A_346 : i32
          %parallel_loop3A_348 = arith.constant 4 : i32
          %parallel_loop3A_349 = arith.addi %parallel_loop3A_347, %parallel_loop3A_348 : i32
          %parallel_loop3A_350 = arith.constant 112 : i32
          %parallel_loop3A_351 = arith.muli %parallel_loop3A_349, %parallel_loop3A_350 : i32
          %parallel_loop3A_352 = arith.constant 10 : i32
          %parallel_loop3A_353 = arith.muli %parallel_loop3A_289, %parallel_loop3A_352 : i32
          %parallel_loop3A_354 = arith.addi %parallel_loop3A_351, %parallel_loop3A_353 : i32
          %parallel_loop3A_355 = vector.broadcast %parallel_loop3A_354 : i32 to vector<16xi32>
          %parallel_loop3A_356 = arith.addi %parallel_loop3A_355, %get3A_211 : vector<16xi32>
          %parallel_loop3A_357 = tpu.vector_load_idx %arg11[%parallel_loop3A_356] : memref<11200xi32, #tpu.memory_space<vmem>>[vector<16xi32>], vector<16xi32>,
          %parallel_loop3A_358 = arith.addi %parallel_loop3A_332, %parallel_loop3A_357 : vector<16xi32>
          %parallel_loop3A_359 = arith.constant 10 : i32
          %parallel_loop3A_360 = arith.muli %parallel_loop3A_273, %parallel_loop3A_359 : i32
          %parallel_loop3A_361 = arith.constant 5 : i32
          %parallel_loop3A_362 = arith.addi %parallel_loop3A_360, %parallel_loop3A_361 : i32
          %parallel_loop3A_363 = arith.constant 112 : i32
          %parallel_loop3A_364 = arith.muli %parallel_loop3A_362, %parallel_loop3A_363 : i32
          %parallel_loop3A_365 = arith.constant 10 : i32
          %parallel_loop3A_366 = arith.muli %parallel_loop3A_289, %parallel_loop3A_365 : i32
          %parallel_loop3A_367 = arith.addi %parallel_loop3A_364, %parallel_loop3A_366 : i32
          %parallel_loop3A_368 = vector.broadcast %parallel_loop3A_367 : i32 to vector<16xi32>
          %parallel_loop3A_369 = arith.addi %parallel_loop3A_368, %get3A_215 : vector<16xi32>
          %parallel_loop3A_370 = tpu.vector_load_idx %arg11[%parallel_loop3A_369] : memref<11200xi32, #tpu.memory_space<vmem>>[vector<16xi32>], vector<16xi32>,
          %parallel_loop3A_371 = arith.addi %parallel_loop3A_345, %parallel_loop3A_370 : vector<16xi32>
          %parallel_loop3A_372 = arith.constant 10 : i32
          %parallel_loop3A_373 = arith.muli %parallel_loop3A_273, %parallel_loop3A_372 : i32
          %parallel_loop3A_374 = arith.constant 6 : i32
          %parallel_loop3A_375 = arith.addi %parallel_loop3A_373, %parallel_loop3A_374 : i32
          %parallel_loop3A_376 = arith.constant 112 : i32
          %parallel_loop3A_377 = arith.muli %parallel_loop3A_375, %parallel_loop3A_376 : i32
          %parallel_loop3A_378 = arith.constant 10 : i32
          %parallel_loop3A_379 = arith.muli %parallel_loop3A_289, %parallel_loop3A_378 : i32
          %parallel_loop3A_380 = arith.addi %parallel_loop3A_377, %parallel_loop3A_379 : i32
          %parallel_loop3A_381 = vector.broadcast %parallel_loop3A_380 : i32 to vector<16xi32>
          %parallel_loop3A_382 = arith.addi %parallel_loop3A_381, %get3A_219 : vector<16xi32>
          %parallel_loop3A_383 = tpu.vector_load_idx %arg11[%parallel_loop3A_382] : memref<11200xi32, #tpu.memory_space<vmem>>[vector<16xi32>], vector<16xi32>,
          %parallel_loop3A_384 = arith.addi %parallel_loop3A_358, %parallel_loop3A_383 : vector<16xi32>
          %parallel_loop3A_385 = arith.constant 10 : i32
          %parallel_loop3A_386 = arith.muli %parallel_loop3A_273, %parallel_loop3A_385 : i32
          %parallel_loop3A_387 = arith.constant 7 : i32
          %parallel_loop3A_388 = arith.addi %parallel_loop3A_386, %parallel_loop3A_387 : i32
          %parallel_loop3A_389 = arith.constant 112 : i32
          %parallel_loop3A_390 = arith.muli %parallel_loop3A_388, %parallel_loop3A_389 : i32
          %parallel_loop3A_391 = arith.constant 10 : i32
          %parallel_loop3A_392 = arith.muli %parallel_loop3A_289, %parallel_loop3A_391 : i32
          %parallel_loop3A_393 = arith.addi %parallel_loop3A_390, %parallel_loop3A_392 : i32
          %parallel_loop3A_394 = vector.broadcast %parallel_loop3A_393 : i32 to vector<16xi32>
          %parallel_loop3A_395 = arith.addi %parallel_loop3A_394, %get3A_223 : vector<16xi32>
          %parallel_loop3A_396 = tpu.vector_load_idx %arg11[%parallel_loop3A_395] : memref<11200xi32, #tpu.memory_space<vmem>>[vector<16xi32>], vector<16xi32>,
          %parallel_loop3A_397 = arith.addi %parallel_loop3A_371, %parallel_loop3A_396 : vector<16xi32>
          %parallel_loop3A_398 = arith.constant 10 : i32
          %parallel_loop3A_399 = arith.muli %parallel_loop3A_273, %parallel_loop3A_398 : i32
          %parallel_loop3A_400 = arith.constant 8 : i32
          %parallel_loop3A_401 = arith.addi %parallel_loop3A_399, %parallel_loop3A_400 : i32
          %parallel_loop3A_402 = arith.constant 112 : i32
          %parallel_loop3A_403 = arith.muli %parallel_loop3A_401, %parallel_loop3A_402 : i32
          %parallel_loop3A_404 = arith.constant 10 : i32
          %parallel_loop3A_405 = arith.muli %parallel_loop3A_289, %parallel_loop3A_404 : i32
          %parallel_loop3A_406 = arith.addi %parallel_loop3A_403, %parallel_loop3A_405 : i32
          %parallel_loop3A_407 = vector.broadcast %parallel_loop3A_406 : i32 to vector<16xi32>
          %parallel_loop3A_408 = arith.addi %parallel_loop3A_407, %get3A_227 : vector<16xi32>
          %parallel_loop3A_409 = tpu.vector_load_idx %arg11[%parallel_loop3A_408] : memref<11200xi32, #tpu.memory_space<vmem>>[vector<16xi32>], vector<16xi32>,
          %parallel_loop3A_410 = arith.addi %parallel_loop3A_384, %parallel_loop3A_409 : vector<16xi32>
          %parallel_loop3A_411 = arith.constant 10 : i32
          %parallel_loop3A_412 = arith.muli %parallel_loop3A_273, %parallel_loop3A_411 : i32
          %parallel_loop3A_413 = arith.constant 9 : i32
          %parallel_loop3A_414 = arith.addi %parallel_loop3A_412, %parallel_loop3A_413 : i32
          %parallel_loop3A_415 = arith.constant 112 : i32
          %parallel_loop3A_416 = arith.muli %parallel_loop3A_414, %parallel_loop3A_415 : i32
          %parallel_loop3A_417 = arith.constant 10 : i32
          %parallel_loop3A_418 = arith.muli %parallel_loop3A_289, %parallel_loop3A_417 : i32
          %parallel_loop3A_419 = arith.addi %parallel_loop3A_416, %parallel_loop3A_418 : i32
          %parallel_loop3A_420 = vector.broadcast %parallel_loop3A_419 : i32 to vector<16xi32>
          %parallel_loop3A_421 = arith.addi %parallel_loop3A_420, %get3A_231 : vector<16xi32>
          %parallel_loop3A_422 = tpu.vector_load_idx %arg11[%parallel_loop3A_421] : memref<11200xi32, #tpu.memory_space<vmem>>[vector<16xi32>], vector<16xi32>,
          %parallel_loop3A_423 = arith.addi %parallel_loop3A_397, %parallel_loop3A_422 : vector<16xi32>
          %parallel_loop3A_424 = arith.addi %parallel_loop3A_410, %parallel_loop3A_423 : vector<16xi32>
          %parallel_loop3A_425 = arith.minsi %parallel_loop3A_249, %parallel_loop3A_424 : vector<16xi32>
          scf.yield %parallel_loop3A_425 : vector<16xi32>
        } {sc.loop_unroll_factor = 2 : i64, sc.parallel_access}
        %reduce_min3A = arith.constant true
        %reduce_min3A_236 = vector.broadcast %reduce_min3A : i1 to vector<16xi1>
        %reduce_min3A_237 = arith.constant -2147483648 : i32
        %reduce_min3A_238 = vector.broadcast %reduce_min3A_237 : i32 to vector<16xi32>
        %reduce_min3A_239 = arith.xori %parallel_loop3A_235, %reduce_min3A_238 : vector<16xi32>
        %reduce_min3A_240 = tpu.scan <min>, %reduce_min3A_239 masked %reduce_min3A_236 : vector<16xi32>, vector<16xi1> -> vector<16xi32>
        %reduce_min3A_241 = arith.xori %reduce_min3A_240, %reduce_min3A_238 : vector<16xi32>
        %reduce_min3A_242 = vector.extract %reduce_min3A_241[15] : i32 from vector<16xi32>
        %broadcast_in_dim3A_243 = vector.broadcast %reduce_min3A_242 : i32 to vector<16xi32>
        %swap3A = arith.index_cast %scan3A_51 : i32 to index
        %swap3A_244 = arith.index_cast %scan3A_38 : i32 to index
        %swap3A_245 = arith.constant 0 : index
        %swap3A_246 = tpu.vector_load %arg13[%swap3A, %swap3A_244, %swap3A_245] {strides = array<i32>} : memref<4x8x16xi32, #tpu.memory_space<vmem>>, vector<16xi32>,
        tpu.vector_store %arg13[%swap3A, %swap3A_244, %swap3A_245], %broadcast_in_dim3A_243 {strides = array<i32>} : memref<4x8x16xi32, #tpu.memory_space<vmem>>, vector<16xi32>,
        %scan3A_247 = arith.constant 0 : i32
        scf.yield %scan3A_247 : i32
      }
      %scan3A_49 = arith.constant 4 : i32
      %scan3A_50 = arith.constant 0 : i32
      scf.yield %scan3A_50 : i32
    }
    %scan3A_37 = arith.constant 8 : i32
    "tpu.region"() ({
      %run_scoped3A = tpu.sem_alloc : memref<!tpu.dma_semaphore, #tpu.memory_space<semaphore_mem>>
      %dma_start3A = arith.constant 0 : i32
      %dma_start3A_38 = arith.constant 0 : i32
      %dma_start3A_39 = arith.constant 0 : i32
      %dma_start3A_40 = tpu.memref_slice %arg6[%add3A, %dma_start3A, %dma_start3A_38, %dma_start3A_39] : memref<32x4x8x16xi32, #tpu.memory_space<hbm>> -> memref<1x4x8x16xi32, #tpu.memory_space<hbm>>
      %dma_start3A_41 = tpu.memref_squeeze %dma_start3A_40 : memref<1x4x8x16xi32, #tpu.memory_space<hbm>> -> memref<4x8x16xi32, #tpu.memory_space<hbm>>
      %dma_start3A_42 = arith.constant 0 : i32
      %dma_start3A_43 = arith.constant 0 : i32
      %dma_start3A_44 = arith.constant 0 : i32
      %dma_start3A_45 = tpu.memref_slice %arg6[%add3A, %dma_start3A_42, %dma_start3A_43, %dma_start3A_44] : memref<32x4x8x16xi32, #tpu.memory_space<hbm>> -> memref<1x4x8x16xi32, #tpu.memory_space<hbm>>
      %dma_start3A_46 = tpu.memref_squeeze %dma_start3A_45 : memref<1x4x8x16xi32, #tpu.memory_space<hbm>> -> memref<4x8x16xi32, #tpu.memory_space<hbm>>
      tpu.enqueue_dma source(%arg13 : memref<4x8x16xi32, #tpu.memory_space<vmem>>) target(%dma_start3A_46 : memref<4x8x16xi32, #tpu.memory_space<hbm>>) target_semaphore(%run_scoped3A : memref<!tpu.dma_semaphore, #tpu.memory_space<semaphore_mem>>)
      %dma_wait3A = arith.constant 0 : i32
      %dma_wait3A_47 = arith.constant 0 : i32
      %dma_wait3A_48 = arith.constant 0 : i32
      %dma_wait3A_49 = tpu.memref_slice %arg6[%add3A, %dma_wait3A, %dma_wait3A_47, %dma_wait3A_48] : memref<32x4x8x16xi32, #tpu.memory_space<hbm>> -> memref<1x4x8x16xi32, #tpu.memory_space<hbm>>
      %dma_wait3A_50 = tpu.memref_squeeze %dma_wait3A_49 : memref<1x4x8x16xi32, #tpu.memory_space<hbm>> -> memref<4x8x16xi32, #tpu.memory_space<hbm>>
      %dma_wait3A_51 = arith.constant 0 : i32
      %dma_wait3A_52 = arith.constant 0 : i32
      %dma_wait3A_53 = arith.constant 0 : i32
      %dma_wait3A_54 = tpu.memref_slice %arg6[%add3A, %dma_wait3A_51, %dma_wait3A_52, %dma_wait3A_53] : memref<32x4x8x16xi32, #tpu.memory_space<hbm>> -> memref<1x4x8x16xi32, #tpu.memory_space<hbm>>
      %dma_wait3A_55 = tpu.memref_squeeze %dma_wait3A_54 : memref<1x4x8x16xi32, #tpu.memory_space<hbm>> -> memref<4x8x16xi32, #tpu.memory_space<hbm>>
      tpu.wait_dma2 semaphore(%run_scoped3A : memref<!tpu.dma_semaphore, #tpu.memory_space<semaphore_mem>>) src(%arg13 : memref<4x8x16xi32, #tpu.memory_space<vmem>>) dst(%dma_wait3A_55 : memref<4x8x16xi32, #tpu.memory_space<hbm>>)
      tpu.yield
    }) : () -> ()
    return
  }
}

</mosaic_0001>

<sc_bundles>
// kernel: kernel.3.cloned.1.call-start
scs
__scs_entry_jumppad:
0x0: {  	(pc) =	sbr.rel $0x88, $3  }
0x1: {  	(tag) =	ssettag $0x0;
	lr =	simm.s32 $0x1  }
0x2: {  	[smem:$0x3F97] =	sst lr;
	_ =	strace $0xD0000000  }
0x3: {  	_ = 	snop  }
0x4: {  	_ = 	snop  }
0x5: {  	_ = 	snop  }
0x6: {  	_ = 	snop  }
0x7: {  	_ = 	snop  }
__scs_overlays_trampoline_lowered:
0x8: {  	[smem:$0x3FA6] =	sst s0  }
0x9: {  	[smem:$0x3FA7] =	sst s1  }
0xa: {  	[smem:$0x3FA8] =	sst s2  }
0xb: {  	[smem:$0x3FA9] =	sst s3  }
0xc: {  	[smem:$0x3FAA] =	sst s4  }
0xd: {  	[smem:$0x3FAB] =	sst s5  }
0xe: {  	[smem:$0x3FAC] =	sst s6  }
0xf: {  	[smem:$0x3FAD] =	sst s7  }
0x10: {  	[smem:$0x3FAE] =	sst s8  }
0x11: {  	[smem:$0x3FAF] =	sst s9;
	s0 =	simm.s32 @!p0 $0x0  }
0x12: {  	s1 =	sld [smem:$0x3F95];
	s0 =	simm.s32 @p0 $0x1  }
0x13: {  	[smem:$0x3FB0] =	sst s0;
	s0 =	simm.s32 @!p1 $0x0  }
0x14: {  	s2 =	sld [smem:$0x3F94];
	s0 =	simm.s32 @p1 $0x1  }
0x15: {  	[smem:$0x3FB1] =	sst s0;
	s0 =	simm.s32 @!p2 $0x0  }
0x16: {  	s3 =	sld [smem:$0x3FDB];
	s0 =	simm.s32 @p2 $0x1  }
0x17: {  	s4 =	simm.s32 $0x1BF5;
	[smem:$0x3FB3] =	sst s0  }
0x18: {  	s0 =	sld [smem:$0x3F96];
	_ =	swait.ge [sflag:s4], $0x0  }
0x19: {  	s7 =	sld [smem:$0x3F97]  }
0x1a: {  	s8 =	sadd.s32 $0xFFFFE003, lr  }
0x1b: {  	s9 =	sadd.s32 $0xFFFFFEF7, lr;
	s5 =	simm.s32 $0xFFFFFFFF;
	p2 =	slt.u32 s8, $0xFFFFF086  }
0x1c: {  	p1 =	slt.u32 s9, $0xF7A;
	s5 =	simm.s32 @!p2 $0x0  }
0x1d: {  	s5 =	simm.s32 @p1 $0x1;
	p0 =	seq.s32 s7, s2  }
0x1e: {  	s7 =	smul.u32 @!p0 $0xF7A, s2;
	p2 =	seq.s32 @!p0 s5, $0x0  }
0x1f: {  	s9 =	smul.u32 $0xF7A, s1;
	s8 =	simm.s32 @!p0 $0x1BF5;
	p2 =	por !p2, p0  }
0x20: {  	[sflag:s8] =	ssyncset.s32 @!p0 $0xFFFFF086;
	s6 =	sadd.s32 @!p0 s3, s7;
	s7 =	simm.s32 @!p0 $0x108  }
0x21: {  	s3 =	sadd.s32 s3, s9;
	s6 =	sadd.s32 @!p0 $0x88, s6;
	s7 =	simm.s32 @p2 $0x1082  }
0x22: {  	[simem:s7], [sflag:s8] =	dma.local @!p0 [hbm:s6], $0xF7A  }
0x23: {  	s9 =	sor.u32 $0xD0000000, s2;
	s6 =	simm.s32 $0x108;
	_ =	swait.ge @!p0 [sflag:s8], $0x0  }
0x24: {  	s3 =	sadd.s32 $0x88, s3;
	s6 =	simm.s32 @!p1 $0x1082;
	[sflag:s4] =	ssyncset.s32 $0xFFFFF086  }
0x25: {  	[simem:s6], [sflag:s4] =	dma.local [hbm:s3], $0xF7A  }
0x26: {  	[smem:$0x3F97] =	sst s1;
	(tag) =	ssettag s2;
	_ =	strace s9  }
0x27: {  	s1 =	sld [smem:$0x3FA7]  }
0x28: {  	s2 =	sld [smem:$0x3FA8]  }
0x29: {  	s4 =	sld [smem:$0x3FAA]  }
0x2a: {  	p0 =	seq.s32 s5, $0x0;
	s5 =	sld [smem:$0x3FAB]  }
0x2b: {  	s6 =	sld [smem:$0x3FAC]  }
0x2c: {  	s7 =	sld [smem:$0x3FAD]  }
0x2d: {  	s3 =	simm.s32 $0x108;
	s8 =	sld [smem:$0x3FAE]  }
0x2e: {  	s3 =	simm.s32 @!p0 $0x1082;
	s9 =	sld [smem:$0x3FAF]  }
0x2f: {  	lr =	sadd.s32 s0, s3;
	s0 =	sld [smem:$0x3FA6]  }
0x30: {  	s3 =	sld [smem:$0x3FA9]  }
0x31: {  	[smem:$0x3FB2] =	sst s10  }
0x32: {  	s10 =	sld [smem:$0x3FB0];
	_ =	sdelay $0x3  }
0x33: {  	p0 =	seq.s32 s10, $0x1;
	s10 =	sld [smem:$0x3FB2];
	_ =	sdelay $0x3  }
0x34: {  	[smem:$0x3FB2] =	sst s10  }
0x35: {  	s10 =	sld [smem:$0x3FB1];
	_ =	sdelay $0x3  }
0x36: {  	p1 =	seq.s32 s10, $0x1;
	s10 =	sld [smem:$0x3FB2];
	_ =	sdelay $0x3  }
0x37: {  	[smem:$0x3FB2] =	sst s10  }
0x38: {  	s10 =	sld [smem:$0x3FB3]  }
0x39: {  	_ = 	snop;
	(pc) =	sbr.ind lr, $3  }
0x3a: {  	_ = 	snop  }
0x3b: {  	_ = 	snop  }
0x3c: {  	p2 =	seq.s32 s10, $0x1;
	s10 =	sld [smem:$0x3FB2]  }
0x3d: {  	_ =	shalt  }
0x3e: {  	_ =	shalt  }
0x3f: {  	_ =	shalt  }
0x40: {  	_ =	shalt  }
0x41: {  	_ =	shalt  }
0x42: {  	_ =	shalt  }
0x43: {  	_ =	shalt  }
0x44: {  	_ =	shalt  }
0x45: {  	_ =	shalt  }
0x46: {  	_ =	shalt  }
0x47: {  	_ =	shalt  }
0x48: {  	_ =	shalt  }
0x49: {  	_ =	shalt  }
0x4a: {  	_ =	shalt  }
0x4b: {  	_ =	shalt  }
0x4c: {  	_ =	shalt  }
0x4d: {  	_ =	shalt  }
0x4e: {  	_ =	shalt  }
0x4f: {  	_ =	shalt  }
0x50: {  	_ =	shalt  }
0x51: {  	_ =	shalt  }
0x52: {  	_ =	shalt  }
0x53: {  	_ =	shalt  }
0x54: {  	_ =	shalt  }
0x55: {  	_ =	shalt  }
0x56: {  	_ =	shalt  }
0x57: {  	_ =	shalt  }
0x58: {  	_ =	shalt  }
0x59: {  	_ =	shalt  }
0x5a: {  	_ =	shalt  }
0x5b: {  	_ =	shalt  }
0x5c: {  	_ =	shalt  }
0x5d: {  	_ =	shalt  }
0x5e: {  	_ =	shalt  }
0x5f: {  	_ =	shalt  }
0x60: {  	_ =	shalt  }
0x61: {  	_ =	shalt  }
0x62: {  	_ =	shalt  }
0x63: {  	_ =	shalt  }
0x64: {  	_ =	shalt  }
0x65: {  	_ =	shalt  }
0x66: {  	_ =	shalt  }
0x67: {  	_ =	shalt  }
0x68: {  	_ =	shalt  }
0x69: {  	_ =	shalt  }
0x6a: {  	_ =	shalt  }
0x6b: {  	_ =	shalt  }
0x6c: {  	_ =	shalt  }
0x6d: {  	_ =	shalt  }
0x6e: {  	_ =	shalt  }
0x6f: {  	_ =	shalt  }
0x70: {  	_ =	shalt  }
0x71: {  	_ =	shalt  }
0x72: {  	_ =	shalt  }
0x73: {  	_ =	shalt  }
0x74: {  	_ =	shalt  }
0x75: {  	_ =	shalt  }
0x76: {  	_ =	shalt  }
0x77: {  	_ =	shalt  }
0x78: {  	_ =	shalt  }
0x79: {  	_ =	shalt  }
0x7a: {  	_ =	shalt  }
0x7b: {  	_ =	shalt  }
0x7c: {  	_ =	shalt  }
0x7d: {  	_ =	shalt  }
0x7e: {  	_ =	shalt  }
0x7f: {  	_ =	shalt  }
0x80: {  	_ =	shalt  }
0x81: {  	_ =	shalt  }
0x82: {  	_ =	shalt  }
0x83: {  	_ =	shalt  }
0x84: {  	_ =	shalt  }
0x85: {  	_ =	shalt  }
0x86: {  	_ =	shalt  }
0x87: {  	_ =	shalt  }
.Lfunc_end0:
.L_simem_size_0:
called_computation_lowered:
.L_overlay_start_0:
0x88: {  	s2 =	sld [smem:$0x3FD9]  }
0x89: {  	s3 =	sld [smem:$0x3FFE];
	_ =	sdelay $0x1  }
0x8a: {  	s1 =	srdreg.scid  }
0x8b: {  	s0 =	sand.u32 $0x1, s1  }
0x8c: {  	s17 =	sshll.u32 s0, $0xA;
	s2 =	sadd.s32 s3, s2  }
0x8d: {  	s2 =	sadd.s32 s2, s17  }
0x8e: {  	[smem:$0x3FBE] =	sst s2  }
0x8f: {  	_ = 	snop  }
0x90: {  	s2 =	sld [smem:$0x3FD0];
	(tm) =	ssettm $0x1  }
0x91: {  	s18 =	sld [smem:$0x3FFB];
	_ =	sdelay $0x3  }
0x92: {  	_ =	strace s18  }
0x93: {  	s3 =	sld [smem:$0x3FFC];
	_ =	sdelay $0x3  }
0x94: {  	_ =	strace s3  }
0x95: {  	s3 =	sld [smem:$0x3FFD];
	_ =	sdelay $0x3  }
0x96: {  	_ =	strace s3  }
0x97: {  	_ =	strace $0x8FFFFFFF  }
0x98: {  	s19 =	sld [smem:$0x3FDB];
	_ =	sdelay $0x1  }
0x99: {  	s4 =	simm.s32 $_scs_section_size  }
0x9a: {  	s5 =	simm.s32 $_size__tile_overlayer_lowered;
	s6 =	simm.s32 $_tile_overlayer_lowered  }
0x9b: {  	s22 =	simm.s32 $0x1BFF;
	s21 =	sshll.u32 s6, $0x1;
	s3 =	sadd.s32 s4, s19  }
0x9c: {  	s7 =	simm.s32 $0x0;
	s20 =	sshll.u32 s5, $0x1;
	s5 =	sadd.s32 s21, s3  }
0x9d: {  	[timem:s7], [sflag:s22] =	dma.local [hbm:s5], s20  }
0x9e: {  	_ =	swait.ge [sflag:s22], s20  }
0x9f: {  	s4 =	ssub.s32 $0x0, s20;
	[sflag:s22] =	ssyncset.done $0x0  }
0xa0: {  	[sflag:s22] =	ssyncadd.s32 s4;
	_ =	sdelay $0x1  }
0xa1: {  	s23 =	simm.s32 $0x1B8B  }
0xa2: {  	_ =	swait.ge [sflag:s23], $0x1  }
0xa3: {  	[sflag:s23] =	ssyncset.done $0x0  }
0xa4: {  	s25 =	simm.s32 $0x1B8E;
	s24 =	sld [smem:$0x3FFE];
	[sflag:s23] =	ssyncadd.s32 $0xFFFFFFFF  }
0xa5: {  	s26 =	simm.s32 $execute0_lowered;
	[smem:$0x3FD2] =	sst s25  }
0xa6: {  	s5 =	sshll.u32 s26, $0x1;
	_ =	strace $0x80000046;
	[dreg:$0x1] =	wrdreg $0xFFFFFFFF  }
0xa7: {  	s28 =	simm.s32 $_size_execute0_lowered;
	s3 =	sadd.s32 s3, s5;
	[dreg:$0x0] =	wrdreg $0x0  }
0xa8: {  	s5 =	sshll.u32 s28, $0x1;
	[dreg:$0x2] =	wrdreg s3  }
0xa9: {  	[dreg:$0x3] =	wrdreg s5  }
0xaa: {  	[dreg:$0x4] =	wrdreg $0xC0  }
0xab: {  	_ =	task [dreg:s7], $0x5FFFF  }
0xac: {  	[dreg:$0x1] =	wrdreg $0xFFFFFFFF  }
0xad: {  	[dreg:$0x0] =	wrdreg $0x60  }
0xae: {  	[dreg:$0x2] =	wrdreg s24  }
0xaf: {  	[dreg:$0x3] =	wrdreg s2  }
0xb0: {  	[dreg:$0x4] =	wrdreg $0x9  }
0xb1: {  	_ =	task.clear_ibuf [dreg:s7], $0x5FFFF;
	_ =	strace $0x90000046  }
0xb2: {  	s29 =	simm.s32 $0x9;
	_ =	strace $0x80000048  }
0xb3: {  	_ =	swait.ge [sflag:s29], $0x1  }
0xb4: {  	[sflag:s29] =	ssyncadd.s32 $0xFFFFFFFF  }
0xb5: {  	_ =	strace $0x90000048  }
0xb6: {  	_ =	sfence  }
0xb7: {  	s30 =	sld [smem:$0x0];
	_ =	sdelay $0x2  }
0xb8: {  	s31 =	sshll.u32 s1, $0xD;
	s1 =	sshrl.u32 s1, $0x2  }
0xb9: {  	s3 =	sand.u32 $0x4000, s31;
	s1 =	sadd.s32 s1, s30  }
0xba: {  	s0 =	sor.u32 s3, s0;
	s1 =	sshll.u32 s1, $0x11  }
0xbb: {  	s0 =	sor.u32 s1, s0  }
0xbc: {  	s0 =	sadd.s32 $0x8F2B, s0  }
0xbd: {  	[sflag:s0] =	ssyncadd.remote.s32 $0x1  }
0xbe: {  	_ =	sfence.sel $0xFFFF  }
0xbf: {  	[dreg:$0x0] =	wrdreg $0xFFFFFFFF;
	(pc) =	sbr.abs _section_cstart, $3  }
0xc0: {  	[dreg:$0x1] =	wrdreg $0xFFFFFFFF  }
0xc1: {  	_ =	task.clear_ibuf [dreg:s7], $0x2FFFF;
	_ =	strace $0x9FFFFFFF  }
0xc2: {  	(tm) =	ssettm $0x7FFFFFFF  }
0xc3: {  	_ =	shalt  }
tec
execute0_lowered:
.L_overlay_start_1:
0x0: {  	(tag) =	ssettag $0x1  }
0x1: {  	s0 =	rddreg [dreg:$0x0]  }
0x2: {  	s3 =	simm.s32 $0x0;
	s1 =	srdreg.scid;
	s2 =	stileid.u32  }
0x3: {  	s10 =	simm.s32 $0x1;
	s13 =	simm.s32 $0x14B00;
	s14 =	simm.s32 $0x16280  }
0x4: {  	s16 =	simm.s32 $0x0;
	[smem:$0x7FF] =	sst s3;
	s4 =	sadd.s32 $0x2BC00, s0  }
0x5: {  	s1 =	sand.u32 $0x1, s1;
	s2 =	sshll.u32 s2, $0x1;
	s5 =	sadd.s32 $0x2B200, s0  }
0x6: {  	s6 =	sadd.s32 $0x1200, s0;
	s2 =	sor.u32 s1, s2;
	s1 =	ssub.s32 $0x2, s1  }
0x7: {  	_ =	strace $0x80000047;
	s7 =	sshll.u32 s2, $0x6;
	s8 =	sshrl.u32 s1, $0x1  }
0x8: {  	v63 =	vimm.s32 $0x0;
	v12 =	vimm.s32 $0x1;
	v56 =	vimm.s32 $0x9;
	[dreg:$0x3] =	wrdreg s4;
	s0 =	sadd.s32 s7, s0;
	s1 =	ssub.s32 s1, s8  }
0x9: {  	v58 =	vimm.s32 $0xA;
	v11 =	vimm.s32 $0xB;
	v60 =	vimm.s32 $0xC;
	s7 =	sshll.u32 s2, $0x3;
	s8 =	sadd.s32 $0x2DC00, s0;
	s9 =	smax.u32 s1, $0x1  }
.LBB2_1:
0xa: {  	s0 =	rddreg [dreg:$0x3]  }
0xb: {  	[tilespmem:s3], [sflag:$0x1] =	stream.linear.gather [hbm4b:s0+s3], $0x10000, $0x38;
	[tilespmem:$0x1BC00] =	vst v63  }
0xc: {  	_ =	swait.ge [sflag:s10], $0x10000  }
0xd: {  	[sflag:s10] =	ssyncset.done $0x0  }
0xe: {  	s30 =	simm.s32 $0x10000;
	[sflag:s10] =	ssyncadd.s32 $0xFFFF0000  }
0xf: {  	[tilespmem:s30], [sflag:$0x1] =	stream.linear.gather [hbm4b:s5+s3], $0x4B00, $0x38;
	[tilespmem:$0x1BC00] =	vst v63  }
0x10: {  	_ =	swait.ge [sflag:s10], $0x4B00  }
0x11: {  	[sflag:s10] =	ssyncset.done $0x0  }
0x12: {  	[sflag:s10] =	ssyncadd.s32 $0xFFFFB500  }
0x13: {  	s1 =	simm.s32 $0x16000;
	s31 =	rddreg [dreg:$0x1]  }
0x14: {  	[tilespmem:s1], [sflag:$0x1] =	stream.linear.gather [hbm4b:s31+s3], $0x280, $0x38;
	[tilespmem:$0x1BC00] =	vst v63  }
0x15: {  	_ =	swait.ge [sflag:s10], $0x280  }
0x16: {  	[sflag:s10] =	ssyncset.done $0x0  }
0x17: {  	s17 =	simm.s32 $0x0;
	[sflag:s10] =	ssyncadd.s32 $0xFFFFFD80  }
.LBB2_2:
0x18: {  	s0 =	sadd.s32 s7, s17  }
0x19: {  	s0 =	smul.u32 $0x2A0, s0;
	_ =	sdelay $0x1  }
0x1a: {  	s18 =	simm.s32 $0x0;
	s31 =	sshll.u32 s17, $0x4;
	s0 =	sadd.s32 s6, s0  }
0x1b: {  	[tilespmem:s13], [sflag:$0x1] =	stream.linear.gather [hbm4b:s0+s18], $0x1500, $0x38;
	[tilespmem:$0x1BC00] =	vst v63  }
0x1c: {  	s0 =	sand.u32 $0x3FFFFFF0, s31  }
0x1d: {  	_ =	swait.ge [sflag:s10], $0x1500;
	s0 =	sadd.s32 $0x1BA00, s0  }
0x1e: {  	s19 =	simm.s32 $0x10030;
	[sflag:s10] =	ssyncset.done $0x0;
	v0 =	vmov s0  }
0x1f: {  	s20 =	simm.s32 $0x10040;
	s21 =	simm.s32 $0x10050;
	[sflag:s10] =	ssyncadd.s32 $0xFFFFEB00;
	[tilespmem:$0x1FFF0] =	vst v0  }
.LBB2_3:
0x20: {  	s22 =	simm.s32 $0x18EB0  }
0x21: {  	s23 =	simm.s32 $0x18E40;
	s24 =	simm.s32 $0x162F0;
	s25 =	simm.s32 $0x0;
	v62 =	vimm.s32 $0x5;
	v14 =	vimm.s32 $0x6  }
.LBB2_4:
0x22: {  	v37 =	vld [tilespmem:s19+$0xFFFFFFD0]  }
0x23: {  	s26 =	sshll.u32 s25, $0x4;
	v41 =	vld [tilespmem:s19+$0x0]  }
0x24: {  	v32 =	vld [tilespmem:s26+$0x14B00]  }
0x25: {  	v31 =	vld [tilespmem:s26+$0x14B70]  }
0x26: {  	v25 =	vld [tilespmem:s26+$0x14BE0]  }
0x27: {  	v30 =	vld [tilespmem:s26+$0x14C50]  }
0x28: {  	v26 =	vld [tilespmem:s26+$0x14CC0]  }
0x29: {  	v29 =	vld [tilespmem:s26+$0x14D30]  }
0x2a: {  	v28 =	vld [tilespmem:s26+$0x14DA0]  }
0x2b: {  	v27 =	vld [tilespmem:s26+$0x14E10]  }
0x2c: {  	v0 =	vimm.s32 $0x2;
	v15 =	vimm.s32 $0x3;
	v23 =	vld [tilespmem:s26+$0x14E80]  }
0x2d: {  	v1 =	vimm.s32 $0x4;
	v2 =	vimm.s32 $0x7;
	v24 =	vld [tilespmem:s26+$0x14EF0];
	v17 =	vperm.xlane v37, v12  }
0x2e: {  	v10 =	vimm.s32 $0xB;
	v9 =	vimm.s32 $0xA;
	v19 =	vld [tilespmem:s26+$0x14F60];
	v18 =	vperm.xlane v37, v63  }
0x2f: {  	v13 =	vimm.s32 $0x9;
	v22 =	vld [tilespmem:s26+$0x14FD0];
	v35 =	vperm.xlane v37, v62;
	v33 =	vadd.s32 v31, v17  }
0x30: {  	v20 =	vld [tilespmem:s26+$0x15040];
	v39 =	vperm.xlane v41, v12;
	v17 =	vperm.xlane v41, v63;
	v34 =	vadd.s32 v32, v18  }
0x31: {  	v21 =	vld [tilespmem:s26+$0x150B0];
	v40 =	vperm.xlane v37, v15;
	v18 =	vperm.xlane v37, v0;
	v35 =	vadd.s32 v29, v35  }
0x32: {  	v42 =	vperm.xlane v41, v15;
	v39 =	vadd.s32 v31, v39;
	v36 =	vadd.s32 v32, v17;
	v17 =	vld [tilespmem:s26+$0x15120]  }
0x33: {  	v43 =	vperm.xlane v41, v1;
	v40 =	vadd.s32 v30, v40;
	v38 =	vadd.s32 v25, v18;
	v18 =	vld [tilespmem:s26+$0x15190]  }
0x34: {  	v7 =	vimm.s32 $0xD;
	v44 =	vperm.xlane v41, v62;
	v42 =	vadd.s32 v30, v42;
	v33 =	vld.idx.msk [tilespmem:v33+s3+$0x0], $0xffff  }
0x35: {  	v3 =	vimm.s32 $0x4;
	v46 =	vperm.xlane v37, v2;
	v43 =	vadd.s32 v26, v43;
	v34 =	vld.idx.msk [tilespmem:v34+s3+$0x0], $0xffff  }
0x36: {  	v4 =	vimm.s32 $0x7;
	v5 =	vimm.s32 $0x6;
	v44 =	vadd.s32 v29, v44;
	v47 =	vld.idx.msk [tilespmem:v35+s3+$0x0], $0xffff  }
0x37: {  	v57 =	vperm.xlane v41, v14;
	v59 =	vperm.xlane v37, v14;
	v46 =	vadd.s32 v27, v46;
	v39 =	vld.idx.msk [tilespmem:v39+s3+$0x0], $0xffff  }
0x38: {  	v6 =	vimm.s32 $0x2;
	v48 =	vperm.xlane v41, v2;
	v49 =	vperm.xlane v37, v1;
	v40 =	vld.idx.msk [tilespmem:v40+s3+$0x0], $0xffff  }
0x39: {  	v8 =	vimm.s32 $0x5;
	v61 =	vperm.xlane v37, v56;
	v52 =	vperm.xlane v41, v0;
	v51 =	vld.idx.msk [tilespmem:v42+s3+$0x0], $0xffff  }
0x3a: {  	v1 =	vimm.s32 $0x8;
	v56 =	vperm.xlane v41, v56;
	v50 =	vadd.s32 v28, v59;
	v35 =	vld.idx.msk [tilespmem:v43+s3+$0x0], $0xffff  }
0x3b: {  	v2 =	vimm.s32 $0xF;
	v54 =	vperm.xlane v37, v1;
	v49 =	vadd.s32 v26, v49;
	v44 =	vld.idx.msk [tilespmem:v44+s3+$0x0], $0xffff  }
0x3c: {  	v55 =	vperm.xlane v41, v1;
	v62 =	vadd.s32 v27, v48;
	v0 =	vimm.s32 $0xD;
	v46 =	vld.idx.msk [tilespmem:v46+s3+$0x0], $0xffff  }
0x3d: {  	v59 =	vperm.xlane v37, v11;
	v53 =	vperm.xlane v37, v0;
	v54 =	vadd.s32 v23, v54;
	v45 =	vld.idx.msk [tilespmem:v36+s3+$0x0], $0xffff  }
0x3e: {  	v1 =	vimm.s32 $0xE;
	v52 =	vadd.s32 v25, v52;
	v56 =	vadd.s32 v24, v56;
	v38 =	vld.idx.msk [tilespmem:v38+s3+$0x0], $0xffff  }
0x3f: {  	v48 =	vadd.s32 v22, v59;
	v53 =	vadd.s32 v21, v53;
	v42 =	vadd.s32 v24, v61;
	v50 =	vld.idx.msk [tilespmem:v50+s3+$0x0], $0xffff  }
0x40: {  	v61 =	vperm.xlane v37, v58;
	v49 =	vld.idx.msk [tilespmem:v49+s3+$0x0], $0xffff;
	v36 =	vadd.s32 v28, v57;
	v33 =	vadd.f32 $0.0e+00, v33  }
0x41: {  	v57 =	vld.idx.msk [tilespmem:v62+s3+$0x0], $0xffff;
	v62 =	vperm.xlane v41, v11;
	v34 =	vadd.f32 $0.0e+00, v34;
	v39 =	vadd.f32 $0.0e+00, v39  }
0x42: {  	v54 =	vld.idx.msk [tilespmem:v54+s3+$0x0], $0xffff;
	v33 =	vadd.f32 v40, v33;
	v45 =	vadd.f32 $0.0e+00, v45;
	v40 =	vadd.s32 v19, v61  }
0x43: {  	v34 =	vadd.f32 v38, v34;
	v38 =	vperm.xlane v41, v58;
	v61 =	vadd.f32 v51, v39;
	v58 =	vld.idx.msk [tilespmem:v52+s3+$0x0], $0xffff  }
0x44: {  	v52 =	vadd.s32 v23, v55;
	v51 =	vperm.xlane v41, v0;
	v33 =	vadd.f32 v47, v33;
	v47 =	vld.idx.msk [tilespmem:v42+s3+$0x0], $0xffff  }
0x45: {  	v48 =	vld.idx.msk [tilespmem:v48+s3+$0x0], $0xffff;
	v0 =	vimm.s32 $0xE;
	v42 =	vadd.s32 v22, v62;
	v62 =	vperm.xlane v41, v60  }
0x46: {  	v53 =	vld.idx.msk [tilespmem:v53+s3+$0x0], $0xffff;
	v39 =	vadd.s32 v19, v38;
	v38 =	vperm.xlane v37, v2;
	v44 =	vadd.f32 v44, v61  }
0x47: {  	s30 =	sadd.s32 $0x60, s19;
	v36 =	vld.idx.msk [tilespmem:v36+s3+$0x0], $0xffff;
	v61 =	vadd.f32 v49, v34;
	v33 =	vadd.f32 v46, v33;
	v59 =	vadd.s32 v20, v62  }
0x48: {  	v34 =	vld [tilespmem:s30+$0xFFFFFFD0];
	v62 =	vperm.xlane v41, v0;
	v49 =	vadd.s32 v18, v38;
	v38 =	vadd.f32 v57, v44  }
0x49: {  	v11 =	vimm.s32 $0xC;
	v57 =	vadd.f32 v50, v61;
	v43 =	vld.idx.msk [tilespmem:v40+s3+$0x0], $0xffff;
	v47 =	vadd.f32 v47, v33  }
0x4a: {  	v46 =	vadd.s32 v21, v51;
	v61 =	vperm.xlane v37, v60;
	v40 =	vld.idx.msk [tilespmem:v52+s3+$0x0], $0xffff;
	v51 =	vadd.s32 v17, v62  }
0x4b: {  	v52 =	vperm.xlane v37, v0;
	v62 =	vperm.xlane v41, v2;
	v33 =	vld [tilespmem:s30+$0x0];
	v48 =	vadd.f32 v48, v47  }
0x4c: {  	v45 =	vadd.f32 v58, v45;
	v0 =	vimm.s32 $0x8;
	v41 =	vld.idx.msk [tilespmem:v56+s3+$0x0], $0xffff;
	v47 =	vadd.f32 v54, v57  }
0x4d: {  	s31 =	simm.s32 $0x2;
	s28 =	smov.u32 s22;
	s29 =	smov.u32 s22;
	v50 =	vadd.s32 v20, v61;
	v37 =	vld.idx.msk [tilespmem:v59+s3+$0x0], $0xffff;
	v44 =	vadd.f32 v53, v48;
	v48 =	vadd.s32 v18, v62  }
.LBB2_5:
0x4e: {  	s31 =	sadd.s32 $0x2, s31;
	v53 =	vperm.xlane v34, v12;
	v54 =	vperm.xlane v34, v10;
	v43 =	vadd.f32 v43, v47;
	v47 =	vld.idx.msk [tilespmem:v49+s3+$0x0], $0xffff;
	s28 =	sadd.s32 $0xE0, s28  }
0x4f: {  	v49 =	vperm.xlane v34, v63;
	v55 =	vperm.xlane v34, v15;
	v52 =	vadd.s32 v17, v52;
	p0 =	slt.u32 s31, $0x62;
	v51 =	vld.idx.msk [tilespmem:v51+s3+$0x0], $0xffff  }
0x50: {  	v56 =	vperm.xlane v33, v63;
	v57 =	vperm.xlane v33, v6;
	v53 =	vadd.s32 v31, v53;
	v46 =	vld.idx.msk [tilespmem:v46+s3+$0x0], $0xffff  }
0x51: {  	v58 =	vperm.xlane v34, v6;
	v59 =	vperm.xlane v34, v5;
	v49 =	vadd.s32 v32, v49;
	v42 =	vld.idx.msk [tilespmem:v42+s3+$0x0], $0xffff  }
0x52: {  	v60 =	vperm.xlane v34, v8;
	v61 =	vperm.xlane v33, v8;
	v56 =	vadd.s32 v32, v56;
	v50 =	vld.idx.msk [tilespmem:v50+s3+$0x0], $0xffff  }
0x53: {  	v35 =	vadd.f32 v35, v45;
	v62 =	vperm.xlane v33, v15;
	v58 =	vadd.s32 v25, v58;
	v45 =	vld.idx.msk [tilespmem:v48+s3+$0x0], $0xffff  }
0x54: {  	v48 =	vadd.s32 v29, v60;
	v60 =	vperm.xlane v33, v12;
	v44 =	vadd.f32 v47, v44;
	v52 =	vld.idx.msk [tilespmem:v52+s3+$0x0], $0xffff  }
0x55: {  	v35 =	vadd.f32 v36, v35;
	v47 =	vld.idx.msk [tilespmem:v53+s3+$0x0], $0xffff;
	v53 =	vadd.s32 v30, v55;
	v55 =	vadd.s32 v30, v62  }
0x56: {  	v62 =	vperm.xlane v34, v7;
	v36 =	vadd.s32 v31, v60;
	v60 =	vadd.s32 v29, v61;
	v39 =	vld.idx.msk [tilespmem:v39+s3+$0x0], $0xffff  }
0x57: {  	v63 =	vperm.xlane v33, v5;
	v35 =	vadd.f32 v40, v35;
	v61 =	vperm.xlane v33, v3;
	v49 =	vld.idx.msk [tilespmem:v49+s3+$0x0], $0xffff  }
0x58: {  	v16 =	vperm.xlane v33, v0;
	v40 =	vperm.xlane v34, v4;
	v43 =	vadd.f32 v50, v43;
	v56 =	vld.idx.msk [tilespmem:v56+s3+$0x0], $0xffff  }
0x59: {  	v38 =	vadd.f32 v41, v38;
	v61 =	vadd.s32 v26, v61;
	v50 =	vld.idx.msk [tilespmem:v58+s3+$0x0], $0xffff;
	v58 =	vperm.xlane v34, v3  }
0x5a: {  	v40 =	vadd.s32 v27, v40;
	v43 =	vadd.f32 v52, v43;
	v41 =	vld.idx.msk [tilespmem:v48+s3+$0x0], $0xffff;
	v48 =	vadd.s32 v28, v63  }
0x5b: {  	v38 =	vadd.f32 v42, v38;
	v47 =	vadd.f32 $0.0e+00, v47;
	v63 =	vmovc v34;
	v52 =	vadd.s32 v26, v58;
	v58 =	vld.idx.msk [tilespmem:v36+s3+$0x0], $0xffff  }
0x5c: {  	v42 =	vperm.xlane v33, v4;
	v36 =	vperm.xlane v63, v13;
	v43 =	vadd.f32 v44, v43;
	v34 =	vld.idx.msk [tilespmem:v53+s3+$0x0], $0xffff  }
0x5d: {  	v39 =	vadd.f32 v39, v35;
	v44 =	vadd.f32 $0.0e+00, v49;
	v49 =	vadd.s32 v28, v59;
	v53 =	vld.idx.msk [tilespmem:v55+s3+$0x0], $0xffff;
	v55 =	vmovc v33  }
0x5e: {  	v42 =	vadd.s32 v27, v42;
	v33 =	vadd.s32 v24, v36;
	v43 =	vadd.f32 $0.0e+00, v43;
	v35 =	vld.idx.msk [tilespmem:v61+s3+$0x0], $0xffff  }
0x5f: {  	v54 =	vadd.s32 v22, v54;
	v37 =	vadd.f32 v37, v39;
	v59 =	vld.idx.msk [tilespmem:v60+s3+$0x0], $0xffff;
	v60 =	vperm.xlane v55, v13  }
0x60: {  	v38 =	vadd.f32 v46, v38;
	v39 =	vperm.xlane v63, v0;
	v56 =	vadd.f32 $0.0e+00, v56;
	v36 =	vld.idx.msk [tilespmem:v48+s3+$0x0], $0xffff;
	[tilespmem:s29+$0xFFFFFF90] =	vst v43  }
0x61: {  	v37 =	vadd.f32 v51, v37;
	v43 =	vadd.s32 v25, v57;
	v40 =	vld.idx.msk [tilespmem:v40+s3+$0x0], $0xffff;
	v48 =	vadd.s32 v24, v60  }
0x62: {  	v38 =	vadd.f32 v45, v38;
	v39 =	vadd.s32 v23, v39;
	v34 =	vadd.f32 v34, v47;
	v46 =	vld.idx.msk [tilespmem:v49+s3+$0x0], $0xffff  }
0x63: {  	v16 =	vadd.s32 v23, v16;
	v45 =	vperm.xlane v63, v9;
	v47 =	vld.idx.msk [tilespmem:v42+s3+$0x0], $0xffff;
	v42 =	vperm.xlane v55, v10  }
0x64: {  	v44 =	vadd.f32 v50, v44;
	v50 =	vadd.s32 v21, v62;
	v37 =	vadd.f32 v38, v37;
	v49 =	vld.idx.msk [tilespmem:v52+s3+$0x0], $0xffff  }
0x65: {  	v38 =	vadd.s32 v19, v45;
	v34 =	vadd.f32 v41, v34;
	v41 =	vadd.f32 $0.0e+00, v58;
	v33 =	vld.idx.msk [tilespmem:v33+s3+$0x0], $0xffff  }
0x66: {  	v51 =	vperm.xlane v55, v9;
	v37 =	vadd.f32 $0.0e+00, v37;
	v42 =	vadd.s32 v22, v42;
	v45 =	vld.idx.msk [tilespmem:v54+s3+$0x0], $0xffff  }
0x67: {  	v40 =	vadd.f32 v40, v34;
	v34 =	vadd.f32 v53, v41;
	v41 =	vperm.xlane v55, v11;
	v52 =	vld.idx.msk [tilespmem:v39+s3+$0x0], $0xffff  }
0x68: {  	v54 =	vperm.xlane v55, v7;
	v39 =	vadd.s32 v19, v51;
	v53 =	vld.idx.msk [tilespmem:v43+s3+$0x0], $0xffff;
	[tilespmem:s29+$0x0] =	vst v37;
	s29 =	smov.u32 s28  }
0x69: {  	v51 =	vadd.f32 v59, v34;
	v37 =	vld.idx.msk [tilespmem:v50+s3+$0x0], $0xffff;
	v50 =	vperm.xlane v63, v2;
	v44 =	vadd.f32 v49, v44  }
0x6a: {  	s30 =	sadd.s32 $0x60, s30;
	v57 =	vadd.s32 v20, v41;
	v41 =	vperm.xlane v55, v1;
	v43 =	vld.idx.msk [tilespmem:v38+s3+$0x0], $0xffff;
	v40 =	vadd.f32 v33, v40  }
.Ltmp0:
0x6b: {  	v38 =	vadd.f32 v47, v51;
	v34 =	vld [tilespmem:s30+$0xFFFFFFD0];
	v49 =	vadd.s32 v18, v50;
	v44 =	vadd.f32 v46, v44;
	(pc) =	sbr.rel @p0 .LBB2_5-.Ltmp0, $4  }
0x6c: {  	v51 =	vadd.s32 v17, v41;
	v46 =	vadd.s32 v21, v54;
	v50 =	vperm.xlane v63, v11;
	v33 =	vld [tilespmem:s30+$0x0]  }
0x6d: {  	v54 =	vadd.f32 v45, v40;
	v40 =	vld.idx.msk [tilespmem:v16+s3+$0x0], $0xffff;
	v16 =	vperm.xlane v55, v2;
	v47 =	vadd.f32 v52, v44  }
0x6e: {  	v52 =	vperm.xlane v63, v1;
	v63 =	vimm.s32 $0x0;
	v45 =	vadd.f32 v53, v56;
	v41 =	vld.idx.msk [tilespmem:v48+s3+$0x0], $0xffff  }
0x6f: {  	v50 =	vadd.s32 v20, v50;
	v44 =	vadd.f32 v37, v54;
	v37 =	vld.idx.msk [tilespmem:v57+s3+$0x0], $0xffff;
	v48 =	vadd.s32 v18, v16  }
0x70: {  	_ =	sdelay $0x3  }
0x71: {  	v49 =	vld.idx.msk [tilespmem:v49+s3+$0x0], $0xffff  }
0x72: {  	v16 =	vperm.xlane v34, v12;
	v51 =	vld.idx.msk [tilespmem:v51+s3+$0x0], $0xffff  }
0x73: {  	v52 =	vadd.s32 v17, v52;
	v53 =	vperm.xlane v34, v63;
	v46 =	vld.idx.msk [tilespmem:v46+s3+$0x0], $0xffff  }
0x74: {  	v42 =	vld.idx.msk [tilespmem:v42+s3+$0x0], $0xffff;
	v56 =	vperm.xlane v34, v8;
	v16 =	vadd.s32 v31, v16  }
0x75: {  	v50 =	vld.idx.msk [tilespmem:v50+s3+$0x0], $0xffff;
	v57 =	vperm.xlane v34, v15;
	v53 =	vadd.s32 v32, v53  }
0x76: {  	v48 =	vld.idx.msk [tilespmem:v48+s3+$0x0], $0xffff;
	v35 =	vadd.f32 v35, v45;
	v61 =	vperm.xlane v34, v4;
	v56 =	vadd.s32 v29, v56  }
0x77: {  	v55 =	vperm.xlane v34, v6;
	v39 =	vld.idx.msk [tilespmem:v39+s3+$0x0], $0xffff;
	v54 =	vperm.xlane v33, v63;
	v57 =	vadd.s32 v30, v57  }
0x78: {  	v43 =	vadd.f32 v43, v47;
	v35 =	vadd.f32 v36, v35;
	v36 =	vadd.s32 v27, v61;
	v52 =	vld.idx.msk [tilespmem:v52+s3+$0x0], $0xffff  }
0x79: {  	v60 =	vperm.xlane v33, v12;
	v47 =	vperm.xlane v33, v8;
	v62 =	vadd.s32 v32, v54;
	v16 =	vld.idx.msk [tilespmem:v16+s3+$0x0], $0xffff  }
0x7a: {  	v58 =	vperm.xlane v33, v15;
	v54 =	vadd.s32 v25, v55;
	v53 =	vld.idx.msk [tilespmem:v53+s3+$0x0], $0xffff  }
0x7b: {  	v31 =	vadd.s32 v31, v60;
	v29 =	vadd.s32 v29, v47;
	v47 =	vld.idx.msk [tilespmem:v56+s3+$0x0], $0xffff  }
0x7c: {  	v59 =	vperm.xlane v33, v3;
	v61 =	vperm.xlane v34, v3;
	v30 =	vadd.s32 v30, v58;
	v45 =	vld.idx.msk [tilespmem:v57+s3+$0x0], $0xffff  }
0x7d: {  	v55 =	vperm.xlane v34, v10;
	v58 =	vperm.xlane v33, v6;
	v36 =	vld.idx.msk [tilespmem:v36+s3+$0x0], $0xffff  }
0x7e: {  	v60 =	vperm.xlane v33, v5;
	v59 =	vadd.s32 v26, v59;
	v38 =	vadd.f32 v41, v38;
	v32 =	vld.idx.msk [tilespmem:v62+s3+$0x0], $0xffff  }
0x7f: {  	v35 =	vadd.f32 v40, v35;
	v26 =	vadd.s32 v26, v61;
	v44 =	vadd.f32 v49, v44;
	v54 =	vld.idx.msk [tilespmem:v54+s3+$0x0], $0xffff  }
0x80: {  	v49 =	vadd.s32 v28, v60;
	v60 =	vperm.xlane v34, v7;
	v56 =	vperm.xlane v34, v5;
	v31 =	vld.idx.msk [tilespmem:v31+s3+$0x0], $0xffff  }
0x81: {  	v43 =	vadd.f32 v50, v43;
	v25 =	vadd.s32 v25, v58;
	v57 =	vperm.xlane v33, v4;
	v30 =	vld.idx.msk [tilespmem:v30+s3+$0x0], $0xffff  }
0x82: {  	v61 =	vadd.s32 v22, v55;
	v62 =	vperm.xlane v34, v13;
	v29 =	vld.idx.msk [tilespmem:v29+s3+$0x0], $0xffff;
	v28 =	vadd.s32 v28, v56  }
0x83: {  	v38 =	vadd.f32 v42, v38;
	v58 =	vperm.xlane v33, v13;
	v56 =	vld.idx.msk [tilespmem:v59+s3+$0x0], $0xffff;
	v27 =	vadd.s32 v27, v57  }
0x84: {  	v55 =	vperm.xlane v33, v1;
	v35 =	vadd.f32 v39, v35;
	v26 =	vld.idx.msk [tilespmem:v26+s3+$0x0], $0xffff;
	v41 =	vadd.s32 v24, v62  }
0x85: {  	v50 =	vperm.xlane v33, v0;
	v38 =	vadd.f32 v46, v38;
	v59 =	vperm.xlane v34, v0;
	v49 =	vld.idx.msk [tilespmem:v49+s3+$0x0], $0xffff  }
0x86: {  	v46 =	vadd.s32 v17, v55;
	v35 =	vadd.f32 v37, v35;
	v24 =	vadd.s32 v24, v58;
	v25 =	vld.idx.msk [tilespmem:v25+s3+$0x0], $0xffff  }
0x87: {  	v38 =	vadd.f32 v48, v38;
	v57 =	vadd.f32 v52, v43;
	v62 =	vadd.s32 v23, v59;
	v28 =	vld.idx.msk [tilespmem:v28+s3+$0x0], $0xffff  }
0x88: {  	v35 =	vadd.f32 v51, v35;
	v59 =	vadd.s32 v21, v60;
	v23 =	vadd.s32 v23, v50;
	v27 =	vld.idx.msk [tilespmem:v27+s3+$0x0], $0xffff  }
0x89: {  	v16 =	vadd.f32 $0.0e+00, v16;
	v40 =	vadd.f32 v44, v57;
	v57 =	vperm.xlane v34, v9;
	v37 =	vld.idx.msk [tilespmem:v41+s3+$0x0], $0xffff  }
0x8a: {  	v60 =	vperm.xlane v33, v11;
	v43 =	vadd.f32 $0.0e+00, v53;
	v31 =	vadd.f32 $0.0e+00, v31;
	v41 =	vld.idx.msk [tilespmem:v61+s3+$0x0], $0xffff  }
0x8b: {  	v35 =	vadd.f32 v38, v35;
	v39 =	vadd.s32 v19, v57;
	v57 =	vperm.xlane v33, v10;
	v24 =	vld.idx.msk [tilespmem:v24+s3+$0x0], $0xffff  }
0x8c: {  	v61 =	vperm.xlane v34, v2;
	v30 =	vadd.f32 v30, v31;
	v42 =	vld.idx.msk [tilespmem:v62+s3+$0x0], $0xffff;
	v62 =	vadd.s32 v20, v60  }
0x8d: {  	v31 =	vperm.xlane v34, v1;
	v58 =	vld.idx.msk [tilespmem:v59+s3+$0x0], $0xffff;
	v59 =	vperm.xlane v33, v9;
	v22 =	vadd.s32 v22, v57  }
0x8e: {  	v32 =	vadd.f32 $0.0e+00, v32;
	v60 =	vperm.xlane v34, v11;
	v23 =	vld.idx.msk [tilespmem:v23+s3+$0x0], $0xffff;
	v44 =	vadd.s32 v18, v61  }
0x8f: {  	v61 =	vperm.xlane v33, v7;
	v17 =	vadd.s32 v17, v31;
	v31 =	vld.idx.msk [tilespmem:v46+s3+$0x0], $0xffff;
	v19 =	vadd.s32 v19, v59  }
0x90: {  	v16 =	vadd.f32 v45, v16;
	v43 =	vadd.f32 v54, v43;
	v20 =	vadd.s32 v20, v60;
	v39 =	vld.idx.msk [tilespmem:v39+s3+$0x0], $0xffff  }
0x91: {  	v45 =	vperm.xlane v33, v2;
	v25 =	vadd.f32 v25, v32;
	v21 =	vadd.s32 v21, v61;
	v62 =	vld.idx.msk [tilespmem:v62+s3+$0x0], $0xffff  }
0x92: {  	v16 =	vadd.f32 v47, v16;
	v26 =	vadd.f32 v26, v43;
	v22 =	vld.idx.msk [tilespmem:v22+s3+$0x0], $0xffff  }
0x93: {  	v29 =	vadd.f32 v29, v30;
	v18 =	vadd.s32 v18, v45;
	v25 =	vadd.f32 v56, v25;
	v48 =	vld.idx.msk [tilespmem:v44+s3+$0x0], $0xffff  }
0x94: {  	v16 =	vadd.f32 v36, v16;
	v26 =	vadd.f32 v28, v26;
	v19 =	vld.idx.msk [tilespmem:v19+s3+$0x0], $0xffff  }
0x95: {  	v27 =	vadd.f32 v27, v29;
	v25 =	vadd.f32 v49, v25;
	v20 =	vld.idx.msk [tilespmem:v20+s3+$0x0], $0xffff  }
0x96: {  	v16 =	vadd.f32 v37, v16;
	v26 =	vadd.f32 v42, v26;
	v21 =	vld.idx.msk [tilespmem:v21+s3+$0x0], $0xffff  }
0x97: {  	v23 =	vadd.f32 v23, v25;
	v24 =	vadd.f32 v24, v27;
	v17 =	vld.idx.msk [tilespmem:v17+s3+$0x0], $0xffff  }
0x98: {  	v16 =	vadd.f32 v41, v16;
	v18 =	vld.idx.msk [tilespmem:v18+s3+$0x0], $0xffff;
	v25 =	vadd.f32 v39, v26  }
0x99: {  	v22 =	vadd.f32 v22, v24;
	v19 =	vadd.f32 v19, v23  }
0x9a: {  	v16 =	vadd.f32 v58, v16;
	v20 =	vadd.f32 v20, v25  }
0x9b: {  	v21 =	vadd.f32 v21, v22;
	v19 =	vadd.f32 v62, v19  }
0x9c: {  	v16 =	vadd.f32 v48, v16;
	v17 =	vadd.f32 v17, v20  }
0x9d: {  	v18 =	vadd.f32 v18, v21;
	v19 =	vadd.f32 v31, v19  }
0x9e: {  	v20 =	vadd.f32 $0.0e+00, v40;
	v16 =	vadd.f32 v16, v17  }
0x9f: {  	v17 =	vadd.f32 $0.0e+00, v35;
	v18 =	vadd.f32 v18, v19  }
0xa0: {  	[tilespmem:s29+$0xFFFFFF90] =	vst v20;
	v16 =	vadd.f32 $0.0e+00, v16  }
0xa1: {  	s0 =	sadd.s32 $0xE0, s28;
	[tilespmem:s29+$0x0] =	vst v17;
	v17 =	vadd.f32 $0.0e+00, v18  }
0xa2: {  	[tilespmem:s0+$0xFFFFFF90] =	vst v16  }
0xa3: {  	[tilespmem:s0+$0x0] =	vst v17  }
0xa4: {  	v30 =	vld [tilespmem:s26+$0x15200]  }
0xa5: {  	v33 =	vld [tilespmem:s26+$0x15270]  }
0xa6: {  	v29 =	vld [tilespmem:s26+$0x152E0]  }
0xa7: {  	v32 =	vld [tilespmem:s26+$0x15350]  }
0xa8: {  	v21 =	vld [tilespmem:s26+$0x153C0]  }
0xa9: {  	v31 =	vld [tilespmem:s26+$0x15430]  }
0xaa: {  	v16 =	vld [tilespmem:s20+$0xFFFFFFD0]  }
0xab: {  	v27 =	vld [tilespmem:s26+$0x154A0]  }
0xac: {  	v24 =	vld [tilespmem:s26+$0x15510]  }
0xad: {  	v35 =	vld [tilespmem:s20+$0x0]  }
0xae: {  	v23 =	vld [tilespmem:s26+$0x15580]  }
0xaf: {  	v20 =	vld [tilespmem:s26+$0x155F0];
	v17 =	vperm.xlane v16, v12  }
0xb0: {  	v26 =	vld [tilespmem:s26+$0x15660];
	v18 =	vperm.xlane v16, v63  }
0xb1: {  	v22 =	vld [tilespmem:s26+$0x156D0];
	v50 =	vperm.xlane v16, v15;
	v28 =	vadd.s32 v33, v17  }
0xb2: {  	v19 =	vld [tilespmem:s26+$0x15740];
	v53 =	vperm.xlane v35, v12;
	v51 =	vadd.s32 v30, v18  }
0xb3: {  	v25 =	vld [tilespmem:s26+$0x157B0];
	v54 =	vperm.xlane v35, v15;
	v17 =	vperm.xlane v16, v6;
	v34 =	vadd.s32 v32, v50  }
0xb4: {  	v55 =	vperm.xlane v35, v8;
	v18 =	vld [tilespmem:s26+$0x15890];
	v38 =	vadd.s32 v33, v53  }
0xb5: {  	v56 =	vperm.xlane v16, v8;
	v39 =	vadd.s32 v32, v54;
	v52 =	vadd.s32 v29, v17;
	v17 =	vld [tilespmem:s26+$0x15820]  }
0xb6: {  	v14 =	vimm.s32 $0x6;
	v57 =	vperm.xlane v35, v3;
	v58 =	vadd.s32 v31, v55;
	v28 =	vld.idx.msk [tilespmem:v28+s3+$0x0], $0xffff  }
0xb7: {  	v59 =	vperm.xlane v16, v0;
	v60 =	vperm.xlane v35, v63;
	v41 =	vadd.s32 v31, v56;
	v36 =	vld.idx.msk [tilespmem:v51+s3+$0x0], $0xffff  }
0xb8: {  	v45 =	vperm.xlane v16, v9;
	v61 =	vperm.xlane v35, v6;
	v42 =	vadd.s32 v21, v57;
	v34 =	vld.idx.msk [tilespmem:v34+s3+$0x0], $0xffff  }
0xb9: {  	v47 =	vperm.xlane v16, v11;
	v62 =	vperm.xlane v35, v4;
	v44 =	vadd.s32 v30, v60;
	v49 =	vld.idx.msk [tilespmem:v38+s3+$0x0], $0xffff  }
0xba: {  	v63 =	vperm.xlane v35, v13;
	v37 =	vperm.xlane v35, v9;
	v46 =	vadd.s32 v29, v61;
	v39 =	vld.idx.msk [tilespmem:v39+s3+$0x0], $0xffff  }
0xbb: {  	v12 =	vimm.s32 $0x4;
	v50 =	vperm.xlane v16, v7;
	v60 =	vadd.s32 v24, v62;
	v57 =	vld.idx.msk [tilespmem:v58+s3+$0x0], $0xffff  }
0xbc: {  	v40 =	vadd.s32 v23, v59;
	v61 =	vperm.xlane v16, v5;
	v62 =	vperm.xlane v35, v5;
	v5 =	vld.idx.msk [tilespmem:v41+s3+$0x0], $0xffff  }
0xbd: {  	v54 =	vadd.s32 v20, v63;
	v63 =	vperm.xlane v35, v10;
	v47 =	vadd.s32 v19, v47;
	v6 =	vld.idx.msk [tilespmem:v42+s3+$0x0], $0xffff  }
0xbe: {  	v53 =	vperm.xlane v35, v2;
	v56 =	vperm.xlane v35, v11;
	v55 =	vadd.s32 v27, v61;
	v44 =	vld.idx.msk [tilespmem:v44+s3+$0x0], $0xffff  }
0xbf: {  	v59 =	vadd.s32 v26, v37;
	v48 =	vadd.s32 v25, v50;
	v50 =	vadd.s32 v27, v62;
	v43 =	vld.idx.msk [tilespmem:v46+s3+$0x0], $0xffff  }
0xc0: {  	v38 =	vadd.s32 v26, v45;
	v60 =	vld.idx.msk [tilespmem:v60+s3+$0x0], $0xffff;
	v46 =	vperm.xlane v16, v3;
	v3 =	vperm.xlane v35, v0  }
0xc1: {  	v45 =	vadd.s32 v22, v63;
	v58 =	vperm.xlane v35, v7;
	v8 =	vld.idx.msk [tilespmem:v52+s3+$0x0], $0xffff;
	v52 =	vperm.xlane v16, v1  }
0xc2: {  	v62 =	vld.idx.msk [tilespmem:v54+s3+$0x0], $0xffff;
	v35 =	vperm.xlane v35, v1;
	v46 =	vadd.s32 v21, v46;
	v54 =	vadd.s32 v23, v3  }
0xc3: {  	v42 =	vld.idx.msk [tilespmem:v55+s3+$0x0], $0xffff;
	v58 =	vadd.s32 v25, v58;
	v51 =	vadd.s32 v17, v52;
	v52 =	vperm.xlane v16, v4  }
0xc4: {  	v63 =	vld.idx.msk [tilespmem:v50+s3+$0x0], $0xffff;
	v3 =	vperm.xlane v16, v10;
	v49 =	vadd.f32 $0.0e+00, v49;
	v28 =	vadd.f32 $0.0e+00, v28  }
0xc5: {  	s30 =	sadd.s32 $0x60, s20;
	v50 =	vld.idx.msk [tilespmem:v59+s3+$0x0], $0xffff;
	v36 =	vadd.f32 $0.0e+00, v36;
	v44 =	vadd.f32 $0.0e+00, v44;
	v52 =	vadd.s32 v24, v52  }
0xc6: {  	v10 =	vimm.s32 $0xF;
	v39 =	vadd.f32 v39, v49;
	v61 =	vadd.f32 v34, v28;
	v34 =	vld [tilespmem:s30+$0xFFFFFFD0]  }
0xc7: {  	v41 =	vld.idx.msk [tilespmem:v45+s3+$0x0], $0xffff;
	v49 =	vperm.xlane v16, v13;
	v13 =	vimm.s32 $0x5;
	v45 =	vadd.f32 v8, v36  }
0xc8: {  	v28 =	vld [tilespmem:s22+$0xFFFFFF90];
	v43 =	vadd.f32 v43, v44;
	v16 =	vperm.xlane v16, v2;
	v39 =	vadd.f32 v57, v39  }
0xc9: {  	v36 =	vadd.s32 v22, v3;
	v58 =	vld.idx.msk [tilespmem:v58+s3+$0x0], $0xffff;
	v57 =	vadd.s32 v18, v53;
	v55 =	vadd.s32 v20, v49  }
0xca: {  	v44 =	vadd.f32 v6, v43;
	v49 =	vadd.s32 v18, v16;
	v39 =	vadd.f32 v60, v39;
	v53 =	vld.idx.msk [tilespmem:v52+s3+$0x0], $0xffff  }
0xcb: {  	v60 =	vadd.f32 v5, v61;
	v61 =	vld.idx.msk [tilespmem:v54+s3+$0x0], $0xffff;
	v54 =	vadd.s32 v19, v56;
	v16 =	vperm.xlane v34, v0  }
0xcc: {  	v56 =	vadd.s32 v17, v35;
	v52 =	vld.idx.msk [tilespmem:v46+s3+$0x0], $0xffff;
	v0 =	vperm.xlane v34, v9;
	v2 =	vperm.xlane v34, v11  }
0xcd: {  	v35 =	vld [tilespmem:s30+$0x0];
	v3 =	vperm.xlane v34, v1;
	v39 =	vadd.f32 v62, v39;
	v62 =	vadd.f32 v63, v44  }
0xce: {  	v46 =	vld.idx.msk [tilespmem:v36+s3+$0x0], $0xffff;
	v44 =	vadd.s32 v23, v16;
	v16 =	vperm.xlane v34, v7;
	v43 =	vadd.s32 v26, v0  }
0xcf: {  	v36 =	vld [tilespmem:s22+$0x0];
	v37 =	vadd.s32 v19, v2;
	v59 =	vadd.f32 v41, v39;
	v39 =	vadd.s32 v17, v3  }
0xd0: {  	s31 =	simm.s32 $0x2;
	s28 =	smov.u32 s22;
	s29 =	smov.u32 s22;
	v57 =	vld.idx.msk [tilespmem:v57+s3+$0x0], $0xffff;
	v53 =	vadd.f32 v53, v60;
	v41 =	vadd.s32 v25, v16;
	v60 =	vadd.f32 v61, v62  }
.LBB2_7:
0xd1: {  	v4 =	vimm.s32 $0x1  }
0xd2: {  	v3 =	vimm.s32 $0x3;
	v58 =	vadd.f32 v58, v59;
	v0 =	vimm.s32 $0x0  }
0xd3: {  	v2 =	vimm.s32 $0x2;
	v1 =	vperm.xlane v34, v13;
	v45 =	vadd.f32 v52, v45  }
0xd4: {  	v8 =	vimm.s32 $0x7;
	v16 =	vperm.xlane v34, v4;
	v61 =	vperm.xlane v34, v3  }
0xd5: {  	s31 =	sadd.s32 $0x2, s31;
	v51 =	vld.idx.msk [tilespmem:v51+s3+$0x0], $0xffff;
	s29 =	sadd.s32 $0xE0, s29;
	v6 =	vimm.s32 $0x9;
	v59 =	vperm.xlane v34, v0;
	v62 =	vperm.xlane v35, v10  }
0xd6: {  	p0 =	slt.u32 s31, $0x62;
	v50 =	vadd.f32 v50, v60;
	v60 =	vperm.xlane v35, v0;
	v63 =	vperm.xlane v35, v11;
	v55 =	vld.idx.msk [tilespmem:v55+s3+$0x0], $0xffff  }
0xd7: {  	v15 =	vperm.xlane v34, v2;
	v0 =	vperm.xlane v35, v7;
	v16 =	vadd.s32 v33, v16;
	v48 =	vld.idx.msk [tilespmem:v48+s3+$0x0], $0xffff  }
0xd8: {  	v2 =	vperm.xlane v35, v2;
	v3 =	vperm.xlane v35, v3;
	v59 =	vadd.s32 v30, v59;
	v47 =	vld.idx.msk [tilespmem:v47+s3+$0x0], $0xffff  }
0xd9: {  	v5 =	vperm.xlane v34, v6;
	v6 =	vperm.xlane v35, v6;
	v60 =	vadd.s32 v30, v60;
	v40 =	vld.idx.msk [tilespmem:v40+s3+$0x0], $0xffff  }
0xda: {  	v15 =	vadd.s32 v29, v15;
	v52 =	vadd.s32 v32, v61;
	v57 =	vadd.f32 v57, v58;
	v54 =	vld.idx.msk [tilespmem:v54+s3+$0x0], $0xffff  }
0xdb: {  	v1 =	vadd.s32 v31, v1;
	v58 =	vperm.xlane v35, v4;
	v61 =	vperm.xlane v35, v14;
	v56 =	vld.idx.msk [tilespmem:v56+s3+$0x0], $0xffff  }
0xdc: {  	v7 =	vperm.xlane v34, v12;
	v11 =	vimm.s32 $0xB;
	v53 =	vadd.f32 v55, v53;
	v16 =	vld.idx.msk [tilespmem:v16+s3+$0x0], $0xffff  }
0xdd: {  	v42 =	vadd.f32 v42, v45;
	v55 =	vadd.s32 v33, v58;
	v58 =	vperm.xlane v35, v13;
	v38 =	vld.idx.msk [tilespmem:v38+s3+$0x0], $0xffff  }
0xde: {  	v3 =	vadd.s32 v32, v3;
	v4 =	vperm.xlane v35, v12;
	v45 =	vld.idx.msk [tilespmem:v59+s3+$0x0], $0xffff;
	v59 =	vperm.xlane v34, v8  }
0xdf: {  	v7 =	vadd.s32 v21, v7;
	v2 =	vadd.s32 v29, v2;
	v58 =	vadd.s32 v31, v58;
	v15 =	vld.idx.msk [tilespmem:v15+s3+$0x0], $0xffff  }
0xe0: {  	v6 =	vadd.s32 v20, v6;
	v50 =	vadd.f32 v54, v50;
	v52 =	vld.idx.msk [tilespmem:v52+s3+$0x0], $0xffff;
	v59 =	vadd.s32 v24, v59  }
0xe1: {  	v4 =	vadd.s32 v21, v4;
	v42 =	vadd.f32 v40, v42;
	v54 =	vperm.xlane v35, v8;
	v49 =	vld.idx.msk [tilespmem:v49+s3+$0x0], $0xffff  }
0xe2: {  	v0 =	vadd.s32 v25, v0;
	v40 =	vmovc v44;
	v16 =	vadd.f32 $0.0e+00, v16;
	v50 =	vadd.f32 v56, v50;
	v55 =	vld.idx.msk [tilespmem:v55+s3+$0x0], $0xffff  }
0xe3: {  	v46 =	vadd.f32 v46, v53;
	v44 =	vadd.s32 v24, v54;
	v42 =	vadd.f32 v38, v42;
	v3 =	vld.idx.msk [tilespmem:v3+s3+$0x0], $0xffff  }
0xe4: {  	v54 =	vperm.xlane v34, v14;
	v38 =	vmovc v43;
	v43 =	vperm.xlane v35, v11;
	v45 =	vadd.f32 $0.0e+00, v45;
	v56 =	vld.idx.msk [tilespmem:v58+s3+$0x0], $0xffff  }
0xe5: {  	v46 =	vadd.f32 v48, v46;
	v8 =	vimm.s32 $0x8;
	v42 =	vadd.f32 v47, v42;
	v1 =	vld.idx.msk [tilespmem:v1+s3+$0x0], $0xffff  }
0xe6: {  	v43 =	vadd.s32 v22, v43;
	v16 =	vadd.f32 v52, v16;
	v52 =	vadd.s32 v27, v54;
	v4 =	vld.idx.msk [tilespmem:v4+s3+$0x0], $0xffff  }
0xe7: {  	v54 =	vadd.s32 v27, v61;
	v61 =	vperm.xlane v35, v8;
	v53 =	vld.idx.msk [tilespmem:v60+s3+$0x0], $0xffff;
	v60 =	vadd.f32 v57, v50  }
0xe8: {  	v51 =	vadd.f32 v51, v42;
	v46 =	vadd.f32 v49, v46;
	v50 =	vperm.xlane v35, v9;
	v2 =	vld.idx.msk [tilespmem:v2+s3+$0x0], $0xffff  }
0xe9: {  	v48 =	vmovc v41;
	v41 =	vperm.xlane v34, v11;
	v57 =	vadd.s32 v18, v62;
	v49 =	vadd.f32 $0.0e+00, v55;
	v44 =	vld.idx.msk [tilespmem:v44+s3+$0x0], $0xffff  }
0xea: {  	v47 =	vmovc v37;
	v58 =	vadd.s32 v23, v61;
	v37 =	vadd.f32 v46, v51;
	v55 =	vadd.f32 $0.0e+00, v60;
	v6 =	vld.idx.msk [tilespmem:v6+s3+$0x0], $0xffff  }
0xeb: {  	v45 =	vadd.f32 v15, v45;
	v15 =	vadd.s32 v26, v50;
	v3 =	vadd.f32 v3, v49;
	v42 =	vld.idx.msk [tilespmem:v52+s3+$0x0], $0xffff  }
0xec: {  	v11 =	vimm.s32 $0xC;
	v37 =	vadd.f32 $0.0e+00, v37;
	v36 =	vadd.f32 v55, v36;
	v46 =	vld.idx.msk [tilespmem:v54+s3+$0x0], $0xffff  }
0xed: {  	v51 =	vmovc v39;
	v1 =	vadd.f32 v1, v16;
	v55 =	vadd.s32 v20, v5;
	v5 =	vadd.f32 $0.0e+00, v53;
	v43 =	vld.idx.msk [tilespmem:v43+s3+$0x0], $0xffff  }
0xee: {  	s30 =	sadd.s32 $0x60, s30;
	v16 =	vadd.s32 v22, v41;
	v3 =	vadd.f32 v56, v3;
	v54 =	vadd.s32 v19, v63;
	v39 =	vld [tilespmem:s29+$0xFFFFFF90];
	[tilespmem:s28+$0x0] =	vst v36  }
0xef: {  	v2 =	vadd.f32 v2, v5;
	v5 =	vadd.f32 v37, v28;
	v37 =	vimm.s32 $0xE;
	v36 =	vld [tilespmem:s30+$0xFFFFFFD0]  }
0xf0: {  	v34 =	vperm.xlane v34, v10;
	v3 =	vadd.f32 v44, v3;
	v50 =	vld.idx.msk [tilespmem:v15+s3+$0x0], $0xffff;
	v15 =	vperm.xlane v35, v37  }
0xf1: {  	v2 =	vadd.f32 v4, v2;
	v41 =	vld.idx.msk [tilespmem:v59+s3+$0x0], $0xffff;
	[tilespmem:s28+$0xFFFFFF90] =	vst v5;
	s28 =	smov.u32 s29  }
0xf2: {  	v3 =	vadd.f32 v6, v3;
	v4 =	vld.idx.msk [tilespmem:v58+s3+$0x0], $0xffff;
	v56 =	vadd.s32 v17, v15  }
0xf3: {  	v49 =	vadd.s32 v18, v34;
	v2 =	vadd.f32 v46, v2;
	v58 =	vld.idx.msk [tilespmem:v0+s3+$0x0], $0xffff;
	v28 =	vmov v39  }
.Ltmp1:
0xf4: {  	v59 =	vadd.f32 v43, v3;
	v0 =	vperm.xlane v36, v8;
	v52 =	vld.idx.msk [tilespmem:v7+s3+$0x0], $0xffff;
	v7 =	vimm.s32 $0xD;
	(pc) =	sbr.rel @p0 .LBB2_7-.Ltmp1, $4  }
0xf5: {  	v3 =	vperm.xlane v36, v9;
	v5 =	vperm.xlane v36, v11;
	v34 =	vmov v36;
	v35 =	vld [tilespmem:s30+$0x0]  }
0xf6: {  	v6 =	vperm.xlane v34, v37;
	v44 =	vadd.s32 v23, v0;
	v0 =	vperm.xlane v34, v7;
	v46 =	vld.idx.msk [tilespmem:v16+s3+$0x0], $0xffff  }
0xf7: {  	v43 =	vadd.s32 v26, v3;
	v37 =	vadd.s32 v19, v5;
	v53 =	vadd.f32 v41, v1;
	v57 =	vld.idx.msk [tilespmem:v57+s3+$0x0], $0xffff  }
0xf8: {  	v39 =	vadd.s32 v17, v6;
	v60 =	vadd.f32 v4, v2;
	v41 =	vadd.s32 v25, v0;
	v36 =	vld [tilespmem:s29+$0x0]  }
0xf9: {  	_ =	sdelay $0x3  }
0xfa: {  	v1 =	vld.idx.msk [tilespmem:v51+s3+$0x0], $0xffff  }
0xfb: {  	v0 =	vimm.s32 $0x1;
	v2 =	vld.idx.msk [tilespmem:v55+s3+$0x0], $0xffff  }
0xfc: {  	v3 =	vimm.s32 $0x0;
	v4 =	vld.idx.msk [tilespmem:v48+s3+$0x0], $0xffff;
	v0 =	vperm.xlane v34, v0  }
0xfd: {  	v5 =	vimm.s32 $0x2;
	v6 =	vld.idx.msk [tilespmem:v47+s3+$0x0], $0xffff;
	v3 =	vperm.xlane v34, v3  }
0xfe: {  	v63 =	vimm.s32 $0x3;
	v15 =	vld.idx.msk [tilespmem:v40+s3+$0x0], $0xffff;
	v5 =	vperm.xlane v34, v5;
	v0 =	vadd.s32 v33, v0  }
0xff: {  	v62 =	vimm.s32 $0x1;
	v16 =	vld.idx.msk [tilespmem:v54+s3+$0x0], $0xffff;
	v7 =	vperm.xlane v34, v63;
	v3 =	vadd.s32 v30, v3  }
0x100: {  	v55 =	vimm.s32 $0x0;
	v47 =	vld.idx.msk [tilespmem:v56+s3+$0x0], $0xffff;
	v62 =	vperm.xlane v35, v62;
	v5 =	vadd.s32 v29, v5  }
0x101: {  	v8 =	vimm.s32 $0x2;
	v38 =	vld.idx.msk [tilespmem:v38+s3+$0x0], $0xffff;
	v54 =	vperm.xlane v35, v63;
	v7 =	vadd.s32 v32, v7  }
0x102: {  	v61 =	vimm.s32 $0xD;
	v49 =	vld.idx.msk [tilespmem:v49+s3+$0x0], $0xffff;
	v56 =	vperm.xlane v35, v13;
	v33 =	vadd.s32 v33, v62  }
0x103: {  	v51 =	vperm.xlane v34, v13;
	v45 =	vadd.f32 v52, v45;
	v32 =	vadd.s32 v32, v54;
	v0 =	vld.idx.msk [tilespmem:v0+s3+$0x0], $0xffff  }
0x104: {  	v48 =	vperm.xlane v35, v12;
	v50 =	vadd.f32 v50, v60;
	v40 =	vadd.s32 v31, v56;
	v3 =	vld.idx.msk [tilespmem:v3+s3+$0x0], $0xffff  }
0x105: {  	v52 =	vperm.xlane v35, v9;
	v42 =	vadd.f32 v42, v45;
	v31 =	vadd.s32 v31, v51;
	v5 =	vld.idx.msk [tilespmem:v5+s3+$0x0], $0xffff  }
0x106: {  	v45 =	vperm.xlane v35, v61;
	v61 =	vperm.xlane v34, v12;
	v48 =	vadd.s32 v21, v48;
	v7 =	vld.idx.msk [tilespmem:v7+s3+$0x0], $0xffff  }
0x107: {  	v62 =	vperm.xlane v35, v55;
	v51 =	vperm.xlane v35, v8;
	v26 =	vadd.s32 v26, v52;
	v33 =	vld.idx.msk [tilespmem:v33+s3+$0x0], $0xffff  }
0x108: {  	v8 =	vimm.s32 $0x7;
	v56 =	vadd.f32 v58, v59;
	v21 =	vadd.s32 v21, v61;
	v32 =	vld.idx.msk [tilespmem:v32+s3+$0x0], $0xffff  }
0x109: {  	v54 =	vperm.xlane v35, v8;
	v30 =	vadd.s32 v30, v62;
	v62 =	vimm.s32 $0x9;
	v40 =	vld.idx.msk [tilespmem:v40+s3+$0x0], $0xffff  }
0x10a: {  	v29 =	vadd.s32 v29, v51;
	v56 =	vadd.f32 v57, v56;
	v57 =	vperm.xlane v34, v8;
	v31 =	vld.idx.msk [tilespmem:v31+s3+$0x0], $0xffff  }
0x10b: {  	v60 =	vimm.s32 $0xB;
	v55 =	vperm.xlane v35, v62;
	v51 =	vadd.s32 v24, v54;
	v48 =	vld.idx.msk [tilespmem:v48+s3+$0x0], $0xffff  }
0x10c: {  	v58 =	vperm.xlane v35, v14;
	v54 =	vperm.xlane v34, v14;
	v24 =	vadd.s32 v24, v57;
	v26 =	vld.idx.msk [tilespmem:v26+s3+$0x0], $0xffff  }
0x10d: {  	v2 =	vadd.f32 v2, v53;
	v15 =	vadd.f32 v15, v42;
	v55 =	vadd.s32 v20, v55;
	v21 =	vld.idx.msk [tilespmem:v21+s3+$0x0], $0xffff  }
0x10e: {  	v59 =	vperm.xlane v35, v60;
	v54 =	vadd.s32 v27, v54;
	v30 =	vld.idx.msk [tilespmem:v30+s3+$0x0], $0xffff  }
0x10f: {  	v15 =	vadd.f32 v38, v15;
	v2 =	vadd.f32 v46, v2;
	v27 =	vadd.s32 v27, v58;
	v29 =	vld.idx.msk [tilespmem:v29+s3+$0x0], $0xffff  }
0x110: {  	v25 =	vadd.s32 v25, v45;
	v58 =	vadd.s32 v22, v59;
	v59 =	vimm.s32 $0x8;
	v51 =	vld.idx.msk [tilespmem:v51+s3+$0x0], $0xffff  }
0x111: {  	v52 =	vperm.xlane v35, v59;
	v6 =	vadd.f32 v6, v15;
	v2 =	vadd.f32 v4, v2;
	v24 =	vld.idx.msk [tilespmem:v24+s3+$0x0], $0xffff  }
0x112: {  	v61 =	vperm.xlane v35, v10;
	v16 =	vadd.f32 v16, v50;
	v53 =	vld.idx.msk [tilespmem:v55+s3+$0x0], $0xffff  }
0x113: {  	v23 =	vadd.s32 v23, v52;
	v1 =	vadd.f32 v1, v6;
	v2 =	vadd.f32 v49, v2;
	v52 =	vld.idx.msk [tilespmem:v54+s3+$0x0], $0xffff  }
0x114: {  	v16 =	vadd.f32 v47, v16;
	v38 =	vperm.xlane v34, v10;
	v55 =	vperm.xlane v34, v60;
	v27 =	vld.idx.msk [tilespmem:v27+s3+$0x0], $0xffff  }
0x115: {  	v50 =	vld.idx.msk [tilespmem:v58+s3+$0x0], $0xffff;
	v54 =	vperm.xlane v34, v62;
	v3 =	vadd.f32 $0.0e+00, v3;
	v1 =	vadd.f32 v2, v1  }
0x116: {  	v2 =	vadd.s32 v18, v38;
	v22 =	vadd.s32 v22, v55;
	v55 =	vadd.s32 v18, v61;
	v61 =	vld.idx.msk [tilespmem:v25+s3+$0x0], $0xffff  }
0x117: {  	v58 =	vadd.s32 v20, v54;
	v20 =	vadd.f32 $0.0e+00, v33;
	v33 =	vadd.f32 $0.0e+00, v30;
	v18 =	vld.idx.msk [tilespmem:v41+s3+$0x0], $0xffff  }
0x118: {  	v0 =	vadd.f32 $0.0e+00, v0;
	v3 =	vadd.f32 v5, v3;
	v15 =	vld.idx.msk [tilespmem:v23+s3+$0x0], $0xffff;
	v23 =	vperm.xlane v35, v11  }
0x119: {  	v54 =	vimm.s32 $0xE;
	v20 =	vadd.f32 v32, v20;
	v6 =	vadd.f32 v29, v33;
	v29 =	vld.idx.msk [tilespmem:v39+s3+$0x0], $0xffff  }
0x11a: {  	v3 =	vadd.f32 v21, v3;
	v21 =	vld.idx.msk [tilespmem:v43+s3+$0x0], $0xffff;
	v19 =	vadd.s32 v19, v23;
	v23 =	vperm.xlane v35, v54  }
0x11b: {  	v0 =	vadd.f32 v7, v0;
	v39 =	vadd.f32 v40, v20;
	v20 =	vld.idx.msk [tilespmem:v44+s3+$0x0], $0xffff  }
0x11c: {  	v6 =	vadd.f32 v48, v6;
	v4 =	vld.idx.msk [tilespmem:v58+s3+$0x0], $0xffff;
	v17 =	vadd.s32 v17, v23  }
0x11d: {  	v16 =	vadd.f32 v56, v16;
	v0 =	vadd.f32 v31, v0;
	v22 =	vld.idx.msk [tilespmem:v22+s3+$0x0], $0xffff  }
0x11e: {  	v25 =	vld.idx.msk [tilespmem:v55+s3+$0x0], $0xffff;
	v5 =	vadd.f32 v51, v39;
	v6 =	vadd.f32 v27, v6  }
0x11f: {  	v0 =	vadd.f32 v24, v0;
	v3 =	vadd.f32 v52, v3;
	v19 =	vld.idx.msk [tilespmem:v19+s3+$0x0], $0xffff  }
0x120: {  	v5 =	vadd.f32 v53, v5;
	v6 =	vadd.f32 v15, v6;
	v15 =	vld.idx.msk [tilespmem:v37+s3+$0x0], $0xffff  }
0x121: {  	v3 =	vadd.f32 v20, v3;
	v17 =	vld.idx.msk [tilespmem:v17+s3+$0x0], $0xffff;
	v0 =	vadd.f32 v4, v0  }
0x122: {  	v2 =	vld.idx.msk [tilespmem:v2+s3+$0x0], $0xffff;
	v40 =	vadd.f32 v50, v5;
	v41 =	vadd.f32 v26, v6  }
0x123: {  	v3 =	vadd.f32 v21, v3;
	v0 =	vadd.f32 v22, v0  }
0x124: {  	v4 =	vadd.f32 v61, v40;
	v5 =	vadd.f32 v19, v41  }
0x125: {  	v3 =	vadd.f32 v15, v3;
	v0 =	vadd.f32 v18, v0  }
0x126: {  	s0 =	sadd.s32 $0xE0, s29;
	v4 =	vadd.f32 v25, v4;
	v5 =	vadd.f32 v17, v5  }
0x127: {  	v42 =	vld [tilespmem:s0+$0x0];
	v3 =	vadd.f32 v29, v3;
	v0 =	vadd.f32 v2, v0  }
0x128: {  	v1 =	vadd.f32 $0.0e+00, v1;
	v44 =	vld [tilespmem:s0+$0xFFFFFF90];
	v4 =	vadd.f32 v4, v5  }
0x129: {  	v43 =	vadd.f32 $0.0e+00, v16;
	v0 =	vadd.f32 v0, v3  }
0x12a: {  	v1 =	vadd.f32 v1, v28;
	v45 =	vadd.f32 $0.0e+00, v4  }
0x12b: {  	v2 =	vadd.f32 v43, v36;
	v0 =	vadd.f32 $0.0e+00, v0  }
0x12c: {  	[tilespmem:s28+$0xFFFFFF90] =	vst v1;
	v46 =	vadd.f32 v45, v42  }
0x12d: {  	[tilespmem:s28+$0x0] =	vst v2;
	v0 =	vadd.f32 v0, v44  }
0x12e: {  	[tilespmem:s0+$0x0] =	vst v46  }
0x12f: {  	[tilespmem:s0+$0xFFFFFF90] =	vst v0  }
0x130: {  	v18 =	vld [tilespmem:s26+$0x15900]  }
0x131: {  	v19 =	vld [tilespmem:s26+$0x15970]  }
0x132: {  	v17 =	vld [tilespmem:s26+$0x159E0]  }
0x133: {  	v32 =	vld [tilespmem:s26+$0x15A50]  }
0x134: {  	v29 =	vld [tilespmem:s26+$0x15AC0]  }
0x135: {  	v30 =	vld [tilespmem:s26+$0x15B30]  }
0x136: {  	v0 =	vld [tilespmem:s21+$0xFFFFFFD0]  }
0x137: {  	v31 =	vld [tilespmem:s26+$0x15BA0]  }
0x138: {  	v1 =	vld [tilespmem:s21+$0x0]  }
0x139: {  	v23 =	vld [tilespmem:s26+$0x15C10]  }
0x13a: {  	v28 =	vld [tilespmem:s26+$0x15C80]  }
0x13b: {  	v57 =	vimm.s32 $0xD;
	v20 =	vld [tilespmem:s26+$0x15CF0];
	v47 =	vperm.xlane v0, v63  }
0x13c: {  	v10 =	vimm.s32 $0x0;
	v53 =	vimm.s32 $0x1;
	v27 =	vld [tilespmem:s26+$0x15D60];
	v48 =	vperm.xlane v0, v12  }
0x13d: {  	v24 =	vld [tilespmem:s26+$0x15DD0];
	v49 =	vperm.xlane v1, v63;
	v50 =	vperm.xlane v0, v14;
	v2 =	vadd.s32 v32, v47  }
0x13e: {  	v25 =	vld [tilespmem:s26+$0x15E40];
	v51 =	vperm.xlane v0, v59;
	v52 =	vperm.xlane v1, v13;
	v3 =	vadd.s32 v29, v48  }
0x13f: {  	v22 =	vld [tilespmem:s26+$0x15EB0];
	v15 =	vperm.xlane v0, v53;
	v55 =	vperm.xlane v0, v11;
	v4 =	vadd.s32 v32, v49  }
0x140: {  	s30 =	sadd.s32 $0x60, s21;
	v21 =	vld [tilespmem:s26+$0x15F20];
	v56 =	vperm.xlane v0, v60;
	v58 =	vperm.xlane v1, v14;
	v5 =	vadd.s32 v31, v50  }
0x141: {  	v26 =	vld [tilespmem:s30+$0xFFFFFFD0];
	v61 =	vperm.xlane v0, v57;
	v53 =	vperm.xlane v0, v9;
	v6 =	vadd.s32 v28, v51  }
0x142: {  	v57 =	vperm.xlane v1, v62;
	v14 =	vimm.s32 $0x6;
	v7 =	vadd.s32 v30, v52;
	v2 =	vld.idx.msk [tilespmem:v2+s3+$0x0], $0xffff  }
0x143: {  	v16 =	vadd.s32 v25, v55;
	v47 =	vperm.xlane v0, v13;
	v49 =	vadd.s32 v24, v56;
	v3 =	vld.idx.msk [tilespmem:v3+s3+$0x0], $0xffff  }
0x144: {  	v51 =	vperm.xlane v1, v12;
	v34 =	vadd.s32 v31, v58;
	v52 =	vperm.xlane v0, v54;
	v4 =	vld.idx.msk [tilespmem:v4+s3+$0x0], $0xffff  }
0x145: {  	v55 =	vperm.xlane v1, v59;
	v41 =	vadd.s32 v22, v61;
	v38 =	vadd.s32 v27, v53;
	v5 =	vld.idx.msk [tilespmem:v5+s3+$0x0], $0xffff  }
0x146: {  	v56 =	vperm.xlane v1, v9;
	v39 =	vadd.s32 v19, v15;
	v37 =	vadd.s32 v20, v57;
	v6 =	vld.idx.msk [tilespmem:v6+s3+$0x0], $0xffff  }
0x147: {  	v15 =	vperm.xlane v1, v8;
	v9 =	vimm.s32 $0x2;
	v36 =	vadd.s32 v30, v47;
	v7 =	vld.idx.msk [tilespmem:v7+s3+$0x0], $0xffff  }
0x148: {  	v61 =	vperm.xlane v1, v11;
	v53 =	vperm.xlane v1, v60;
	v33 =	vadd.s32 v29, v51;
	v16 =	vld.idx.msk [tilespmem:v16+s3+$0x0], $0xffff  }
0x149: {  	v13 =	vimm.s32 $0x0;
	v12 =	vimm.s32 $0x1;
	v40 =	vadd.s32 v28, v55;
	v34 =	vld.idx.msk [tilespmem:v34+s3+$0x0], $0xffff  }
0x14a: {  	v58 =	vperm.xlane v0, v9;
	v47 =	vperm.xlane v0, v10;
	v35 =	vadd.s32 v27, v56;
	v38 =	vld.idx.msk [tilespmem:v38+s3+$0x0], $0xffff  }
0x14b: {  	v42 =	vadd.s32 v21, v52;
	v15 =	vadd.s32 v23, v15;
	v52 =	vperm.xlane v0, v8;
	v37 =	vld.idx.msk [tilespmem:v37+s3+$0x0], $0xffff  }
0x14c: {  	v55 =	vperm.xlane v1, v10;
	v44 =	vadd.s32 v25, v61;
	v50 =	vadd.s32 v24, v53;
	v36 =	vld.idx.msk [tilespmem:v36+s3+$0x0], $0xffff  }
0x14d: {  	v56 =	vperm.xlane v1, v12;
	v0 =	vperm.xlane v0, v62;
	v10 =	vimm.s32 $0xD;
	v33 =	vld.idx.msk [tilespmem:v33+s3+$0x0], $0xffff  }
0x14e: {  	v46 =	vadd.s32 v17, v58;
	v57 =	vperm.xlane v1, v10;
	v45 =	vadd.s32 v23, v52;
	v40 =	vld.idx.msk [tilespmem:v40+s3+$0x0], $0xffff  }
0x14f: {  	v58 =	vperm.xlane v1, v54;
	v52 =	vadd.s32 v19, v56;
	v35 =	vld.idx.msk [tilespmem:v35+s3+$0x0], $0xffff;
	v3 =	vadd.f32 $0.0e+00, v3  }
0x150: {  	v1 =	vperm.xlane v1, v9;
	v43 =	vadd.s32 v18, v55;
	v0 =	vadd.s32 v20, v0;
	v15 =	vld.idx.msk [tilespmem:v15+s3+$0x0], $0xffff  }
0x151: {  	v56 =	vperm.xlane v26, v12;
	v48 =	vld.idx.msk [tilespmem:v44+s3+$0x0], $0xffff;
	v4 =	vadd.f32 $0.0e+00, v4;
	v3 =	vadd.f32 v5, v3  }
0x152: {  	v61 =	vadd.s32 v22, v57;
	v57 =	vperm.xlane v26, v60;
	v62 =	vld.idx.msk [tilespmem:v50+s3+$0x0], $0xffff;
	v2 =	vadd.f32 $0.0e+00, v2  }
0x153: {  	v1 =	vadd.s32 v17, v1;
	v60 =	vld.idx.msk [tilespmem:v45+s3+$0x0], $0xffff;
	v4 =	vadd.f32 v7, v4;
	v3 =	vadd.f32 v6, v3  }
0x154: {  	v9 =	vld.idx.msk [tilespmem:v52+s3+$0x0], $0xffff;
	v5 =	vadd.s32 v21, v58;
	v2 =	vadd.f32 v36, v2;
	v33 =	vadd.f32 $0.0e+00, v33  }
0x155: {  	v58 =	vld.idx.msk [tilespmem:v43+s3+$0x0], $0xffff;
	v43 =	vadd.s32 v24, v57;
	v57 =	vperm.xlane v26, v59;
	v3 =	vadd.f32 v38, v3  }
0x156: {  	v0 =	vld.idx.msk [tilespmem:v0+s3+$0x0], $0xffff;
	v59 =	vperm.xlane v26, v11;
	v4 =	vadd.f32 v15, v4;
	v15 =	vperm.xlane v26, v10  }
0x157: {  	v8 =	vimm.s32 $0x2;
	v10 =	vperm.xlane v26, v54;
	v45 =	vadd.f32 v16, v3;
	v16 =	vld.idx.msk [tilespmem:v61+s3+$0x0], $0xffff;
	[tilespmem:$0x1FFC0] =	vst v19  }
0x158: {  	v33 =	vadd.f32 v34, v33;
	v34 =	vperm.xlane v26, v13;
	v2 =	vadd.f32 v60, v2;
	v36 =	vld [tilespmem:s30+$0x0]  }
0x159: {  	v53 =	vadd.f32 $0.0e+00, v9;
	v60 =	vperm.xlane v26, v63;
	v4 =	vadd.f32 v37, v4;
	v51 =	vld.idx.msk [tilespmem:v5+s3+$0x0], $0xffff  }
0x15a: {  	v38 =	vadd.s32 v22, v15;
	v37 =	vadd.s32 v19, v56;
	v61 =	vadd.f32 v40, v33;
	v33 =	vld [tilespmem:s23+$0x70];
	[tilespmem:$0x1FFD0] =	vst v17  }
0x15b: {  	v54 =	vadd.f32 v0, v2;
	v4 =	vadd.f32 v62, v4;
	v62 =	vperm.xlane v26, v8;
	[tilespmem:$0x1FFE0] =	vst v18  }
0x15c: {  	v50 =	vadd.f32 $0.0e+00, v58;
	v58 =	vadd.s32 v18, v47;
	v56 =	vadd.f32 v35, v61;
	v35 =	vld [tilespmem:s23+$0x0]  }
0x15d: {  	s31 =	simm.s32 $0x2;
	v40 =	vadd.s32 v21, v10;
	v44 =	vadd.s32 v17, v62;
	v52 =	vld.idx.msk [tilespmem:v1+s3+$0x0], $0xffff;
	v62 =	vimm.s32 $0x5  }
0x15e: {  	s29 =	smov.u32 s23;
	s28 =	smov.u32 s24;
	s26 =	smov.u32 s24;
	v49 =	vld.idx.msk [tilespmem:v49+s3+$0x0], $0xffff;
	v55 =	vadd.f32 v16, v4;
	v47 =	vperm.xlane v36, v13;
	v61 =	vperm.xlane v36, v63  }
.LBB2_9:
0x15f: {  	v8 =	vimm.s32 $0x4  }
0x160: {  	v19 =	vimm.s32 $0xC;
	v15 =	vperm.xlane v26, v14;
	v9 =	vimm.s32 $0xA  }
0x161: {  	v63 =	vperm.xlane v36, v62;
	v18 =	vimm.s32 $0x1;
	v11 =	vimm.s32 $0xD  }
0x162: {  	v2 =	vld.idx.msk [tilespmem:v46+s3+$0x0], $0xffff;
	v12 =	vimm.s32 $0x2;
	v17 =	vimm.s32 $0x1;
	v0 =	vperm.xlane v26, v8  }
0x163: {  	v7 =	vld.idx.msk [tilespmem:v41+s3+$0x0], $0xffff;
	v1 =	vperm.xlane v36, v19;
	v3 =	vadd.f32 v48, v56;
	v4 =	vadd.s32 v32, v60  }
0x164: {  	v16 =	vld.idx.msk [tilespmem:v58+s3+$0x0], $0xffff;
	v5 =	vadd.s32 v25, v59;
	v6 =	vadd.s32 v32, v61;
	v61 =	vperm.xlane v36, v8  }
0x165: {  	v39 =	vld.idx.msk [tilespmem:v39+s3+$0x0], $0xffff;
	v48 =	vperm.xlane v36, v9;
	v8 =	vimm.s32 $0x7;
	v56 =	vadd.s32 v28, v57  }
0x166: {  	v13 =	vld [tilespmem:$0x1FFE0];
	v9 =	vperm.xlane v26, v9;
	v15 =	vadd.s32 v31, v15;
	v0 =	vadd.s32 v29, v0  }
0x167: {  	v10 =	vld [tilespmem:$0x1FFC0];
	v41 =	vadd.f32 v51, v53;
	v3 =	vadd.f32 v55, v3;
	v53 =	vperm.xlane v36, v8  }
0x168: {  	s30 =	sadd.s32 $0x60, s30;
	v51 =	vld.idx.msk [tilespmem:v42+s3+$0x0], $0xffff;
	v57 =	vadd.s32 v29, v61;
	v42 =	vadd.s32 v30, v63;
	v61 =	vperm.xlane v36, v14  }
0x169: {  	v55 =	vld [tilespmem:s30+$0xFFFFFFD0];
	v63 =	vperm.xlane v26, v62;
	v59 =	vadd.s32 v27, v9;
	v1 =	vadd.s32 v25, v1  }
0x16a: {  	v60 =	vadd.f32 v49, v54;
	v49 =	vmovc v43;
	v54 =	vperm.xlane v26, v8;
	v8 =	vimm.s32 $0x9;
	v4 =	vld.idx.msk [tilespmem:v4+s3+$0x0], $0xffff  }
0x16b: {  	v50 =	vadd.f32 v52, v50;
	v43 =	vadd.s32 v31, v61;
	v46 =	vperm.xlane v36, v8;
	v6 =	vld.idx.msk [tilespmem:v6+s3+$0x0], $0xffff  }
0x16c: {  	v52 =	vadd.s32 v30, v63;
	v3 =	vadd.f32 v3, v3;
	v9 =	vadd.f32 $0.0e+00, v39;
	v5 =	vld.idx.msk [tilespmem:v5+s3+$0x0], $0xffff  }
0x16d: {  	v61 =	vimm.s32 $0x8;
	v16 =	vadd.f32 $0.0e+00, v16;
	v39 =	vmovc v37;
	v7 =	vadd.f32 v7, v60;
	v15 =	vld.idx.msk [tilespmem:v15+s3+$0x0], $0xffff  }
0x16e: {  	v37 =	vadd.s32 v27, v48;
	v53 =	vadd.s32 v23, v53;
	v47 =	vadd.s32 v13, v47;
	v0 =	vld.idx.msk [tilespmem:v0+s3+$0x0], $0xffff  }
0x16f: {  	v50 =	vadd.f32 v41, v50;
	v54 =	vadd.s32 v23, v54;
	v7 =	vadd.f32 v7, v45;
	v45 =	vld.idx.msk [tilespmem:v56+s3+$0x0], $0xffff  }
0x170: {  	v58 =	vadd.s32 v20, v46;
	v2 =	vadd.f32 v2, v16;
	v16 =	vperm.xlane v36, v12;
	v60 =	vld.idx.msk [tilespmem:v42+s3+$0x0], $0xffff  }
0x171: {  	v63 =	vimm.s32 $0xB;
	v56 =	vperm.xlane v36, v61;
	v46 =	vmovc v44;
	v44 =	vperm.xlane v26, v8;
	v26 =	vmovc v55;
	v55 =	vld.idx.msk [tilespmem:v59+s3+$0x0], $0xffff  }
0x172: {  	v42 =	vmovc v40;
	v48 =	vadd.f32 v51, v9;
	v9 =	vimm.s32 $0xB;
	v3 =	vadd.f32 v50, v3;
	v40 =	vld.idx.msk [tilespmem:v43+s3+$0x0], $0xffff  }
0x173: {  	v41 =	vmovc v38;
	v8 =	vimm.s32 $0xD;
	v38 =	vadd.s32 v28, v56;
	v43 =	vperm.xlane v36, v63;
	v51 =	vld.idx.msk [tilespmem:v52+s3+$0x0], $0xffff  }
0x174: {  	v56 =	vld.idx.msk [tilespmem:v57+s3+$0x0], $0xffff;
	v57 =	vperm.xlane v36, v11;
	v7 =	vadd.f32 v7, v7;
	v2 =	vadd.f32 v48, v2  }
0x175: {  	v52 =	vperm.xlane v36, v18;
	v59 =	vld.idx.msk [tilespmem:v37+s3+$0x0], $0xffff;
	v4 =	vadd.f32 $0.0e+00, v4;
	v6 =	vadd.f32 $0.0e+00, v6  }
0x176: {  	v48 =	vld.idx.msk [tilespmem:v1+s3+$0x0], $0xffff;
	v44 =	vadd.s32 v20, v44;
	v43 =	vadd.s32 v24, v43;
	v57 =	vadd.s32 v22, v57  }
0x177: {  	v50 =	vld.idx.msk [tilespmem:v54+s3+$0x0], $0xffff;
	v37 =	vadd.s32 v10, v52;
	v52 =	vperm.xlane v26, v18;
	v2 =	vadd.f32 v2, v7  }
0x178: {  	v18 =	vld [tilespmem:$0x1FFD0];
	v7 =	vperm.xlane v26, v11;
	v11 =	vimm.s32 $0xE;
	v0 =	vadd.f32 $0.0e+00, v0  }
0x179: {  	v47 =	vld.idx.msk [tilespmem:v47+s3+$0x0], $0xffff;
	v6 =	vadd.f32 v60, v6;
	v60 =	vimm.s32 $0xE;
	v2 =	vadd.f32 v2, v35  }
0x17a: {  	v1 =	vperm.xlane v26, v60;
	v0 =	vadd.f32 v15, v0;
	v15 =	vld.idx.msk [tilespmem:v38+s3+$0x0], $0xffff;
	v38 =	vperm.xlane v36, v60  }
0x17b: {  	v36 =	vld.idx.msk [tilespmem:v53+s3+$0x0], $0xffff;
	v4 =	vadd.f32 v51, v4;
	v56 =	vadd.f32 $0.0e+00, v56;
	v60 =	vtrunc.f32 v2  }
0x17c: {  	v51 =	vld.idx.msk [tilespmem:v58+s3+$0x0], $0xffff;
	v0 =	vadd.f32 v45, v0;
	v53 =	vadd.s32 v21, v38;
	v38 =	vperm.xlane v26, v63  }
0x17d: {  	v16 =	vadd.s32 v18, v16;
	v58 =	vld.idx.msk [tilespmem:v43+s3+$0x0], $0xffff;
	v63 =	vadd.f32 v3, v33;
	v4 =	vadd.f32 v50, v4  }
0x17e: {  	v3 =	vld.idx.msk [tilespmem:v44+s3+$0x0], $0xffff;
	v50 =	vadd.f32 $0.0e+00, v47;
	v0 =	vadd.f32 v55, v0;
	v43 =	vadd.s32 v24, v38  }
0x17f: {  	s29 =	sadd.s32 $0xE0, s29;
	v55 =	vimm.s32 $0x0;
	v38 =	vadd.s32 v22, v7;
	v7 =	vld.idx.msk [tilespmem:v37+s3+$0x0], $0xffff;
	v37 =	vadd.s32 v10, v52  }
0x180: {  	v33 =	vld [tilespmem:s29+$0x70];
	v2 =	vtrunc.f32 v63;
	v54 =	vperm.xlane v26, v55;
	v6 =	vadd.f32 v36, v6  }
0x181: {  	v36 =	vld [tilespmem:s30+$0x0];
	v2 =	vcvt.f32.s32 v2;
	v45 =	vadd.f32 v5, v0;
	v5 =	vadd.f32 v40, v56  }
0x182: {  	s31 =	sadd.s32 $0x2, s31;
	v40 =	vadd.s32 v21, v1;
	v1 =	vld.idx.msk [tilespmem:v57+s3+$0x0], $0xffff;
	v0 =	vcvt.f32.s32 v60;
	v6 =	vadd.f32 v51, v6  }
0x183: {  	p0 =	slt.u32 s31, $0x62;
	v63 =	vimm.s32 $0x2;
	v57 =	vperm.xlane v26, v61;
	v51 =	vld.idx.msk [tilespmem:v53+s3+$0x0], $0xffff;
	[tilespmem:s28+$0x0] =	vst v2;
	v5 =	vadd.f32 v15, v5  }
.Ltmp2:
0x184: {  	v15 =	vperm.xlane v26, v12;
	[tilespmem:s28+$0xFFFFFF90] =	vst v0;
	v0 =	vimm.s32 $0x3;
	v6 =	vadd.f32 v58, v6;
	(pc) =	sbr.rel @p0 .LBB2_9-.Ltmp2, $4  }
0x185: {  	v52 =	vld.idx.msk [tilespmem:v16+s3+$0x0], $0xffff;
	v53 =	vadd.f32 $0.0e+00, v7;
	v7 =	vimm.s32 $0x8;
	v58 =	vadd.s32 v13, v34  }
0x186: {  	v34 =	vmovc v54;
	v60 =	vperm.xlane v26, v0;
	v54 =	vadd.f32 v3, v4;
	v56 =	vadd.f32 v59, v5  }
0x187: {  	s26 =	sadd.s32 $0xE0, s26;
	v35 =	vld [tilespmem:s29+$0x0];
	v44 =	vadd.s32 v18, v15;
	v18 =	vimm.s32 $0xC;
	v59 =	vperm.xlane v26, v19  }
0x188: {  	s28 =	smov.u32 s26;
	v49 =	vld.idx.msk [tilespmem:v49+s3+$0x0], $0xffff;
	v47 =	vperm.xlane v36, v55;
	v61 =	vperm.xlane v36, v0;
	v55 =	vadd.f32 v1, v6  }
0x189: {  	_ =	sdelay $0x3  }
0x18a: {  	v1 =	vld.idx.msk [tilespmem:v46+s3+$0x0], $0xffff  }
0x18b: {  	v3 =	vld.idx.msk [tilespmem:v41+s3+$0x0], $0xffff  }
0x18c: {  	v6 =	vld.idx.msk [tilespmem:v58+s3+$0x0], $0xffff  }
0x18d: {  	v2 =	vadd.s32 v32, v60;
	v12 =	vld.idx.msk [tilespmem:v42+s3+$0x0], $0xffff  }
0x18e: {  	v13 =	vimm.s32 $0x4;
	v16 =	vld.idx.msk [tilespmem:v39+s3+$0x0], $0xffff;
	v57 =	vadd.s32 v28, v57  }
0x18f: {  	v4 =	vperm.xlane v26, v14;
	v41 =	vadd.s32 v25, v59;
	v51 =	vadd.f32 v51, v53;
	v53 =	vld [tilespmem:$0x1FFC0]  }
0x190: {  	v0 =	vperm.xlane v26, v13;
	v5 =	vadd.s32 v32, v61;
	v61 =	vperm.xlane v36, v13;
	v13 =	vld [tilespmem:$0x1FFE0]  }
0x191: {  	v15 =	vperm.xlane v36, v62;
	v50 =	vadd.f32 v52, v50;
	v52 =	vperm.xlane v36, v8;
	v8 =	vld [tilespmem:$0x1FFD0]  }
0x192: {  	v58 =	vperm.xlane v36, v14;
	v4 =	vadd.s32 v31, v4;
	v2 =	vld.idx.msk [tilespmem:v2+s3+$0x0], $0xffff  }
0x193: {  	v60 =	vperm.xlane v26, v62;
	v48 =	vadd.f32 v48, v56;
	v15 =	vadd.s32 v30, v15;
	v32 =	vld.idx.msk [tilespmem:v57+s3+$0x0], $0xffff  }
0x194: {  	v56 =	vperm.xlane v36, v9;
	v31 =	vadd.s32 v31, v58;
	v49 =	vadd.f32 v49, v54;
	v41 =	vld.idx.msk [tilespmem:v41+s3+$0x0], $0xffff  }
0x195: {  	v30 =	vadd.s32 v30, v60;
	v5 =	vld.idx.msk [tilespmem:v5+s3+$0x0], $0xffff  }
0x196: {  	v10 =	vimm.s32 $0xA;
	v24 =	vadd.s32 v24, v56;
	v3 =	vadd.f32 v3, v49;
	v49 =	vld.idx.msk [tilespmem:v38+s3+$0x0], $0xffff  }
0x197: {  	v19 =	vperm.xlane v26, v10;
	v58 =	vperm.xlane v36, v10;
	v10 =	vimm.s32 $0x7;
	v4 =	vld.idx.msk [tilespmem:v4+s3+$0x0], $0xffff  }
0x198: {  	v0 =	vadd.s32 v29, v0;
	v29 =	vadd.s32 v29, v61;
	v59 =	vperm.xlane v36, v10;
	v15 =	vld.idx.msk [tilespmem:v15+s3+$0x0], $0xffff  }
0x199: {  	v39 =	vadd.s32 v27, v19;
	v19 =	vperm.xlane v36, v18;
	v60 =	vadd.s32 v27, v58;
	v31 =	vld.idx.msk [tilespmem:v31+s3+$0x0], $0xffff  }
0x19a: {  	v57 =	vperm.xlane v36, v7;
	v42 =	vadd.s32 v23, v59;
	v59 =	vperm.xlane v36, v17;
	v30 =	vld.idx.msk [tilespmem:v30+s3+$0x0], $0xffff  }
0x19b: {  	v7 =	vimm.s32 $0x9;
	v47 =	vadd.s32 v13, v47;
	v24 =	vld.idx.msk [tilespmem:v24+s3+$0x0], $0xffff  }
0x19c: {  	v28 =	vadd.s32 v28, v57;
	v57 =	vadd.s32 v25, v19;
	v19 =	vadd.s32 v53, v59;
	v53 =	vld.idx.msk [tilespmem:v40+s3+$0x0], $0xffff  }
0x19d: {  	v48 =	vadd.f32 v55, v48;
	v61 =	vperm.xlane v36, v7;
	v0 =	vld.idx.msk [tilespmem:v0+s3+$0x0], $0xffff  }
0x19e: {  	v50 =	vadd.f32 v51, v50;
	v29 =	vld.idx.msk [tilespmem:v29+s3+$0x0], $0xffff  }
0x19f: {  	v58 =	vperm.xlane v26, v10;
	v48 =	vadd.f32 v48, v48;
	v46 =	vadd.s32 v20, v61;
	v27 =	vld.idx.msk [tilespmem:v60+s3+$0x0], $0xffff  }
0x1a0: {  	v16 =	vadd.f32 $0.0e+00, v16;
	v6 =	vadd.f32 $0.0e+00, v6;
	v42 =	vld.idx.msk [tilespmem:v42+s3+$0x0], $0xffff  }
0x1a1: {  	v3 =	vadd.f32 v3, v45;
	v61 =	vperm.xlane v26, v7;
	v60 =	vadd.s32 v23, v58;
	v59 =	vld.idx.msk [tilespmem:v47+s3+$0x0], $0xffff  }
0x1a2: {  	v1 =	vadd.f32 v1, v6;
	v2 =	vadd.f32 $0.0e+00, v2;
	v25 =	vld.idx.msk [tilespmem:v57+s3+$0x0], $0xffff  }
0x1a3: {  	v56 =	vadd.s32 v20, v61;
	v3 =	vadd.f32 v3, v3;
	v5 =	vadd.f32 $0.0e+00, v5;
	v61 =	vld.idx.msk [tilespmem:v19+s3+$0x0], $0xffff  }
0x1a4: {  	v55 =	vperm.xlane v36, v11;
	v57 =	vadd.f32 v12, v16;
	v54 =	vld.idx.msk [tilespmem:v46+s3+$0x0], $0xffff;
	v0 =	vadd.f32 $0.0e+00, v0  }
0x1a5: {  	v22 =	vadd.s32 v22, v52;
	v5 =	vadd.f32 v15, v5;
	v46 =	vadd.f32 v50, v48;
	v50 =	vld.idx.msk [tilespmem:v37+s3+$0x0], $0xffff  }
0x1a6: {  	v36 =	vperm.xlane v36, v63;
	v2 =	vadd.f32 v30, v2;
	v60 =	vld.idx.msk [tilespmem:v60+s3+$0x0], $0xffff;
	v1 =	vadd.f32 v57, v1  }
0x1a7: {  	v39 =	vld.idx.msk [tilespmem:v39+s3+$0x0], $0xffff;
	v15 =	vadd.s32 v13, v34;
	v0 =	vadd.f32 v4, v0;
	v5 =	vadd.f32 v42, v5  }
0x1a8: {  	v48 =	vadd.s32 v8, v36;
	v26 =	vld.idx.msk [tilespmem:v56+s3+$0x0], $0xffff;
	v1 =	vadd.f32 v1, v3;
	v51 =	vadd.f32 $0.0e+00, v59  }
0x1a9: {  	v28 =	vld.idx.msk [tilespmem:v28+s3+$0x0], $0xffff;
	v0 =	vadd.f32 v32, v0;
	v32 =	vadd.f32 $0.0e+00, v29  }
0x1aa: {  	v58 =	vadd.s32 v21, v55;
	v47 =	vld.idx.msk [tilespmem:v43+s3+$0x0], $0xffff;
	v6 =	vadd.f32 $0.0e+00, v61;
	v5 =	vadd.f32 v54, v5  }
0x1ab: {  	v34 =	vld.idx.msk [tilespmem:v22+s3+$0x0], $0xffff;
	v54 =	vadd.f32 $0.0e+00, v50;
	v2 =	vadd.f32 v60, v2  }
0x1ac: {  	v15 =	vld.idx.msk [tilespmem:v15+s3+$0x0], $0xffff;
	v0 =	vadd.f32 v39, v0;
	v18 =	vadd.f32 v31, v32  }
0x1ad: {  	v17 =	vld.idx.msk [tilespmem:v48+s3+$0x0], $0xffff;
	v5 =	vadd.f32 v24, v5;
	v2 =	vadd.f32 v26, v2  }
0x1ae: {  	v52 =	vld.idx.msk [tilespmem:v44+s3+$0x0], $0xffff;
	v56 =	vadd.f32 v53, v54;
	v18 =	vadd.f32 v28, v18  }
0x1af: {  	v39 =	vld.idx.msk [tilespmem:v58+s3+$0x0], $0xffff;
	v0 =	vadd.f32 v41, v0;
	v2 =	vadd.f32 v47, v2  }
0x1b0: {  	v5 =	vadd.f32 v34, v5;
	v18 =	vadd.f32 v27, v18  }
0x1b1: {  	v55 =	vadd.f32 $0.0e+00, v15;
	v2 =	vadd.f32 v49, v2  }
0x1b2: {  	v59 =	vadd.f32 v17, v51;
	v18 =	vadd.f32 v25, v18  }
0x1b3: {  	s0 =	sadd.s32 $0xE0, s29;
	v57 =	vadd.f32 v52, v55;
	v0 =	vadd.f32 v2, v0  }
0x1b4: {  	v58 =	vld [tilespmem:s0+$0x0];
	v3 =	vadd.f32 v39, v6;
	v5 =	vadd.f32 v5, v18  }
0x1b5: {  	v15 =	vld [tilespmem:s0+$0x70];
	v2 =	vadd.f32 v56, v57;
	v0 =	vadd.f32 v0, v0  }
0x1b6: {  	v3 =	vadd.f32 v3, v59;
	v60 =	vadd.f32 v5, v5  }
0x1b7: {  	v1 =	vadd.f32 v1, v35;
	v0 =	vadd.f32 v2, v0  }
0x1b8: {  	v61 =	vadd.f32 v46, v33;
	v3 =	vadd.f32 v3, v60  }
0x1b9: {  	s25 =	sadd.s32 $0x1, s25;
	v1 =	vtrunc.f32 v1;
	v0 =	vadd.f32 v0, v58  }
0x1ba: {  	p0 =	sne.s32 s25, $0x7;
	v1 =	vcvt.f32.s32 v1;
	v2 =	vtrunc.f32 v61;
	v3 =	vadd.f32 v3, v15  }
.Ltmp3:
0x1bb: {  	v2 =	vcvt.f32.s32 v2;
	v0 =	vtrunc.f32 v0;
	(pc) =	sbr.rel @p0 .LBB2_4-.Ltmp3, $4  }
0x1bc: {  	[tilespmem:s28+$0xFFFFFF90] =	vst v1;
	v63 =	vtrunc.f32 v3;
	v0 =	vcvt.f32.s32 v0  }
0x1bd: {  	s31 =	sadd.s32 $0xE0, s26;
	[tilespmem:s28+$0x0] =	vst v2;
	v1 =	vcvt.f32.s32 v63  }
0x1be: {  	v11 =	vimm.s32 $0xB;
	v12 =	vimm.s32 $0x1;
	v56 =	vimm.s32 $0x9;
	[tilespmem:s31+$0xFFFFFF90] =	vst v0  }
0x1bf: {  	s22 =	sadd.s32 $0x10, s22;
	s23 =	sadd.s32 $0x10, s23;
	s24 =	sadd.s32 $0x10, s24;
	v60 =	vimm.s32 $0xC;
	v58 =	vimm.s32 $0xA;
	v63 =	vimm.s32 $0x0;
	[tilespmem:s31+$0x0] =	vst v1  }
0x1c0: {  	s0 =	simm.s32 $0x0  }
0x1c1: {  	s1 =	smul.u32 $0xCD, s0;
	_ =	sdelay $0x1  }
0x1c2: {  	s1 =	sshrl.u32 s1, $0xB  }
0x1c3: {  	s1 =	sand.u32 $0x1F, s1  }
0x1c4: {  	s2 =	smul.u32 $0xA, s1;
	_ =	sdelay $0x1  }
0x1c5: {  	v17 =	vld [tilespmem:$0x16240];
	s1 =	smul.u32 $0x460, s1;
	s2 =	ssub.s32 $0x0, s2  }
0x1c6: {  	v18 =	vld [tilespmem:$0x16200];
	s2 =	smul.u32 $0xA, s2  }
0x1c7: {  	v19 =	vld [tilespmem:$0x161C0]  }
0x1c8: {  	v20 =	vld [tilespmem:$0x16180];
	s11 =	sor.u32 $0x1, s0;
	s0 =	sadd.s32 $0x3F0, s1;
	s12 =	sand.u32 $0xFE, s2  }
0x1c9: {  	v21 =	vld [tilespmem:$0x16140];
	s24 =	sand.u32 $0xFF, s11;
	s2 =	sadd.s32 $0x380, s1;
	s22 =	sadd.s32 s12, s0  }
0x1ca: {  	v22 =	vld [tilespmem:$0x16100];
	s15 =	smul.u32 $0xCD, s24;
	s23 =	sadd.s32 $0x310, s1;
	s25 =	sadd.s32 s12, s2;
	v0 =	vadd.s32 s22, v17  }
0x1cb: {  	v23 =	vld [tilespmem:$0x160C0];
	s24 =	sadd.s32 $0x2A0, s1;
	s26 =	sadd.s32 s12, s23;
	v1 =	vadd.s32 s25, v18  }
0x1cc: {  	v26 =	vld [tilespmem:$0x16000];
	s28 =	sadd.s32 s12, s24;
	s25 =	sadd.s32 $0x230, s1;
	v2 =	vadd.s32 s26, v19;
	s22 =	sshrl.u32 s15, $0xB  }
0x1cd: {  	v24 =	vld [tilespmem:$0x16080];
	s26 =	sadd.s32 $0x1C0, s1;
	v3 =	vadd.s32 s28, v20;
	s29 =	sadd.s32 s12, s25;
	s22 =	smul.u32 $0xA, s22  }
0x1ce: {  	v27 =	vld [tilespmem:$0x16040];
	s28 =	sadd.s32 $0x150, s1;
	s30 =	sadd.s32 s12, s26;
	v4 =	vadd.s32 s29, v21  }
0x1cf: {  	s31 =	sadd.s32 s12, s28;
	v5 =	vadd.s32 s30, v22;
	s11 =	ssub.s32 s11, s22;
	v25 =	vld.idx.msk [tilespmem:v0+s14+$0x0], $0xffff  }
0x1d0: {  	s29 =	sadd.s32 $0xE0, s1;
	v52 =	vadd.s32 s31, v23;
	s30 =	sadd.s32 s12, s1;
	s11 =	smul.u32 $0xA, s11;
	v1 =	vld.idx.msk [tilespmem:v1+s14+$0x0], $0xffff  }
0x1d1: {  	s31 =	sadd.s32 $0x70, s1;
	s4 =	sadd.s32 s12, s29;
	s22 =	simm.s32 $0x2;
	v7 =	vadd.s32 s30, v26;
	v2 =	vld.idx.msk [tilespmem:v2+s14+$0x0], $0xffff  }
0x1d2: {  	s12 =	sadd.s32 s12, s31;
	v6 =	vadd.s32 s4, v24;
	s30 =	smul.u32 $0xCD, s22;
	v3 =	vld.idx.msk [tilespmem:v3+s14+$0x0], $0xffff;
	s11 =	sand.u32 $0xFE, s11  }
0x1d3: {  	v15 =	vadd.s32 s12, v27;
	v4 =	vld.idx.msk [tilespmem:v4+s14+$0x0], $0xffff;
	s1 =	sadd.s32 s11, s1  }
0x1d4: {  	s4 =	sshrl.u32 s30, $0xB;
	v5 =	vld.idx.msk [tilespmem:v5+s14+$0x0], $0xffff;
	s15 =	sadd.s32 s11, s31;
	v16 =	vadd.s32 s1, v26  }
0x1d5: {  	v0 =	vld.idx.msk [tilespmem:v52+s14+$0x0], $0xffff;
	s12 =	sand.u32 $0x1F, s4;
	s4 =	sadd.s32 s11, s28;
	v28 =	vadd.s32 s15, v27  }
0x1d6: {  	s15 =	sadd.s32 s11, s29;
	v7 =	vld.idx.msk [tilespmem:v7+s14+$0x0], $0xffff;
	v30 =	vadd.s32 s4, v23  }
0x1d7: {  	s28 =	smul.u32 $0xA, s12;
	v6 =	vld.idx.msk [tilespmem:v6+s14+$0x0], $0xffff;
	v29 =	vadd.s32 s15, v24;
	s15 =	sadd.s32 s11, s26  }
0x1d8: {  	s25 =	sadd.s32 s11, s25;
	v15 =	vld.idx.msk [tilespmem:v15+s14+$0x0], $0xffff;
	v31 =	vadd.s32 s15, v22  }
0x1d9: {  	v32 =	vadd.s32 s25, v21;
	s26 =	smul.u32 $0x460, s12;
	s4 =	ssub.s32 $0x2, s28;
	s15 =	sadd.s32 s11, s24;
	v16 =	vld.idx.msk [tilespmem:v16+s14+$0x0], $0xffff  }
0x1da: {  	s25 =	sadd.s32 s11, s23;
	s24 =	smul.u32 $0xA, s4;
	v33 =	vadd.s32 s15, v20;
	v28 =	vld.idx.msk [tilespmem:v28+s14+$0x0], $0xffff  }
0x1db: {  	v34 =	vadd.s32 s25, v19;
	s4 =	sadd.s32 s11, s2;
	v36 =	vld.idx.msk [tilespmem:v30+s14+$0x0], $0xffff  }
0x1dc: {  	s0 =	sadd.s32 s11, s0;
	s23 =	sadd.s32 $0x3F0, s26;
	v35 =	vadd.s32 s4, v18;
	s30 =	sand.u32 $0xFE, s24;
	v29 =	vld.idx.msk [tilespmem:v29+s14+$0x0], $0xffff  }
0x1dd: {  	s1 =	sor.u32 $0x1, s22;
	s24 =	sadd.s32 $0x380, s26;
	s11 =	sadd.s32 s30, s23;
	v37 =	vld.idx.msk [tilespmem:v31+s14+$0x0], $0xffff;
	v31 =	vadd.s32 s0, v17  }
0x1de: {  	s12 =	sand.u32 $0xFF, s1;
	s25 =	sadd.s32 $0x310, s26;
	s15 =	sadd.s32 s30, s24;
	v7 =	vadd.s32 v7, v15;
	v15 =	vld.idx.msk [tilespmem:v32+s14+$0x0], $0xffff;
	v38 =	vadd.s32 s11, v17  }
0x1df: {  	s29 =	sadd.s32 $0x230, s26;
	v30 =	vimm.s32 $0x7FFFFFFF;
	s4 =	sadd.s32 s30, s25;
	s0 =	smul.u32 $0xCD, s12;
	v53 =	vadd.s32 s15, v18;
	v6 =	vadd.s32 v6, v7;
	v54 =	vld.idx.msk [tilespmem:v33+s14+$0x0], $0xffff  }
0x1e0: {  	s28 =	sadd.s32 $0x2A0, s26;
	v43 =	vadd.s32 s4, v19;
	s15 =	sadd.s32 s30, s29;
	v0 =	vadd.s32 v0, v6;
	v33 =	vld.idx.msk [tilespmem:v34+s14+$0x0], $0xffff;
	v55 =	vadd.s32 v16, v28  }
0x1e1: {  	s31 =	sadd.s32 $0x1C0, s26;
	s12 =	sadd.s32 s30, s28;
	v39 =	vadd.s32 s15, v21;
	s0 =	sshrl.u32 s0, $0xB;
	v0 =	vadd.s32 v5, v0;
	v34 =	vld.idx.msk [tilespmem:v35+s14+$0x0], $0xffff;
	v57 =	vadd.s32 v29, v55  }
0x1e2: {  	v28 =	vadd.s32 s12, v20;
	s4 =	smul.u32 $0xA, s0;
	s0 =	sadd.s32 $0x150, s26;
	s12 =	sadd.s32 s30, s31;
	v0 =	vadd.s32 v4, v0;
	v35 =	vld.idx.msk [tilespmem:v31+s14+$0x0], $0xffff;
	v59 =	vadd.s32 v36, v57  }
0x1e3: {  	s2 =	sadd.s32 $0xE0, s26;
	s15 =	sadd.s32 s30, s0;
	v40 =	vadd.s32 s12, v22;
	v0 =	vadd.s32 v3, v0;
	v31 =	vld.idx.msk [tilespmem:v38+s14+$0x0], $0xffff;
	v61 =	vadd.s32 v37, v59  }
0x1e4: {  	s1 =	ssub.s32 s1, s4;
	s4 =	sadd.s32 s30, s2;
	v41 =	vadd.s32 s15, v23;
	v32 =	vld.idx.msk [tilespmem:v53+s14+$0x0], $0xffff;
	v0 =	vadd.s32 v2, v0;
	v62 =	vadd.s32 v15, v61  }
0x1e5: {  	s12 =	sadd.s32 s30, s26;
	v29 =	vld.idx.msk [tilespmem:v43+s14+$0x0], $0xffff;
	s11 =	smul.u32 $0xA, s1;
	s1 =	sadd.s32 $0x70, s26;
	v42 =	vadd.s32 s4, v24;
	v37 =	vadd.s32 v1, v0;
	v38 =	vadd.s32 v54, v62  }
.LBB2_12:
0x1e6: {  	s22 =	sadd.s32 $0x2, s22  }
0x1e7: {  	v0 =	vadd.s32 s12, v26;
	s4 =	sadd.s32 s30, s1;
	v1 =	vld.idx.msk [tilespmem:v28+s14+$0x0], $0xffff;
	s11 =	sand.u32 $0xFE, s11;
	v2 =	vadd.s32 v25, v37;
	v3 =	vadd.s32 v33, v38;
	s12 =	smul.u32 $0xCD, s22  }
0x1e8: {  	p0 =	slt.u32 s22, $0x62;
	v4 =	vadd.s32 s4, v27;
	v5 =	vld.idx.msk [tilespmem:v39+s14+$0x0], $0xffff;
	s4 =	sadd.s32 s11, s26;
	vm0 =	vlt.s32 v30, v2;
	v3 =	vadd.s32 v34, v3  }
0x1e9: {  	s1 =	sadd.s32 s11, s1;
	v6 =	vld.idx.msk [tilespmem:v40+s14+$0x0], $0xffff;
	v7 =	vadd.s32 s4, v26;
	v8 =	vsel vm0, v30, v2;
	v3 =	vadd.s32 v35, v3;
	s4 =	sshrl.u32 s12, $0xB  }
0x1ea: {  	s0 =	sadd.s32 s11, s0;
	v16 =	vadd.s32 s1, v27;
	s1 =	sadd.s32 s11, s2;
	v25 =	vmov v31;
	v15 =	vld.idx.msk [tilespmem:v41+s14+$0x0], $0xffff;
	vm0 =	vlt.s32 v8, v3;
	s2 =	sand.u32 $0x1F, s4  }
0x1eb: {  	v31 =	vadd.s32 s1, v24;
	v2 =	vmovc v32;
	v28 =	vld.idx.msk [tilespmem:v42+s14+$0x0], $0xffff;
	v30 =	vsel vm0, v8, v3;
	v3 =	vadd.s32 s0, v23;
	s0 =	sadd.s32 s11, s31;
	s1 =	smul.u32 $0xA, s2  }
0x1ec: {  	v0 =	vld.idx.msk [tilespmem:v0+s14+$0x0], $0xffff;
	v32 =	vadd.s32 s0, v22;
	s0 =	sadd.s32 s11, s29  }
0x1ed: {  	s26 =	smul.u32 $0x460, s2;
	v4 =	vld.idx.msk [tilespmem:v4+s14+$0x0], $0xffff;
	v33 =	vadd.s32 s0, v21;
	s0 =	sadd.s32 s11, s28;
	s1 =	ssub.s32 s22, s1  }
0x1ee: {  	v7 =	vld.idx.msk [tilespmem:v7+s14+$0x0], $0xffff;
	v34 =	vadd.s32 s0, v20;
	s0 =	sadd.s32 s11, s25;
	s1 =	smul.u32 $0xA, s1  }
0x1ef: {  	s4 =	sor.u32 $0x1, s22;
	v16 =	vld.idx.msk [tilespmem:v16+s14+$0x0], $0xffff;
	v35 =	vadd.s32 s0, v19;
	s0 =	sadd.s32 s11, s24  }
0x1f0: {  	v31 =	vld.idx.msk [tilespmem:v31+s14+$0x0], $0xffff;
	v36 =	vadd.s32 s0, v18;
	s0 =	sadd.s32 s11, s23;
	s23 =	sadd.s32 $0x3F0, s26;
	s30 =	sand.u32 $0xFE, s1  }
0x1f1: {  	s2 =	sand.u32 $0xFF, s4;
	v3 =	vld.idx.msk [tilespmem:v3+s14+$0x0], $0xffff;
	s1 =	sadd.s32 s30, s23  }
0x1f2: {  	s24 =	sadd.s32 $0x380, s26;
	v37 =	vadd.s32 s0, v17;
	v32 =	vld.idx.msk [tilespmem:v32+s14+$0x0], $0xffff;
	v38 =	vadd.s32 s1, v17;
	s1 =	smul.u32 $0xCD, s2  }
0x1f3: {  	s25 =	sadd.s32 $0x310, s26;
	s0 =	sadd.s32 s30, s24;
	v0 =	vadd.s32 v0, v4;
	v4 =	vld.idx.msk [tilespmem:v33+s14+$0x0], $0xffff  }
0x1f4: {  	s28 =	sadd.s32 $0x2A0, s26;
	s2 =	sadd.s32 s30, s25;
	v42 =	vadd.s32 s0, v18;
	v0 =	vadd.s32 v28, v0;
	v43 =	vld.idx.msk [tilespmem:v34+s14+$0x0], $0xffff;
	s1 =	sshrl.u32 s1, $0xB  }
0x1f5: {  	s29 =	sadd.s32 $0x230, s26;
	s0 =	sadd.s32 s30, s28;
	v44 =	vadd.s32 s2, v19;
	v0 =	vadd.s32 v15, v0;
	v7 =	vadd.s32 v7, v16;
	v33 =	vld.idx.msk [tilespmem:v35+s14+$0x0], $0xffff;
	s1 =	smul.u32 $0xA, s1  }
.Ltmp4:
0x1f6: {  	s31 =	sadd.s32 $0x1C0, s26;
	s2 =	sadd.s32 s30, s29;
	v28 =	vadd.s32 s0, v20;
	v0 =	vadd.s32 v6, v0;
	v6 =	vadd.s32 v31, v7;
	v34 =	vld.idx.msk [tilespmem:v36+s14+$0x0], $0xffff;
	(pc) =	sbr.rel @p0 .LBB2_12-.Ltmp4, $4  }
0x1f7: {  	s11 =	sadd.s32 s30, s31;
	s0 =	sadd.s32 $0x150, s26;
	v39 =	vadd.s32 s2, v21;
	v0 =	vadd.s32 v5, v0;
	v3 =	vadd.s32 v3, v6;
	v35 =	vld.idx.msk [tilespmem:v37+s14+$0x0], $0xffff  }
0x1f8: {  	v40 =	vadd.s32 s11, v22;
	s2 =	sadd.s32 $0xE0, s26;
	s12 =	sadd.s32 s30, s0;
	v0 =	vadd.s32 v1, v0;
	v1 =	vadd.s32 v32, v3;
	v31 =	vld.idx.msk [tilespmem:v38+s14+$0x0], $0xffff;
	s1 =	ssub.s32 s4, s1  }
0x1f9: {  	v41 =	vadd.s32 s12, v23;
	s4 =	sadd.s32 s30, s2;
	v0 =	vadd.s32 v29, v0;
	v1 =	vadd.s32 v4, v1;
	v32 =	vld.idx.msk [tilespmem:v42+s14+$0x0], $0xffff;
	s11 =	smul.u32 $0xA, s1  }
0x1fa: {  	s12 =	sadd.s32 s30, s26;
	s1 =	sadd.s32 $0x70, s26;
	v42 =	vadd.s32 s4, v24;
	v37 =	vadd.s32 v2, v0;
	v38 =	vadd.s32 v43, v1;
	v29 =	vld.idx.msk [tilespmem:v44+s14+$0x0], $0xffff  }
0x1fb: {  	_ =	sdelay $0x3  }
0x1fc: {  	v36 =	vld.idx.msk [tilespmem:v28+s14+$0x0], $0xffff  }
0x1fd: {  	v2 =	vld.idx.msk [tilespmem:v39+s14+$0x0], $0xffff  }
0x1fe: {  	v3 =	vld.idx.msk [tilespmem:v40+s14+$0x0], $0xffff  }
0x1ff: {  	v5 =	vld.idx.msk [tilespmem:v41+s14+$0x0], $0xffff  }
0x200: {  	s11 =	sand.u32 $0xFE, s11;
	v7 =	vld.idx.msk [tilespmem:v42+s14+$0x0], $0xffff  }
0x201: {  	v0 =	vadd.s32 s12, v26;
	s4 =	sadd.s32 s30, s1;
	v28 =	vld [tilespmem:$0x16050];
	s0 =	sadd.s32 s11, s0  }
0x202: {  	v1 =	vadd.s32 s4, v27;
	s15 =	sadd.s32 s11, s26;
	s26 =	sadd.s32 s11, s2;
	s2 =	sadd.s32 s11, s31;
	v16 =	vadd.s32 s0, v23;
	v23 =	vld [tilespmem:$0x16110]  }
0x203: {  	s4 =	sadd.s32 s11, s29;
	v15 =	vadd.s32 s26, v24;
	v22 =	vadd.s32 s2, v22;
	v24 =	vld [tilespmem:$0x160D0]  }
0x204: {  	s22 =	sadd.s32 s11, s1;
	s12 =	sadd.s32 s11, s28;
	v4 =	vadd.s32 s15, v26;
	v21 =	vadd.s32 s4, v21;
	v26 =	vld [tilespmem:$0x16090]  }
0x205: {  	v6 =	vadd.s32 s22, v27;
	v20 =	vadd.s32 s12, v20;
	s22 =	sadd.s32 s11, s24;
	v27 =	vld [tilespmem:$0x16010]  }
0x206: {  	s15 =	sadd.s32 s11, s25;
	s24 =	sadd.s32 s11, s23;
	s25 =	simm.s32 $0x0;
	v18 =	vadd.s32 s22, v18;
	v0 =	vld.idx.msk [tilespmem:v0+s14+$0x0], $0xffff  }
0x207: {  	v17 =	vadd.s32 s24, v17;
	s4 =	smul.u32 $0xCD, s25;
	v1 =	vld.idx.msk [tilespmem:v1+s14+$0x0], $0xffff  }
0x208: {  	v39 =	vld.idx.msk [tilespmem:v22+s14+$0x0], $0xffff  }
0x209: {  	s0 =	sshrl.u32 s4, $0xB;
	v40 =	vld.idx.msk [tilespmem:v21+s14+$0x0], $0xffff  }
0x20a: {  	s0 =	sand.u32 $0x1F, s0;
	v41 =	vld.idx.msk [tilespmem:v20+s14+$0x0], $0xffff  }
0x20b: {  	s11 =	smul.u32 $0xA, s0;
	v43 =	vld.idx.msk [tilespmem:v18+s14+$0x0], $0xffff  }
0x20c: {  	v44 =	vld.idx.msk [tilespmem:v17+s14+$0x0], $0xffff  }
0x20d: {  	v19 =	vadd.s32 s15, v19;
	s26 =	smul.u32 $0x460, s0;
	v17 =	vld [tilespmem:$0x16250];
	s2 =	ssub.s32 $0x0, s11  }
0x20e: {  	s1 =	sor.u32 $0x1, s25;
	v18 =	vld [tilespmem:$0x16210];
	s12 =	smul.u32 $0xA, s2  }
0x20f: {  	s22 =	sand.u32 $0xFF, s1;
	v21 =	vld [tilespmem:$0x16190]  }
0x210: {  	v20 =	vld [tilespmem:$0x161D0];
	s24 =	sadd.s32 $0x3F0, s26;
	s11 =	smul.u32 $0xCD, s22;
	s4 =	sand.u32 $0xFE, s12  }
0x211: {  	v22 =	vld [tilespmem:$0x16150];
	s0 =	sadd.s32 $0x380, s26;
	s15 =	sadd.s32 s4, s24  }
0x212: {  	v42 =	vld.idx.msk [tilespmem:v19+s14+$0x0], $0xffff;
	s2 =	sadd.s32 $0x2A0, s26;
	s11 =	sshrl.u32 s11, $0xB;
	s25 =	sadd.s32 s4, s0;
	v19 =	vadd.s32 s15, v17  }
0x213: {  	v4 =	vld.idx.msk [tilespmem:v4+s14+$0x0], $0xffff;
	s23 =	sadd.s32 $0x310, s26;
	s11 =	smul.u32 $0xA, s11;
	s12 =	sadd.s32 s4, s2;
	v45 =	vadd.s32 s25, v18  }
0x214: {  	v6 =	vld.idx.msk [tilespmem:v6+s14+$0x0], $0xffff;
	s29 =	sadd.s32 $0xE0, s26;
	s15 =	sadd.s32 s4, s23;
	v47 =	vadd.s32 s12, v21  }
0x215: {  	v15 =	vld.idx.msk [tilespmem:v15+s14+$0x0], $0xffff;
	s25 =	sadd.s32 $0x230, s26;
	s1 =	ssub.s32 s1, s11;
	s11 =	sadd.s32 s4, s29;
	v46 =	vadd.s32 s15, v20  }
0x216: {  	v16 =	vld.idx.msk [tilespmem:v16+s14+$0x0], $0xffff;
	s15 =	sadd.s32 $0x1C0, s26;
	s22 =	sadd.s32 s4, s25;
	v62 =	vadd.s32 s11, v26  }
0x217: {  	v37 =	vadd.s32 v25, v37;
	s12 =	sadd.s32 $0x150, s26;
	s28 =	sadd.s32 s4, s15;
	v48 =	vadd.s32 s22, v22;
	v19 =	vld.idx.msk [tilespmem:v19+s14+$0x0], $0xffff  }
0x218: {  	v33 =	vadd.s32 v33, v38;
	vm0 =	vlt.s32 v30, v37;
	s1 =	smul.u32 $0xA, s1;
	s22 =	sadd.s32 s4, s12;
	v49 =	vadd.s32 s28, v23;
	v25 =	vld.idx.msk [tilespmem:v45+s14+$0x0], $0xffff  }
0x219: {  	v33 =	vadd.s32 v34, v33;
	v30 =	vsel vm0, v30, v37;
	s30 =	sadd.s32 $0x70, s26;
	v61 =	vadd.s32 s22, v24;
	s28 =	sadd.s32 s4, s26;
	v37 =	vld.idx.msk [tilespmem:v47+s14+$0x0], $0xffff  }
0x21a: {  	v33 =	vadd.s32 v35, v33;
	s22 =	simm.s32 $0x2;
	s4 =	sadd.s32 s4, s30;
	s1 =	sand.u32 $0xFE, s1;
	v50 =	vadd.s32 s28, v27;
	v45 =	vld.idx.msk [tilespmem:v46+s14+$0x0], $0xffff  }
0x21b: {  	v0 =	vadd.s32 v0, v1;
	v4 =	vadd.s32 v4, v6;
	s11 =	smul.u32 $0xCD, s22;
	v51 =	vadd.s32 s4, v28;
	s26 =	sadd.s32 s1, s26;
	v55 =	vld.idx.msk [tilespmem:v62+s14+$0x0], $0xffff  }
0x21c: {  	v0 =	vadd.s32 v7, v0;
	v54 =	vadd.s32 v15, v4;
	s12 =	sadd.s32 s1, s12;
	v52 =	vadd.s32 s26, v27;
	v46 =	vld.idx.msk [tilespmem:v48+s14+$0x0], $0xffff  }
0x21d: {  	v0 =	vadd.s32 v5, v0;
	v57 =	vadd.s32 v16, v54;
	s26 =	sadd.s32 s1, s30;
	v16 =	vadd.s32 s12, v24;
	s11 =	sshrl.u32 s11, $0xB;
	v7 =	vld.idx.msk [tilespmem:v49+s14+$0x0], $0xffff  }
0x21e: {  	vm0 =	vlt.s32 v30, v33;
	v0 =	vadd.s32 v3, v0;
	v53 =	vadd.s32 s26, v28;
	s26 =	sadd.s32 s1, s29;
	s11 =	sand.u32 $0x1F, s11;
	v5 =	vld.idx.msk [tilespmem:v61+s14+$0x0], $0xffff  }
0x21f: {  	v30 =	vsel vm0, v30, v33;
	v0 =	vadd.s32 v2, v0;
	s2 =	sadd.s32 s1, s2;
	v15 =	vadd.s32 s26, v26;
	s26 =	smul.u32 $0xA, s11;
	v59 =	vld.idx.msk [tilespmem:v50+s14+$0x0], $0xffff  }
0x220: {  	v2 =	vadd.s32 v39, v57;
	v0 =	vadd.s32 v36, v0;
	s15 =	sadd.s32 s1, s15;
	v47 =	vadd.s32 s2, v21;
	v1 =	vld.idx.msk [tilespmem:v51+s14+$0x0], $0xffff  }
0x221: {  	v2 =	vadd.s32 v40, v2;
	v0 =	vadd.s32 v29, v0;
	s25 =	sadd.s32 s1, s25;
	v61 =	vadd.s32 s15, v23;
	s12 =	ssub.s32 $0x2, s26;
	s26 =	smul.u32 $0x460, s11;
	v29 =	vld.idx.msk [tilespmem:v52+s14+$0x0], $0xffff  }
0x222: {  	v2 =	vadd.s32 v41, v2;
	v0 =	vadd.s32 v32, v0;
	v62 =	vadd.s32 s25, v22;
	s25 =	sadd.s32 s1, s23;
	v16 =	vld.idx.msk [tilespmem:v16+s14+$0x0], $0xffff;
	s15 =	smul.u32 $0xA, s12  }
0x223: {  	v2 =	vadd.s32 v42, v2;
	s0 =	sadd.s32 s1, s0;
	v0 =	vadd.s32 v31, v0;
	v31 =	vadd.s32 s25, v20;
	v6 =	vld.idx.msk [tilespmem:v53+s14+$0x0], $0xffff  }
0x224: {  	s4 =	sadd.s32 s1, s24;
	v2 =	vadd.s32 v43, v2;
	vm0 =	vlt.s32 v30, v0;
	v48 =	vadd.s32 s0, v18;
	v15 =	vld.idx.msk [tilespmem:v15+s14+$0x0], $0xffff;
	s23 =	sadd.s32 $0x3F0, s26;
	s30 =	sand.u32 $0xFE, s15  }
0x225: {  	v2 =	vadd.s32 v44, v2;
	s1 =	sor.u32 $0x1, s22;
	v0 =	vsel vm0, v30, v0;
	v50 =	vadd.s32 s4, v17;
	v54 =	vld.idx.msk [tilespmem:v47+s14+$0x0], $0xffff;
	s24 =	sadd.s32 $0x380, s26;
	s11 =	sadd.s32 s30, s23  }
0x226: {  	vm0 =	vlt.s32 v0, v2;
	s12 =	sand.u32 $0xFF, s1;
	s25 =	sadd.s32 $0x310, s26;
	v49 =	vld.idx.msk [tilespmem:v61+s14+$0x0], $0xffff;
	s4 =	sadd.s32 s30, s24;
	v1 =	vadd.s32 v59, v1;
	v51 =	vadd.s32 s11, v17  }
0x227: {  	v30 =	vsel vm0, v0, v2;
	v52 =	vld.idx.msk [tilespmem:v62+s14+$0x0], $0xffff;
	s0 =	smul.u32 $0xCD, s12;
	s29 =	sadd.s32 $0x230, s26;
	s15 =	sadd.s32 s30, s25;
	v53 =	vadd.s32 s4, v18;
	v1 =	vadd.s32 v55, v1  }
0x228: {  	s28 =	sadd.s32 $0x2A0, s26;
	v33 =	vld.idx.msk [tilespmem:v31+s14+$0x0], $0xffff;
	s12 =	sadd.s32 s30, s29;
	v55 =	vadd.s32 s15, v20;
	v1 =	vadd.s32 v5, v1;
	v57 =	vadd.s32 v29, v6  }
0x229: {  	s31 =	sadd.s32 $0x1C0, s26;
	v34 =	vld.idx.msk [tilespmem:v48+s14+$0x0], $0xffff;
	s0 =	sshrl.u32 s0, $0xB;
	s11 =	sadd.s32 s30, s28;
	v39 =	vadd.s32 s12, v22;
	v1 =	vadd.s32 v7, v1;
	v5 =	vadd.s32 v15, v57  }
0x22a: {  	v35 =	vld.idx.msk [tilespmem:v50+s14+$0x0], $0xffff;
	s4 =	smul.u32 $0xA, s0;
	s0 =	sadd.s32 $0x150, s26;
	s15 =	sadd.s32 s30, s31;
	v36 =	vadd.s32 s11, v21;
	v1 =	vadd.s32 v46, v1;
	v5 =	vadd.s32 v16, v5  }
0x22b: {  	s2 =	sadd.s32 $0xE0, s26;
	s12 =	sadd.s32 s30, s0;
	v40 =	vadd.s32 s15, v23;
	v1 =	vadd.s32 v37, v1;
	v59 =	vadd.s32 v49, v5;
	v31 =	vld.idx.msk [tilespmem:v51+s14+$0x0], $0xffff  }
0x22c: {  	s15 =	sadd.s32 s30, s2;
	s1 =	ssub.s32 s1, s4;
	v41 =	vadd.s32 s12, v24;
	v32 =	vld.idx.msk [tilespmem:v53+s14+$0x0], $0xffff;
	v61 =	vadd.s32 v45, v1;
	v62 =	vadd.s32 v52, v59  }
0x22d: {  	s12 =	sadd.s32 s30, s26;
	v42 =	vadd.s32 s15, v26;
	s11 =	smul.u32 $0xA, s1;
	s1 =	sadd.s32 $0x70, s26;
	v29 =	vld.idx.msk [tilespmem:v55+s14+$0x0], $0xffff;
	v37 =	vadd.s32 v25, v61;
	v38 =	vadd.s32 v54, v62  }
.LBB2_14:
0x22e: {  	s22 =	sadd.s32 $0x2, s22  }
0x22f: {  	v0 =	vadd.s32 s12, v27;
	s4 =	sadd.s32 s30, s1;
	v1 =	vld.idx.msk [tilespmem:v36+s14+$0x0], $0xffff;
	s11 =	sand.u32 $0xFE, s11;
	v2 =	vadd.s32 v19, v37;
	v3 =	vadd.s32 v33, v38;
	s12 =	smul.u32 $0xCD, s22  }
0x230: {  	p0 =	slt.u32 s22, $0x62;
	v4 =	vadd.s32 s4, v28;
	v5 =	vld.idx.msk [tilespmem:v39+s14+$0x0], $0xffff;
	s4 =	sadd.s32 s11, s26;
	vm0 =	vlt.s32 v30, v2;
	v3 =	vadd.s32 v34, v3  }
0x231: {  	s1 =	sadd.s32 s11, s1;
	v6 =	vld.idx.msk [tilespmem:v40+s14+$0x0], $0xffff;
	v7 =	vadd.s32 s4, v27;
	v8 =	vsel vm0, v30, v2;
	v3 =	vadd.s32 v35, v3;
	s4 =	sshrl.u32 s12, $0xB  }
0x232: {  	s0 =	sadd.s32 s11, s0;
	v16 =	vadd.s32 s1, v28;
	s1 =	sadd.s32 s11, s2;
	v19 =	vmov v31;
	v15 =	vld.idx.msk [tilespmem:v41+s14+$0x0], $0xffff;
	vm0 =	vlt.s32 v8, v3;
	s2 =	sand.u32 $0x1F, s4  }
0x233: {  	v31 =	vadd.s32 s1, v26;
	v2 =	vmovc v32;
	v25 =	vld.idx.msk [tilespmem:v42+s14+$0x0], $0xffff;
	v30 =	vsel vm0, v8, v3;
	v3 =	vadd.s32 s0, v24;
	s0 =	sadd.s32 s11, s31;
	s1 =	smul.u32 $0xA, s2  }
0x234: {  	v0 =	vld.idx.msk [tilespmem:v0+s14+$0x0], $0xffff;
	v32 =	vadd.s32 s0, v23;
	s0 =	sadd.s32 s11, s29  }
0x235: {  	s26 =	smul.u32 $0x460, s2;
	v4 =	vld.idx.msk [tilespmem:v4+s14+$0x0], $0xffff;
	v33 =	vadd.s32 s0, v22;
	s0 =	sadd.s32 s11, s28;
	s1 =	ssub.s32 s22, s1  }
0x236: {  	v7 =	vld.idx.msk [tilespmem:v7+s14+$0x0], $0xffff;
	v34 =	vadd.s32 s0, v21;
	s0 =	sadd.s32 s11, s25;
	s1 =	smul.u32 $0xA, s1  }
0x237: {  	s4 =	sor.u32 $0x1, s22;
	v16 =	vld.idx.msk [tilespmem:v16+s14+$0x0], $0xffff;
	v35 =	vadd.s32 s0, v20;
	s0 =	sadd.s32 s11, s24  }
0x238: {  	v31 =	vld.idx.msk [tilespmem:v31+s14+$0x0], $0xffff;
	v37 =	vadd.s32 s0, v18;
	s0 =	sadd.s32 s11, s23;
	s23 =	sadd.s32 $0x3F0, s26;
	s30 =	sand.u32 $0xFE, s1  }
0x239: {  	s2 =	sand.u32 $0xFF, s4;
	v3 =	vld.idx.msk [tilespmem:v3+s14+$0x0], $0xffff;
	s1 =	sadd.s32 s30, s23  }
0x23a: {  	s24 =	sadd.s32 $0x380, s26;
	v38 =	vadd.s32 s0, v17;
	v32 =	vld.idx.msk [tilespmem:v32+s14+$0x0], $0xffff;
	v41 =	vadd.s32 s1, v17;
	s1 =	smul.u32 $0xCD, s2  }
0x23b: {  	s25 =	sadd.s32 $0x310, s26;
	s0 =	sadd.s32 s30, s24;
	v0 =	vadd.s32 v0, v4;
	v4 =	vld.idx.msk [tilespmem:v33+s14+$0x0], $0xffff  }
0x23c: {  	s28 =	sadd.s32 $0x2A0, s26;
	s2 =	sadd.s32 s30, s25;
	v42 =	vadd.s32 s0, v18;
	v0 =	vadd.s32 v25, v0;
	v25 =	vld.idx.msk [tilespmem:v34+s14+$0x0], $0xffff;
	s1 =	sshrl.u32 s1, $0xB  }
0x23d: {  	s29 =	sadd.s32 $0x230, s26;
	s0 =	sadd.s32 s30, s28;
	v43 =	vadd.s32 s2, v20;
	v0 =	vadd.s32 v15, v0;
	v7 =	vadd.s32 v7, v16;
	v33 =	vld.idx.msk [tilespmem:v35+s14+$0x0], $0xffff;
	s1 =	smul.u32 $0xA, s1  }
.Ltmp5:
0x23e: {  	s31 =	sadd.s32 $0x1C0, s26;
	s2 =	sadd.s32 s30, s29;
	v36 =	vadd.s32 s0, v21;
	v0 =	vadd.s32 v6, v0;
	v6 =	vadd.s32 v31, v7;
	v34 =	vld.idx.msk [tilespmem:v37+s14+$0x0], $0xffff;
	(pc) =	sbr.rel @p0 .LBB2_14-.Ltmp5, $4  }
0x23f: {  	s11 =	sadd.s32 s30, s31;
	s0 =	sadd.s32 $0x150, s26;
	v39 =	vadd.s32 s2, v22;
	v0 =	vadd.s32 v5, v0;
	v3 =	vadd.s32 v3, v6;
	v35 =	vld.idx.msk [tilespmem:v38+s14+$0x0], $0xffff  }
0x240: {  	v40 =	vadd.s32 s11, v23;
	s2 =	sadd.s32 $0xE0, s26;
	s12 =	sadd.s32 s30, s0;
	v0 =	vadd.s32 v1, v0;
	v1 =	vadd.s32 v32, v3;
	v31 =	vld.idx.msk [tilespmem:v41+s14+$0x0], $0xffff;
	s1 =	ssub.s32 s4, s1  }
0x241: {  	s4 =	sadd.s32 s30, s2;
	v41 =	vadd.s32 s12, v24;
	v0 =	vadd.s32 v29, v0;
	v1 =	vadd.s32 v4, v1;
	v32 =	vld.idx.msk [tilespmem:v42+s14+$0x0], $0xffff;
	s11 =	smul.u32 $0xA, s1  }
0x242: {  	s12 =	sadd.s32 s30, s26;
	s1 =	sadd.s32 $0x70, s26;
	v42 =	vadd.s32 s4, v26;
	v37 =	vadd.s32 v2, v0;
	v38 =	vadd.s32 v25, v1;
	v29 =	vld.idx.msk [tilespmem:v43+s14+$0x0], $0xffff  }
0x243: {  	_ =	sdelay $0x3  }
0x244: {  	v36 =	vld.idx.msk [tilespmem:v36+s14+$0x0], $0xffff  }
0x245: {  	v2 =	vld.idx.msk [tilespmem:v39+s14+$0x0], $0xffff  }
0x246: {  	v3 =	vld.idx.msk [tilespmem:v40+s14+$0x0], $0xffff  }
0x247: {  	v5 =	vld.idx.msk [tilespmem:v41+s14+$0x0], $0xffff  }
0x248: {  	s11 =	sand.u32 $0xFE, s11;
	v7 =	vld.idx.msk [tilespmem:v42+s14+$0x0], $0xffff  }
0x249: {  	v0 =	vadd.s32 s12, v27;
	s4 =	sadd.s32 s30, s1;
	v25 =	vld [tilespmem:$0x160E0];
	s0 =	sadd.s32 s11, s0  }
0x24a: {  	v1 =	vadd.s32 s4, v28;
	s15 =	sadd.s32 s11, s26;
	s26 =	sadd.s32 s11, s2;
	s2 =	sadd.s32 s11, s31;
	v16 =	vadd.s32 s0, v24;
	v24 =	vld [tilespmem:$0x16120]  }
0x24b: {  	s4 =	sadd.s32 s11, s29;
	v15 =	vadd.s32 s26, v26;
	v23 =	vadd.s32 s2, v23;
	v26 =	vld [tilespmem:$0x160A0]  }
0x24c: {  	s22 =	sadd.s32 s11, s1;
	s12 =	sadd.s32 s11, s28;
	v4 =	vadd.s32 s15, v27;
	v22 =	vadd.s32 s4, v22;
	v27 =	vld [tilespmem:$0x16020]  }
0x24d: {  	v6 =	vadd.s32 s22, v28;
	v21 =	vadd.s32 s12, v21;
	s22 =	sadd.s32 s11, s24;
	v28 =	vld [tilespmem:$0x16060]  }
0x24e: {  	s15 =	sadd.s32 s11, s25;
	s24 =	sadd.s32 s11, s23;
	s25 =	simm.s32 $0x0;
	v18 =	vadd.s32 s22, v18;
	v0 =	vld.idx.msk [tilespmem:v0+s14+$0x0], $0xffff  }
0x24f: {  	v17 =	vadd.s32 s24, v17;
	s4 =	smul.u32 $0xCD, s25;
	v1 =	vld.idx.msk [tilespmem:v1+s14+$0x0], $0xffff  }
0x250: {  	v39 =	vld.idx.msk [tilespmem:v23+s14+$0x0], $0xffff  }
0x251: {  	s0 =	sshrl.u32 s4, $0xB;
	v40 =	vld.idx.msk [tilespmem:v22+s14+$0x0], $0xffff  }
0x252: {  	s0 =	sand.u32 $0x1F, s0;
	v41 =	vld.idx.msk [tilespmem:v21+s14+$0x0], $0xffff  }
0x253: {  	s11 =	smul.u32 $0xA, s0;
	v43 =	vld.idx.msk [tilespmem:v18+s14+$0x0], $0xffff  }
0x254: {  	v44 =	vld.idx.msk [tilespmem:v17+s14+$0x0], $0xffff  }
0x255: {  	v20 =	vadd.s32 s15, v20;
	s26 =	smul.u32 $0x460, s0;
	v17 =	vld [tilespmem:$0x16260];
	s2 =	ssub.s32 $0x0, s11  }
0x256: {  	s1 =	sor.u32 $0x1, s25;
	v18 =	vld [tilespmem:$0x16220];
	s12 =	smul.u32 $0xA, s2  }
0x257: {  	s22 =	sand.u32 $0xFF, s1;
	v22 =	vld [tilespmem:$0x161A0]  }
0x258: {  	v21 =	vld [tilespmem:$0x161E0];
	s24 =	sadd.s32 $0x3F0, s26;
	s11 =	smul.u32 $0xCD, s22;
	s4 =	sand.u32 $0xFE, s12  }
0x259: {  	v23 =	vld [tilespmem:$0x16160];
	s0 =	sadd.s32 $0x380, s26;
	s15 =	sadd.s32 s4, s24  }
0x25a: {  	v42 =	vld.idx.msk [tilespmem:v20+s14+$0x0], $0xffff;
	s2 =	sadd.s32 $0x2A0, s26;
	s11 =	sshrl.u32 s11, $0xB;
	s25 =	sadd.s32 s4, s0;
	v20 =	vadd.s32 s15, v17  }
0x25b: {  	v4 =	vld.idx.msk [tilespmem:v4+s14+$0x0], $0xffff;
	s23 =	sadd.s32 $0x310, s26;
	s11 =	smul.u32 $0xA, s11;
	s12 =	sadd.s32 s4, s2;
	v45 =	vadd.s32 s25, v18  }
0x25c: {  	v6 =	vld.idx.msk [tilespmem:v6+s14+$0x0], $0xffff;
	s29 =	sadd.s32 $0xE0, s26;
	s15 =	sadd.s32 s4, s23;
	v47 =	vadd.s32 s12, v22  }
0x25d: {  	v15 =	vld.idx.msk [tilespmem:v15+s14+$0x0], $0xffff;
	s25 =	sadd.s32 $0x230, s26;
	s1 =	ssub.s32 s1, s11;
	s11 =	sadd.s32 s4, s29;
	v46 =	vadd.s32 s15, v21  }
0x25e: {  	v16 =	vld.idx.msk [tilespmem:v16+s14+$0x0], $0xffff;
	s15 =	sadd.s32 $0x1C0, s26;
	s22 =	sadd.s32 s4, s25;
	v62 =	vadd.s32 s11, v26  }
0x25f: {  	v37 =	vadd.s32 v19, v37;
	s12 =	sadd.s32 $0x150, s26;
	s28 =	sadd.s32 s4, s15;
	v48 =	vadd.s32 s22, v23;
	v20 =	vld.idx.msk [tilespmem:v20+s14+$0x0], $0xffff  }
0x260: {  	v33 =	vadd.s32 v33, v38;
	vm0 =	vlt.s32 v30, v37;
	s1 =	smul.u32 $0xA, s1;
	s22 =	sadd.s32 s4, s12;
	v49 =	vadd.s32 s28, v24;
	v19 =	vld.idx.msk [tilespmem:v45+s14+$0x0], $0xffff  }
0x261: {  	v33 =	vadd.s32 v34, v33;
	v30 =	vsel vm0, v30, v37;
	s30 =	sadd.s32 $0x70, s26;
	v61 =	vadd.s32 s22, v25;
	s28 =	sadd.s32 s4, s26;
	v37 =	vld.idx.msk [tilespmem:v47+s14+$0x0], $0xffff  }
0x262: {  	v33 =	vadd.s32 v35, v33;
	s22 =	simm.s32 $0x2;
	s4 =	sadd.s32 s4, s30;
	s1 =	sand.u32 $0xFE, s1;
	v50 =	vadd.s32 s28, v27;
	v45 =	vld.idx.msk [tilespmem:v46+s14+$0x0], $0xffff  }
0x263: {  	v0 =	vadd.s32 v0, v1;
	v4 =	vadd.s32 v4, v6;
	s11 =	smul.u32 $0xCD, s22;
	v51 =	vadd.s32 s4, v28;
	s26 =	sadd.s32 s1, s26;
	v55 =	vld.idx.msk [tilespmem:v62+s14+$0x0], $0xffff  }
0x264: {  	v0 =	vadd.s32 v7, v0;
	v54 =	vadd.s32 v15, v4;
	s12 =	sadd.s32 s1, s12;
	v52 =	vadd.s32 s26, v27;
	v46 =	vld.idx.msk [tilespmem:v48+s14+$0x0], $0xffff  }
0x265: {  	v0 =	vadd.s32 v5, v0;
	v57 =	vadd.s32 v16, v54;
	s26 =	sadd.s32 s1, s30;
	v16 =	vadd.s32 s12, v25;
	s11 =	sshrl.u32 s11, $0xB;
	v7 =	vld.idx.msk [tilespmem:v49+s14+$0x0], $0xffff  }
0x266: {  	vm0 =	vlt.s32 v30, v33;
	v0 =	vadd.s32 v3, v0;
	v53 =	vadd.s32 s26, v28;
	s26 =	sadd.s32 s1, s29;
	s11 =	sand.u32 $0x1F, s11;
	v5 =	vld.idx.msk [tilespmem:v61+s14+$0x0], $0xffff  }
0x267: {  	v30 =	vsel vm0, v30, v33;
	v0 =	vadd.s32 v2, v0;
	s2 =	sadd.s32 s1, s2;
	v15 =	vadd.s32 s26, v26;
	s26 =	smul.u32 $0xA, s11;
	v59 =	vld.idx.msk [tilespmem:v50+s14+$0x0], $0xffff  }
0x268: {  	v2 =	vadd.s32 v39, v57;
	v0 =	vadd.s32 v36, v0;
	s15 =	sadd.s32 s1, s15;
	v47 =	vadd.s32 s2, v22;
	v1 =	vld.idx.msk [tilespmem:v51+s14+$0x0], $0xffff  }
0x269: {  	v2 =	vadd.s32 v40, v2;
	v0 =	vadd.s32 v29, v0;
	s25 =	sadd.s32 s1, s25;
	v61 =	vadd.s32 s15, v24;
	s12 =	ssub.s32 $0x2, s26;
	s26 =	smul.u32 $0x460, s11;
	v29 =	vld.idx.msk [tilespmem:v52+s14+$0x0], $0xffff  }
0x26a: {  	v2 =	vadd.s32 v41, v2;
	v0 =	vadd.s32 v32, v0;
	v62 =	vadd.s32 s25, v23;
	s25 =	sadd.s32 s1, s23;
	v16 =	vld.idx.msk [tilespmem:v16+s14+$0x0], $0xffff;
	s15 =	smul.u32 $0xA, s12  }
0x26b: {  	v2 =	vadd.s32 v42, v2;
	s0 =	sadd.s32 s1, s0;
	v0 =	vadd.s32 v31, v0;
	v31 =	vadd.s32 s25, v21;
	v6 =	vld.idx.msk [tilespmem:v53+s14+$0x0], $0xffff  }
0x26c: {  	s4 =	sadd.s32 s1, s24;
	v2 =	vadd.s32 v43, v2;
	vm0 =	vlt.s32 v30, v0;
	v48 =	vadd.s32 s0, v18;
	v15 =	vld.idx.msk [tilespmem:v15+s14+$0x0], $0xffff;
	s23 =	sadd.s32 $0x3F0, s26;
	s30 =	sand.u32 $0xFE, s15  }
0x26d: {  	v2 =	vadd.s32 v44, v2;
	s1 =	sor.u32 $0x1, s22;
	v0 =	vsel vm0, v30, v0;
	v50 =	vadd.s32 s4, v17;
	v54 =	vld.idx.msk [tilespmem:v47+s14+$0x0], $0xffff;
	s24 =	sadd.s32 $0x380, s26;
	s11 =	sadd.s32 s30, s23  }
0x26e: {  	vm0 =	vlt.s32 v0, v2;
	s12 =	sand.u32 $0xFF, s1;
	s25 =	sadd.s32 $0x310, s26;
	v49 =	vld.idx.msk [tilespmem:v61+s14+$0x0], $0xffff;
	s4 =	sadd.s32 s30, s24;
	v1 =	vadd.s32 v59, v1;
	v51 =	vadd.s32 s11, v17  }
0x26f: {  	v30 =	vsel vm0, v0, v2;
	v52 =	vld.idx.msk [tilespmem:v62+s14+$0x0], $0xffff;
	s0 =	smul.u32 $0xCD, s12;
	s29 =	sadd.s32 $0x230, s26;
	s15 =	sadd.s32 s30, s25;
	v53 =	vadd.s32 s4, v18;
	v1 =	vadd.s32 v55, v1  }
0x270: {  	s28 =	sadd.s32 $0x2A0, s26;
	v33 =	vld.idx.msk [tilespmem:v31+s14+$0x0], $0xffff;
	s12 =	sadd.s32 s30, s29;
	v55 =	vadd.s32 s15, v21;
	v1 =	vadd.s32 v5, v1;
	v57 =	vadd.s32 v29, v6  }
0x271: {  	s31 =	sadd.s32 $0x1C0, s26;
	v34 =	vld.idx.msk [tilespmem:v48+s14+$0x0], $0xffff;
	s0 =	sshrl.u32 s0, $0xB;
	s11 =	sadd.s32 s30, s28;
	v39 =	vadd.s32 s12, v23;
	v1 =	vadd.s32 v7, v1;
	v5 =	vadd.s32 v15, v57  }
0x272: {  	v35 =	vld.idx.msk [tilespmem:v50+s14+$0x0], $0xffff;
	s4 =	smul.u32 $0xA, s0;
	s0 =	sadd.s32 $0x150, s26;
	s15 =	sadd.s32 s30, s31;
	v36 =	vadd.s32 s11, v22;
	v1 =	vadd.s32 v46, v1;
	v5 =	vadd.s32 v16, v5  }
0x273: {  	s2 =	sadd.s32 $0xE0, s26;
	s12 =	sadd.s32 s30, s0;
	v40 =	vadd.s32 s15, v24;
	v1 =	vadd.s32 v37, v1;
	v59 =	vadd.s32 v49, v5;
	v31 =	vld.idx.msk [tilespmem:v51+s14+$0x0], $0xffff  }
0x274: {  	s15 =	sadd.s32 s30, s2;
	s1 =	ssub.s32 s1, s4;
	v41 =	vadd.s32 s12, v25;
	v32 =	vld.idx.msk [tilespmem:v53+s14+$0x0], $0xffff;
	v61 =	vadd.s32 v45, v1;
	v62 =	vadd.s32 v52, v59  }
0x275: {  	s12 =	sadd.s32 s30, s26;
	v42 =	vadd.s32 s15, v26;
	s11 =	smul.u32 $0xA, s1;
	s1 =	sadd.s32 $0x70, s26;
	v29 =	vld.idx.msk [tilespmem:v55+s14+$0x0], $0xffff;
	v37 =	vadd.s32 v19, v61;
	v38 =	vadd.s32 v54, v62  }
.LBB2_16:
0x276: {  	s22 =	sadd.s32 $0x2, s22  }
0x277: {  	v0 =	vadd.s32 s12, v27;
	s4 =	sadd.s32 s30, s1;
	v1 =	vld.idx.msk [tilespmem:v36+s14+$0x0], $0xffff;
	s11 =	sand.u32 $0xFE, s11;
	v2 =	vadd.s32 v20, v37;
	v3 =	vadd.s32 v33, v38;
	s12 =	smul.u32 $0xCD, s22  }
0x278: {  	p0 =	slt.u32 s22, $0x62;
	v4 =	vadd.s32 s4, v28;
	v5 =	vld.idx.msk [tilespmem:v39+s14+$0x0], $0xffff;
	s4 =	sadd.s32 s11, s26;
	vm0 =	vlt.s32 v30, v2;
	v3 =	vadd.s32 v34, v3  }
0x279: {  	s1 =	sadd.s32 s11, s1;
	v6 =	vld.idx.msk [tilespmem:v40+s14+$0x0], $0xffff;
	v7 =	vadd.s32 s4, v27;
	v8 =	vsel vm0, v30, v2;
	v3 =	vadd.s32 v35, v3;
	s4 =	sshrl.u32 s12, $0xB  }
0x27a: {  	s0 =	sadd.s32 s11, s0;
	v16 =	vadd.s32 s1, v28;
	s1 =	sadd.s32 s11, s2;
	v20 =	vmov v31;
	v15 =	vld.idx.msk [tilespmem:v41+s14+$0x0], $0xffff;
	vm0 =	vlt.s32 v8, v3;
	s2 =	sand.u32 $0x1F, s4  }
0x27b: {  	v31 =	vadd.s32 s1, v26;
	v2 =	vmovc v32;
	v19 =	vld.idx.msk [tilespmem:v42+s14+$0x0], $0xffff;
	v30 =	vsel vm0, v8, v3;
	v3 =	vadd.s32 s0, v25;
	s0 =	sadd.s32 s11, s31;
	s1 =	smul.u32 $0xA, s2  }
0x27c: {  	v0 =	vld.idx.msk [tilespmem:v0+s14+$0x0], $0xffff;
	v32 =	vadd.s32 s0, v24;
	s0 =	sadd.s32 s11, s29  }
0x27d: {  	s26 =	smul.u32 $0x460, s2;
	v4 =	vld.idx.msk [tilespmem:v4+s14+$0x0], $0xffff;
	v33 =	vadd.s32 s0, v23;
	s0 =	sadd.s32 s11, s28;
	s1 =	ssub.s32 s22, s1  }
0x27e: {  	v7 =	vld.idx.msk [tilespmem:v7+s14+$0x0], $0xffff;
	v34 =	vadd.s32 s0, v22;
	s0 =	sadd.s32 s11, s25;
	s1 =	smul.u32 $0xA, s1  }
0x27f: {  	s4 =	sor.u32 $0x1, s22;
	v16 =	vld.idx.msk [tilespmem:v16+s14+$0x0], $0xffff;
	v35 =	vadd.s32 s0, v21;
	s0 =	sadd.s32 s11, s24  }
0x280: {  	v31 =	vld.idx.msk [tilespmem:v31+s14+$0x0], $0xffff;
	v37 =	vadd.s32 s0, v18;
	s0 =	sadd.s32 s11, s23;
	s23 =	sadd.s32 $0x3F0, s26;
	s30 =	sand.u32 $0xFE, s1  }
0x281: {  	s2 =	sand.u32 $0xFF, s4;
	v3 =	vld.idx.msk [tilespmem:v3+s14+$0x0], $0xffff;
	s1 =	sadd.s32 s30, s23  }
0x282: {  	s24 =	sadd.s32 $0x380, s26;
	v38 =	vadd.s32 s0, v17;
	v32 =	vld.idx.msk [tilespmem:v32+s14+$0x0], $0xffff;
	v41 =	vadd.s32 s1, v17;
	s1 =	smul.u32 $0xCD, s2  }
0x283: {  	s25 =	sadd.s32 $0x310, s26;
	s0 =	sadd.s32 s30, s24;
	v0 =	vadd.s32 v0, v4;
	v4 =	vld.idx.msk [tilespmem:v33+s14+$0x0], $0xffff  }
0x284: {  	s28 =	sadd.s32 $0x2A0, s26;
	s2 =	sadd.s32 s30, s25;
	v42 =	vadd.s32 s0, v18;
	v0 =	vadd.s32 v19, v0;
	v19 =	vld.idx.msk [tilespmem:v34+s14+$0x0], $0xffff;
	s1 =	sshrl.u32 s1, $0xB  }
0x285: {  	s29 =	sadd.s32 $0x230, s26;
	s0 =	sadd.s32 s30, s28;
	v43 =	vadd.s32 s2, v21;
	v0 =	vadd.s32 v15, v0;
	v7 =	vadd.s32 v7, v16;
	v33 =	vld.idx.msk [tilespmem:v35+s14+$0x0], $0xffff;
	s1 =	smul.u32 $0xA, s1  }
.Ltmp6:
0x286: {  	s31 =	sadd.s32 $0x1C0, s26;
	s2 =	sadd.s32 s30, s29;
	v36 =	vadd.s32 s0, v22;
	v0 =	vadd.s32 v6, v0;
	v6 =	vadd.s32 v31, v7;
	v34 =	vld.idx.msk [tilespmem:v37+s14+$0x0], $0xffff;
	(pc) =	sbr.rel @p0 .LBB2_16-.Ltmp6, $4  }
0x287: {  	s11 =	sadd.s32 s30, s31;
	s0 =	sadd.s32 $0x150, s26;
	v39 =	vadd.s32 s2, v23;
	v0 =	vadd.s32 v5, v0;
	v3 =	vadd.s32 v3, v6;
	v35 =	vld.idx.msk [tilespmem:v38+s14+$0x0], $0xffff  }
0x288: {  	v40 =	vadd.s32 s11, v24;
	s2 =	sadd.s32 $0xE0, s26;
	s12 =	sadd.s32 s30, s0;
	v0 =	vadd.s32 v1, v0;
	v1 =	vadd.s32 v32, v3;
	v31 =	vld.idx.msk [tilespmem:v41+s14+$0x0], $0xffff;
	s1 =	ssub.s32 s4, s1  }
0x289: {  	s4 =	sadd.s32 s30, s2;
	v41 =	vadd.s32 s12, v25;
	v0 =	vadd.s32 v29, v0;
	v1 =	vadd.s32 v4, v1;
	v32 =	vld.idx.msk [tilespmem:v42+s14+$0x0], $0xffff;
	s11 =	smul.u32 $0xA, s1  }
0x28a: {  	s12 =	sadd.s32 s30, s26;
	s1 =	sadd.s32 $0x70, s26;
	v42 =	vadd.s32 s4, v26;
	v37 =	vadd.s32 v2, v0;
	v38 =	vadd.s32 v19, v1;
	v29 =	vld.idx.msk [tilespmem:v43+s14+$0x0], $0xffff  }
0x28b: {  	_ =	sdelay $0x3  }
0x28c: {  	v36 =	vld.idx.msk [tilespmem:v36+s14+$0x0], $0xffff  }
0x28d: {  	v2 =	vld.idx.msk [tilespmem:v39+s14+$0x0], $0xffff  }
0x28e: {  	v3 =	vld.idx.msk [tilespmem:v40+s14+$0x0], $0xffff  }
0x28f: {  	s4 =	sadd.s32 s30, s1;
	s11 =	sand.u32 $0xFE, s11;
	v5 =	vld.idx.msk [tilespmem:v41+s14+$0x0], $0xffff  }
0x290: {  	v0 =	vadd.s32 s12, v27;
	v7 =	vld.idx.msk [tilespmem:v42+s14+$0x0], $0xffff;
	s15 =	sadd.s32 s11, s26;
	s26 =	sadd.s32 s11, s2;
	s2 =	sadd.s32 s11, s31  }
0x291: {  	v1 =	vadd.s32 s4, v28;
	s0 =	sadd.s32 s11, s0;
	v19 =	vadd.s32 s2, v24;
	v24 =	vld [tilespmem:$0x160F0]  }
0x292: {  	v4 =	vadd.s32 s15, v27;
	v16 =	vadd.s32 s0, v25;
	v25 =	vld [tilespmem:$0x160B0]  }
0x293: {  	s4 =	sadd.s32 s11, s29;
	v15 =	vadd.s32 s26, v26;
	v26 =	vld [tilespmem:$0x16030]  }
0x294: {  	s22 =	sadd.s32 s11, s1;
	v23 =	vadd.s32 s4, v23;
	s15 =	sadd.s32 s11, s25;
	v27 =	vld [tilespmem:$0x16070]  }
0x295: {  	v6 =	vadd.s32 s22, v28;
	s22 =	sadd.s32 s11, s24;
	v21 =	vadd.s32 s15, v21;
	v0 =	vld.idx.msk [tilespmem:v0+s14+$0x0], $0xffff  }
0x296: {  	s24 =	sadd.s32 s11, s23;
	s25 =	simm.s32 $0x0;
	v18 =	vadd.s32 s22, v18;
	v1 =	vld.idx.msk [tilespmem:v1+s14+$0x0], $0xffff  }
0x297: {  	v17 =	vadd.s32 s24, v17;
	s4 =	smul.u32 $0xCD, s25;
	v4 =	vld.idx.msk [tilespmem:v4+s14+$0x0], $0xffff  }
0x298: {  	v39 =	vld.idx.msk [tilespmem:v19+s14+$0x0], $0xffff  }
0x299: {  	s0 =	sshrl.u32 s4, $0xB;
	v40 =	vld.idx.msk [tilespmem:v23+s14+$0x0], $0xffff  }
0x29a: {  	s0 =	sand.u32 $0x1F, s0;
	v42 =	vld.idx.msk [tilespmem:v21+s14+$0x0], $0xffff  }
0x29b: {  	s12 =	sadd.s32 s11, s28;
	s11 =	smul.u32 $0xA, s0;
	v43 =	vld.idx.msk [tilespmem:v18+s14+$0x0], $0xffff  }
0x29c: {  	v22 =	vadd.s32 s12, v22;
	v44 =	vld.idx.msk [tilespmem:v17+s14+$0x0], $0xffff  }
0x29d: {  	s26 =	smul.u32 $0x460, s0;
	v17 =	vld [tilespmem:$0x16270];
	s2 =	ssub.s32 $0x0, s11  }
0x29e: {  	s1 =	sor.u32 $0x1, s25;
	v18 =	vld [tilespmem:$0x16230];
	s12 =	smul.u32 $0xA, s2  }
0x29f: {  	s22 =	sand.u32 $0xFF, s1;
	v21 =	vld [tilespmem:$0x161B0]  }
0x2a0: {  	v19 =	vld [tilespmem:$0x161F0];
	s24 =	sadd.s32 $0x3F0, s26;
	s11 =	smul.u32 $0xCD, s22;
	s4 =	sand.u32 $0xFE, s12  }
0x2a1: {  	v41 =	vld.idx.msk [tilespmem:v22+s14+$0x0], $0xffff;
	s0 =	sadd.s32 $0x380, s26;
	s15 =	sadd.s32 s4, s24  }
0x2a2: {  	v22 =	vld [tilespmem:$0x16170];
	s2 =	sadd.s32 $0x2A0, s26;
	s11 =	sshrl.u32 s11, $0xB;
	s25 =	sadd.s32 s4, s0;
	v28 =	vadd.s32 s15, v17  }
0x2a3: {  	v23 =	vld [tilespmem:$0x16130];
	s23 =	sadd.s32 $0x310, s26;
	s11 =	smul.u32 $0xA, s11;
	s12 =	sadd.s32 s4, s2;
	v45 =	vadd.s32 s25, v18  }
0x2a4: {  	v6 =	vld.idx.msk [tilespmem:v6+s14+$0x0], $0xffff;
	s29 =	sadd.s32 $0xE0, s26;
	s15 =	sadd.s32 s4, s23;
	v47 =	vadd.s32 s12, v21  }
0x2a5: {  	v15 =	vld.idx.msk [tilespmem:v15+s14+$0x0], $0xffff;
	s25 =	sadd.s32 $0x230, s26;
	s1 =	ssub.s32 s1, s11;
	s11 =	sadd.s32 s4, s29;
	v46 =	vadd.s32 s15, v19  }
0x2a6: {  	v20 =	vadd.s32 v20, v37;
	v62 =	vadd.s32 v33, v38;
	v16 =	vld.idx.msk [tilespmem:v16+s14+$0x0], $0xffff;
	s15 =	sadd.s32 $0x1C0, s26;
	s22 =	sadd.s32 s4, s25;
	v51 =	vadd.s32 s11, v25  }
0x2a7: {  	vm0 =	vlt.s32 v30, v20;
	v34 =	vadd.s32 v34, v62;
	s12 =	sadd.s32 $0x150, s26;
	s28 =	sadd.s32 s4, s15;
	v48 =	vadd.s32 s22, v22;
	v28 =	vld.idx.msk [tilespmem:v28+s14+$0x0], $0xffff  }
0x2a8: {  	v20 =	vsel vm0, v30, v20;
	v30 =	vadd.s32 v35, v34;
	s1 =	smul.u32 $0xA, s1;
	s22 =	sadd.s32 s4, s12;
	v49 =	vadd.s32 s28, v23;
	v33 =	vld.idx.msk [tilespmem:v45+s14+$0x0], $0xffff  }
0x2a9: {  	vm0 =	vlt.s32 v20, v30;
	s30 =	sadd.s32 $0x70, s26;
	v50 =	vadd.s32 s22, v24;
	s28 =	sadd.s32 s4, s26;
	v35 =	vld.idx.msk [tilespmem:v47+s14+$0x0], $0xffff  }
0x2aa: {  	v20 =	vsel vm0, v20, v30;
	s22 =	simm.s32 $0x2;
	s4 =	sadd.s32 s4, s30;
	s1 =	sand.u32 $0xFE, s1;
	v52 =	vadd.s32 s28, v26;
	v45 =	vld.idx.msk [tilespmem:v46+s14+$0x0], $0xffff  }
0x2ab: {  	v0 =	vadd.s32 v0, v1;
	v4 =	vadd.s32 v4, v6;
	s11 =	smul.u32 $0xCD, s22;
	v53 =	vadd.s32 s4, v27;
	s26 =	sadd.s32 s1, s26;
	v57 =	vld.idx.msk [tilespmem:v51+s14+$0x0], $0xffff  }
0x2ac: {  	v0 =	vadd.s32 v7, v0;
	v55 =	vadd.s32 v15, v4;
	s12 =	sadd.s32 s1, s12;
	v30 =	vadd.s32 s26, v26;
	v46 =	vld.idx.msk [tilespmem:v48+s14+$0x0], $0xffff  }
0x2ad: {  	v0 =	vadd.s32 v5, v0;
	v59 =	vadd.s32 v16, v55;
	s26 =	sadd.s32 s1, s30;
	v16 =	vadd.s32 s12, v24;
	s11 =	sshrl.u32 s11, $0xB;
	v7 =	vld.idx.msk [tilespmem:v49+s14+$0x0], $0xffff  }
0x2ae: {  	v0 =	vadd.s32 v3, v0;
	v54 =	vadd.s32 s26, v27;
	s26 =	sadd.s32 s1, s29;
	s11 =	sand.u32 $0x1F, s11;
	v5 =	vld.idx.msk [tilespmem:v50+s14+$0x0], $0xffff  }
0x2af: {  	v0 =	vadd.s32 v2, v0;
	s15 =	sadd.s32 s1, s15;
	v15 =	vadd.s32 s26, v25;
	s26 =	smul.u32 $0xA, s11;
	v61 =	vld.idx.msk [tilespmem:v52+s14+$0x0], $0xffff  }
0x2b0: {  	v2 =	vadd.s32 v39, v59;
	v0 =	vadd.s32 v36, v0;
	s2 =	sadd.s32 s1, s2;
	v62 =	vadd.s32 s15, v23;
	v1 =	vld.idx.msk [tilespmem:v53+s14+$0x0], $0xffff  }
0x2b1: {  	v2 =	vadd.s32 v40, v2;
	v0 =	vadd.s32 v29, v0;
	s25 =	sadd.s32 s1, s25;
	v47 =	vadd.s32 s2, v21;
	s12 =	ssub.s32 $0x2, s26;
	s26 =	smul.u32 $0x460, s11;
	v29 =	vld.idx.msk [tilespmem:v30+s14+$0x0], $0xffff  }
0x2b2: {  	v2 =	vadd.s32 v41, v2;
	v0 =	vadd.s32 v32, v0;
	s4 =	sadd.s32 s1, s24;
	v30 =	vadd.s32 s25, v22;
	v16 =	vld.idx.msk [tilespmem:v16+s14+$0x0], $0xffff;
	s15 =	smul.u32 $0xA, s12  }
0x2b3: {  	v2 =	vadd.s32 v42, v2;
	s0 =	sadd.s32 s1, s0;
	v0 =	vadd.s32 v31, v0;
	v50 =	vadd.s32 s4, v17;
	s25 =	sadd.s32 s1, s23;
	v6 =	vld.idx.msk [tilespmem:v54+s14+$0x0], $0xffff  }
0x2b4: {  	v2 =	vadd.s32 v43, v2;
	vm0 =	vlt.s32 v20, v0;
	s1 =	sor.u32 $0x1, s22;
	v31 =	vadd.s32 s25, v19;
	v15 =	vld.idx.msk [tilespmem:v15+s14+$0x0], $0xffff;
	s23 =	sadd.s32 $0x3F0, s26;
	s30 =	sand.u32 $0xFE, s15  }
0x2b5: {  	v2 =	vadd.s32 v44, v2;
	v48 =	vadd.s32 s0, v18;
	v0 =	vsel vm0, v20, v0;
	v49 =	vld.idx.msk [tilespmem:v62+s14+$0x0], $0xffff;
	s12 =	sand.u32 $0xFF, s1;
	s24 =	sadd.s32 $0x380, s26;
	s11 =	sadd.s32 s30, s23  }
0x2b6: {  	vm0 =	vlt.s32 v0, v2;
	v54 =	vld.idx.msk [tilespmem:v47+s14+$0x0], $0xffff;
	s25 =	sadd.s32 $0x310, s26;
	s0 =	smul.u32 $0xCD, s12;
	s4 =	sadd.s32 s30, s24;
	v1 =	vadd.s32 v61, v1;
	v51 =	vadd.s32 s11, v17  }
0x2b7: {  	v20 =	vsel vm0, v0, v2;
	s28 =	sadd.s32 $0x2A0, s26;
	s15 =	sadd.s32 s30, s25;
	v52 =	vld.idx.msk [tilespmem:v30+s14+$0x0], $0xffff;
	v53 =	vadd.s32 s4, v18;
	v1 =	vadd.s32 v57, v1  }
0x2b8: {  	s29 =	sadd.s32 $0x230, s26;
	v32 =	vld.idx.msk [tilespmem:v50+s14+$0x0], $0xffff;
	s0 =	sshrl.u32 s0, $0xB;
	s11 =	sadd.s32 s30, s28;
	v55 =	vadd.s32 s15, v19;
	v1 =	vadd.s32 v5, v1;
	v57 =	vadd.s32 v29, v6  }
0x2b9: {  	s31 =	sadd.s32 $0x1C0, s26;
	s12 =	sadd.s32 s30, s29;
	s4 =	smul.u32 $0xA, s0;
	v34 =	vld.idx.msk [tilespmem:v31+s14+$0x0], $0xffff;
	v36 =	vadd.s32 s11, v21;
	v1 =	vadd.s32 v7, v1;
	v5 =	vadd.s32 v15, v57  }
0x2ba: {  	s0 =	sadd.s32 $0x150, s26;
	s15 =	sadd.s32 s30, s31;
	v37 =	vadd.s32 s12, v22;
	v31 =	vld.idx.msk [tilespmem:v48+s14+$0x0], $0xffff;
	v1 =	vadd.s32 v46, v1;
	v5 =	vadd.s32 v16, v5  }
0x2bb: {  	s2 =	sadd.s32 $0xE0, s26;
	s12 =	sadd.s32 s30, s0;
	v38 =	vadd.s32 s15, v23;
	s1 =	ssub.s32 s1, s4;
	v1 =	vadd.s32 v35, v1;
	v59 =	vadd.s32 v49, v5;
	v30 =	vld.idx.msk [tilespmem:v51+s14+$0x0], $0xffff  }
0x2bc: {  	s15 =	sadd.s32 s30, s2;
	v39 =	vadd.s32 s12, v24;
	s11 =	smul.u32 $0xA, s1;
	v35 =	vld.idx.msk [tilespmem:v53+s14+$0x0], $0xffff;
	v61 =	vadd.s32 v45, v1;
	v62 =	vadd.s32 v52, v59  }
0x2bd: {  	s12 =	sadd.s32 s30, s26;
	v40 =	vadd.s32 s15, v25;
	s1 =	sadd.s32 $0x70, s26;
	v29 =	vld.idx.msk [tilespmem:v55+s14+$0x0], $0xffff;
	v41 =	vadd.s32 v33, v61;
	v33 =	vadd.s32 v54, v62  }
.LBB2_18:
0x2be: {  	s22 =	sadd.s32 $0x2, s22;
	v0 =	vadd.s32 s12, v26;
	s4 =	sadd.s32 s30, s1;
	v1 =	vld.idx.msk [tilespmem:v36+s14+$0x0], $0xffff;
	s11 =	sand.u32 $0xFE, s11;
	v2 =	vadd.s32 v28, v41;
	v3 =	vadd.s32 v34, v33  }
0x2bf: {  	s12 =	smul.u32 $0xCD, s22;
	p0 =	slt.u32 s22, $0x62;
	v4 =	vadd.s32 s4, v27;
	v5 =	vld.idx.msk [tilespmem:v37+s14+$0x0], $0xffff;
	s4 =	sadd.s32 s11, s26;
	vm0 =	vlt.s32 v20, v2;
	v3 =	vadd.s32 v31, v3  }
0x2c0: {  	s1 =	sadd.s32 s11, s1;
	v6 =	vld.idx.msk [tilespmem:v38+s14+$0x0], $0xffff;
	v7 =	vadd.s32 s4, v26;
	v8 =	vsel vm0, v20, v2;
	v3 =	vadd.s32 v32, v3  }
0x2c1: {  	v16 =	vadd.s32 s1, v27;
	s1 =	sadd.s32 s11, s2;
	v28 =	vmov v30;
	s4 =	sshrl.u32 s12, $0xB;
	v15 =	vld.idx.msk [tilespmem:v39+s14+$0x0], $0xffff;
	vm0 =	vlt.s32 v8, v3  }
0x2c2: {  	s0 =	sadd.s32 s11, s0;
	v31 =	vadd.s32 s1, v25;
	v2 =	vmov v35;
	s2 =	sand.u32 $0x1F, s4;
	v30 =	vld.idx.msk [tilespmem:v40+s14+$0x0], $0xffff;
	v20 =	vsel vm0, v8, v3  }
0x2c3: {  	v3 =	vadd.s32 s0, v24;
	s0 =	sadd.s32 s11, s31;
	s1 =	smul.u32 $0xA, s2;
	v0 =	vld.idx.msk [tilespmem:v0+s14+$0x0], $0xffff  }
0x2c4: {  	v32 =	vadd.s32 s0, v23;
	s0 =	sadd.s32 s11, s29;
	v4 =	vld.idx.msk [tilespmem:v4+s14+$0x0], $0xffff  }
0x2c5: {  	s26 =	smul.u32 $0x460, s2;
	v33 =	vadd.s32 s0, v22;
	s0 =	sadd.s32 s11, s28;
	s1 =	ssub.s32 s22, s1;
	v7 =	vld.idx.msk [tilespmem:v7+s14+$0x0], $0xffff  }
0x2c6: {  	v34 =	vadd.s32 s0, v21;
	s0 =	sadd.s32 s11, s25;
	s1 =	smul.u32 $0xA, s1;
	v16 =	vld.idx.msk [tilespmem:v16+s14+$0x0], $0xffff  }
0x2c7: {  	s4 =	sor.u32 $0x1, s22;
	v35 =	vld.idx.msk [tilespmem:v31+s14+$0x0], $0xffff;
	v31 =	vadd.s32 s0, v19;
	s0 =	sadd.s32 s11, s24  }
0x2c8: {  	s30 =	sand.u32 $0xFE, s1;
	v37 =	vadd.s32 s0, v18;
	s0 =	sadd.s32 s11, s23;
	s23 =	sadd.s32 $0x3F0, s26  }
0x2c9: {  	s2 =	sand.u32 $0xFF, s4;
	v3 =	vld.idx.msk [tilespmem:v3+s14+$0x0], $0xffff;
	s1 =	sadd.s32 s30, s23  }
0x2ca: {  	s24 =	sadd.s32 $0x380, s26;
	v39 =	vld.idx.msk [tilespmem:v32+s14+$0x0], $0xffff;
	v32 =	vadd.s32 s0, v17;
	v40 =	vadd.s32 s1, v17;
	s1 =	smul.u32 $0xCD, s2  }
0x2cb: {  	s25 =	sadd.s32 $0x310, s26;
	s0 =	sadd.s32 s30, s24;
	v0 =	vadd.s32 v0, v4;
	v4 =	vld.idx.msk [tilespmem:v33+s14+$0x0], $0xffff  }
0x2cc: {  	s28 =	sadd.s32 $0x2A0, s26;
	s2 =	sadd.s32 s30, s25;
	v33 =	vadd.s32 s0, v18;
	v0 =	vadd.s32 v30, v0;
	v42 =	vld.idx.msk [tilespmem:v34+s14+$0x0], $0xffff;
	s1 =	sshrl.u32 s1, $0xB  }
0x2cd: {  	s29 =	sadd.s32 $0x230, s26;
	s0 =	sadd.s32 s30, s28;
	v41 =	vadd.s32 s2, v19;
	v0 =	vadd.s32 v15, v0;
	v7 =	vadd.s32 v7, v16;
	v34 =	vld.idx.msk [tilespmem:v31+s14+$0x0], $0xffff;
	s1 =	smul.u32 $0xA, s1  }
.Ltmp7:
0x2ce: {  	s31 =	sadd.s32 $0x1C0, s26;
	s2 =	sadd.s32 s30, s29;
	v36 =	vadd.s32 s0, v21;
	v0 =	vadd.s32 v6, v0;
	v6 =	vadd.s32 v35, v7;
	v31 =	vld.idx.msk [tilespmem:v37+s14+$0x0], $0xffff;
	(pc) =	sbr.rel @p0 .LBB2_18-.Ltmp7, $4  }
0x2cf: {  	s11 =	sadd.s32 s30, s31;
	s0 =	sadd.s32 $0x150, s26;
	v37 =	vadd.s32 s2, v22;
	v0 =	vadd.s32 v5, v0;
	v3 =	vadd.s32 v3, v6;
	v32 =	vld.idx.msk [tilespmem:v32+s14+$0x0], $0xffff  }
0x2d0: {  	v38 =	vadd.s32 s11, v23;
	s12 =	sadd.s32 s30, s0;
	s2 =	sadd.s32 $0xE0, s26;
	v0 =	vadd.s32 v1, v0;
	v1 =	vadd.s32 v39, v3;
	v30 =	vld.idx.msk [tilespmem:v40+s14+$0x0], $0xffff;
	s1 =	ssub.s32 s4, s1  }
0x2d1: {  	v39 =	vadd.s32 s12, v24;
	s4 =	sadd.s32 s30, s2;
	v0 =	vadd.s32 v29, v0;
	v1 =	vadd.s32 v4, v1;
	v35 =	vld.idx.msk [tilespmem:v33+s14+$0x0], $0xffff;
	s11 =	smul.u32 $0xA, s1  }
0x2d2: {  	s12 =	sadd.s32 s30, s26;
	s1 =	sadd.s32 $0x70, s26;
	v40 =	vadd.s32 s4, v25;
	v33 =	vadd.s32 v42, v1;
	v29 =	vld.idx.msk [tilespmem:v41+s14+$0x0], $0xffff;
	v41 =	vadd.s32 v2, v0  }
0x2d3: {  	_ =	sdelay $0x3  }
0x2d4: {  	v0 =	vadd.s32 s12, v26;
	s4 =	sadd.s32 s30, s1;
	v1 =	vld.idx.msk [tilespmem:v36+s14+$0x0], $0xffff;
	s11 =	sand.u32 $0xFE, s11  }
0x2d5: {  	v3 =	vld.idx.msk [tilespmem:v37+s14+$0x0], $0xffff;
	v2 =	vadd.s32 s4, v27;
	s26 =	sadd.s32 s11, s26  }
0x2d6: {  	v4 =	vld.idx.msk [tilespmem:v38+s14+$0x0], $0xffff;
	s30 =	sadd.s32 s11, s1;
	v5 =	vadd.s32 s26, v26  }
0x2d7: {  	v6 =	vld.idx.msk [tilespmem:v39+s14+$0x0], $0xffff;
	s4 =	sadd.s32 s11, s2;
	v7 =	vadd.s32 s30, v27  }
0x2d8: {  	v15 =	vld.idx.msk [tilespmem:v40+s14+$0x0], $0xffff;
	s0 =	sadd.s32 s11, s0;
	v16 =	vadd.s32 s4, v25  }
0x2d9: {  	s12 =	sadd.s32 s11, s31;
	v24 =	vadd.s32 s0, v24;
	v0 =	vld.idx.msk [tilespmem:v0+s14+$0x0], $0xffff  }
0x2da: {  	s15 =	sadd.s32 s11, s29;
	v23 =	vadd.s32 s12, v23;
	v2 =	vld.idx.msk [tilespmem:v2+s14+$0x0], $0xffff  }
0x2db: {  	s22 =	sadd.s32 s11, s28;
	v22 =	vadd.s32 s15, v22;
	v5 =	vld.idx.msk [tilespmem:v5+s14+$0x0], $0xffff  }
0x2dc: {  	s25 =	sadd.s32 s11, s25;
	v21 =	vadd.s32 s22, v21;
	v7 =	vld.idx.msk [tilespmem:v7+s14+$0x0], $0xffff  }
0x2dd: {  	v19 =	vadd.s32 s25, v19;
	s26 =	sadd.s32 s11, s24;
	v16 =	vld.idx.msk [tilespmem:v16+s14+$0x0], $0xffff  }
0x2de: {  	s28 =	sadd.s32 s11, s23;
	v18 =	vadd.s32 s26, v18;
	v24 =	vld.idx.msk [tilespmem:v24+s14+$0x0], $0xffff  }
0x2df: {  	v17 =	vadd.s32 s28, v17;
	v48 =	vld.idx.msk [tilespmem:v23+s14+$0x0], $0xffff;
	v0 =	vadd.s32 v0, v2  }
0x2e0: {  	v49 =	vadd.s32 v28, v41;
	v22 =	vld.idx.msk [tilespmem:v22+s14+$0x0], $0xffff;
	v0 =	vadd.s32 v15, v0  }
0x2e1: {  	vm0 =	vlt.s32 v20, v49;
	v21 =	vld.idx.msk [tilespmem:v21+s14+$0x0], $0xffff;
	v5 =	vadd.s32 v5, v7;
	v0 =	vadd.s32 v6, v0  }
0x2e2: {  	v55 =	vsel vm0, v20, v49;
	v50 =	vld.idx.msk [tilespmem:v19+s14+$0x0], $0xffff;
	v51 =	vadd.s32 v16, v5;
	v0 =	vadd.s32 v4, v0  }
0x2e3: {  	v53 =	vld.idx.msk [tilespmem:v18+s14+$0x0], $0xffff;
	v15 =	vadd.s32 v34, v33;
	v54 =	vadd.s32 v24, v51;
	v0 =	vadd.s32 v3, v0  }
0x2e4: {  	v52 =	vadd.s32 v31, v15;
	v15 =	vld.idx.msk [tilespmem:v17+s14+$0x0], $0xffff;
	v57 =	vadd.s32 v48, v54;
	v0 =	vadd.s32 v1, v0  }
0x2e5: {  	v59 =	vadd.s32 v32, v52;
	v1 =	vadd.s32 v22, v57;
	v0 =	vadd.s32 v29, v0  }
0x2e6: {  	vm0 =	vlt.s32 v55, v59;
	v1 =	vadd.s32 v21, v1;
	v0 =	vadd.s32 v35, v0  }
0x2e7: {  	v2 =	vsel vm0, v55, v59;
	v1 =	vadd.s32 v50, v1;
	v0 =	vadd.s32 v30, v0  }
0x2e8: {  	v1 =	vadd.s32 v53, v1;
	vm0 =	vlt.s32 v2, v0  }
0x2e9: {  	v1 =	vadd.s32 v15, v1;
	v0 =	vsel vm0, v2, v0  }
0x2ea: {  	vm0 =	vlt.s32 v0, v1  }
0x2eb: {  	v0 =	vsel vm0, v0, v1  }
0x2ec: {  	v0 =	vxor.u32 $0x80000000, v0  }
0x2ed: {  	(xrf0) =	vmin.scan.msk.u32 $0xffff, v0;
	_ =	sdelay $0x5  }
0x2ee: {  	v0, _, _ =	vpop (xrf0)  }
0x2ef: {  	(v2sf) =	vpush v0, $0xF;
	_ =	sdelay $0x9  }
0x2f0: {  	v62 =	vld [tilespmem:$0x1FFF0];
	_ =	sdelay $0x1  }
0x2f1: {  	s30 =	sshll.u32 s18, $0x7;
	s18 =	sadd.s32 $0x1, s18  }
0x2f2: {  	p0 =	sne.s32 s18, $0x4  }
.Ltmp8:
0x2f3: {  	_ = 	snop;
	(pc) =	sbr.rel @p0 .LBB2_3-.Ltmp8, $4  }
0x2f4: {  	s29 =	spop (v2sf)  }
0x2f5: {  	s0 =	sxor.u32 $0x80000000, s29  }
0x2f6: {  	s31 =	sand.u32 $0x3FFFFF80, s30;
	v61 =	vmov s0  }
0x2f7: {  	s19 =	sadd.s32 $0x12C0, s19;
	s20 =	sadd.s32 $0x12C0, s20;
	s21 =	sadd.s32 $0x12C0, s21;
	[tilespmem:v62+s31+$0x0 ss:$0x1] =	vst.idx.msk $0xffff, v61  }
0x2f8: {  	s17 =	sadd.s32 $0x1, s17  }
0x2f9: {  	p0 =	sne.s32 s17, $0x8  }
.Ltmp9:
0x2fa: {  	_ = 	snop;
	(pc) =	sbr.rel @p0 .LBB2_2-.Ltmp9, $1  }
0x2fb: {  	_ =	sdelay $0x3  }
0x2fc: {  	s16 =	sadd.s32 $0x1, s16  }
0x2fd: {  	p0 =	sne.s32 s16, s9  }
.Ltmp10:
0x2fe: {  	s0 =	simm.s32 $0x1BA00;
	(pc) =	sbr.rel @p0 .LBB2_1-.Ltmp10, $4  }
0x2ff: {  	[hbm4b:s8+s3] =	stream.linear.scatter [tilespmem:s0], [sflag:$0x1], $0x200, $0x38;
	[tilespmem:$0x1BC00] =	vst v63  }
0x300: {  	_ =	swait.ge [sflag:s10], $0x200  }
0x301: {  	[sflag:s10] =	ssyncset.done $0x0  }
0x302: {  	[sflag:s10] =	ssyncadd.s32 $0xFFFFFE00  }
0x303: {  	_ =	sfence.sel $0x180000  }
0x304: {  	[bflag:$0x0] =	sbarrier.arrive $0xFFFF  }
0x305: {  	_ =	strace $0x90000047  }
0x306: {  	s0 =	stileid.u32;
	[bflag:$0x2] =	sbarrier.arrive $0xFFFF  }
0x307: {  	p0 =	sne.s32 s0, $0x0;
	s0 =	rddreg [dreg:$0x2]  }
0x308: {  	s0 =	sadd.s32 @!p0 $0x100000, s0  }
0x309: {  	[sflag:s0] =	ssyncadd.tile.s32 @!p0 $0x1;
	_ =	shalt  }
.Lfunc_end2:
_tile_overlayer_lowered:
.L_overlay_start_2:
0x30a: {  	(tag) =	ssettag $0x2  }
0x30b: {  	s0 =	rddreg [dreg:$0x0];
	s2 =	stileid.u32  }
0x30c: {  	s1 =	rddreg [dreg:$0x1];
	p0 =	sne.s32 s2, $0x0  }
0x30d: {  	s3 =	rddreg [dreg:$0x2];
	[bflag:$0x3] =	sbarrier.arrive $0xFFFF;
	s2 =	simm.s32 @!p0 $0x1C01  }
0x30e: {  	[timem:s3], [sflag:s2] =	dma.local @!p0 [hbm:s0], s1  }
0x30f: {  	s0 =	simm.s32 @!p0 $0x1  }
0x310: {  	_ =	swait.ge @!p0 [sflag:s0], s1  }
0x311: {  	s1 =	ssub.s32 @!p0 $0x0, s1;
	[sflag:s0] =	ssyncset.done @!p0 $0x0  }
0x312: {  	[sflag:s0] =	ssyncadd.s32 @!p0 s1  }
0x313: {  	[bflag:$0x3] =	sbarrier.arrive $0xFFFF  }
0x314: {  	_ =	shalt  }

</sc_bundles>
